<compile_context>
chip_gen: v7x
topology: tpu7x:2x2x1
jax: 0.10.2.dev20260603
libtpu: 0.0.44.dev20260713+nightly
codegen_flags: <defaults>
</compile_context>

<pallas_src>
import jax
import jax.numpy as jnp
from jax import lax
from jax.experimental import pallas as pl
from jax.experimental.pallas import tpu as pltpu
from jax.experimental.pallas import tpu_sc as plsc

N = 400000
G = 64
BINS = 4 * G * G * G
HALF = BINS // 2

NW = 32
CHUNK = 128
CPT = 98
CPT1 = 2 * CPT
NPAD = NW * CPT * CHUNK
ROWS = NPAD // 128
HSIZE = HALF + 2048
HSLICE = HSIZE // 16
R = 1024
RPAD = 1032
FIRE = 14


def _hash_body(pts_ref, out_ref, lohi_ref):
  v = pts_ref[...]
  shp = v.shape
  gf = jnp.float32(G)
  comp = lax.broadcasted_iota(jnp.int32, shp, 1) & 3
  m1 = comp == 1
  m2 = comp == 2
  m3 = comp == 3
  inf = jnp.float32(jnp.inf)
  xmin = jnp.min(jnp.where(m1, v, inf))
  xmax = jnp.max(jnp.where(m1, v, -inf))
  ymin = jnp.min(jnp.where(m2, v, inf))
  ymax = jnp.max(jnp.where(m2, v, -inf))
  zmin = jnp.min(jnp.where(m3, v, inf))
  zmax = jnp.max(jnp.where(m3, v, -inf))
  vx = (xmax - xmin) / gf
  vy = (ymax - ymin) / gf
  vz = (zmax - zmin) / gf
  minsel = jnp.where(m1, xmin, jnp.where(m2, ymin, jnp.where(m3, zmin, 0.0)))
  vssel = jnp.where(m1, vx, jnp.where(m2, vy, jnp.where(m3, vz, 1.0)))
  q = (v - minsel) / vssel
  cc = jnp.clip(jnp.floor(q).astype(jnp.int32), 0, G - 1)
  w = jnp.where(m1, jnp.float32(G * G), jnp.float32(1.0))
  w = jnp.where(m2, jnp.float32(G), w)
  w = jnp.where(comp == 0, jnp.float32(G * G * G), w)
  wc = cc.astype(jnp.float32) * w
  srow = lax.broadcasted_iota(jnp.int32, (512, 128), 0)
  scol = lax.broadcasted_iota(jnp.int32, (512, 128), 1)
  sel = (srow // 4 == scol).astype(jnp.float32)
  lin = jnp.dot(wc, sel, preferred_element_type=jnp.float32,
                precision=lax.Precision.HIGHEST).astype(jnp.int32)
  nr = N // 128
  pad = jnp.full((ROWS - nr, 128), BINS, jnp.int32)
  lin_full = jnp.concatenate([lin, pad], axis=0)
  out_ref[...] = lin_full.reshape(NW, CPT, CHUNK)
  lohi_ref[0:16] = jnp.where(
      lin_full < HALF, lin_full, HALF).reshape(16, CPT1, CHUNK)
  lohi_ref[16:32] = jnp.where(
      lin_full >= HALF, lin_full - HALF, HALF).reshape(16, CPT1, CHUNK)


def _hash_call(pts):
  return pl.pallas_call(
      _hash_body,
      out_shape=[
          jax.ShapeDtypeStruct((NW, CPT, CHUNK), jnp.int32),
          jax.ShapeDtypeStruct((NW, CPT1, CHUNK), jnp.int32),
      ],
  )(pts)


def _prefix_body(lo_ref, hi_ref, out_ref):
  p = jnp.concatenate(
      [(lo_ref[...] > 0.0), (hi_ref[...] > 0.0)], axis=0).astype(jnp.float32)
  row = lax.broadcasted_iota(jnp.int32, (R, R), 0)
  col = lax.broadcasted_iota(jnp.int32, (R, R), 1)
  u_strict = (row < col).astype(jnp.bfloat16)
  within = jnp.dot(p.astype(jnp.bfloat16), u_strict,
                   preferred_element_type=jnp.float32)
  rowsum = jnp.sum(p, axis=1, keepdims=True)
  l_strict = (col < row).astype(jnp.float32)
  before = jnp.dot(l_strict, rowsum, preferred_element_type=jnp.float32)
  out_ref[0:R] = (before + within).astype(jnp.int32)
  out_ref[R:RPAD] = jnp.zeros((RPAD - R, R), jnp.int32)


def _prefix_call(cnt_lo, cnt_hi):
  return pl.pallas_call(
      _prefix_body,
      out_shape=jax.ShapeDtypeStruct((RPAD, R), jnp.int32),
  )(cnt_lo, cnt_hi)


def _count_body(lin_ref, ones_ref, zeros_ref, out_ref, idx_v, ones_v, zbuf_v,
                hist, sem):
  c = lax.axis_index("c")
  s = lax.axis_index("s")

  pltpu.sync_copy(ones_ref, ones_v)
  pltpu.sync_copy(zeros_ref, zbuf_v)
  pltpu.sync_copy(zbuf_v, hist.at[pl.ds(s * HSLICE, HSLICE)])
  pltpu.sync_copy(lin_ref.at[c * 16 + s], idx_v)
  plsc.subcore_barrier()

  def scatter_group(g, carry):
    descs = []
    for j in range(2 * FIRE):
      ch = g * 2 * FIRE + j
      descs.append(
          pltpu.async_copy(ones_v, hist.at[idx_v.at[ch]], sem, add=True))
    for d in descs:
      d.wait()
    return carry

  lax.fori_loop(0, CPT1 // (2 * FIRE), scatter_group, 0)
  plsc.subcore_barrier()

  pltpu.sync_copy(hist.at[pl.ds(s * HSLICE, HSLICE)], zbuf_v)
  pltpu.sync_copy(zbuf_v, out_ref.at[pl.ds(c * HSIZE + s * HSLICE, HSLICE)])


def _count_call(lin_s, ones_c, zeros_c):
  mesh = plsc.VectorSubcoreMesh(core_axis_name="c", subcore_axis_name="s")
  return pl.kernel(
      _count_body,
      out_type=jax.ShapeDtypeStruct((2 * HSIZE,), jnp.float32),
      mesh=mesh,
      scratch_types=[
          pltpu.VMEM((CPT1, CHUNK), jnp.int32),
          pltpu.VMEM((CHUNK,), jnp.float32),
          pltpu.VMEM((HSLICE,), jnp.float32),
          pltpu.VMEM_SHARED((HSIZE,), jnp.float32),
          pltpu.SemaphoreType.DMA,
      ],
  )(lin_s, ones_c, zeros_c)


def _gather_body(lin_ref, rank_ref, out_ref, idx_v, res_v, sem):
  c = lax.axis_index("c")
  s = lax.axis_index("s")
  wid = c * 16 + s
  pltpu.sync_copy(lin_ref.at[wid], idx_v)

  def gather_group(g, carry):
    descs = []
    for j in range(FIRE):
      ch = g * FIRE + j
      descs.append(
          pltpu.async_copy(rank_ref.at[idx_v.at[ch]], res_v.at[ch], sem))
    for d in descs:
      d.wait()
    return carry

  lax.fori_loop(0, CPT // FIRE, gather_group, 0)
  pltpu.sync_copy(res_v, out_ref.at[wid])


def _gather_call(lin_t, ranks_flat):
  mesh = plsc.VectorSubcoreMesh(core_axis_name="c", subcore_axis_name="s")
  return pl.kernel(
      _gather_body,
      out_type=jax.ShapeDtypeStruct((NW, CPT, CHUNK), jnp.int32),
      mesh=mesh,
      scratch_types=[
          pltpu.VMEM((CPT, CHUNK), jnp.int32),
          pltpu.VMEM((CPT, CHUNK), jnp.int32),
          pltpu.SemaphoreType.DMA,
      ],
  )(lin_t, ranks_flat)


@jax.jit
def kernel(point_bxyz):
  pts = point_bxyz.reshape(N // 128, 512)
  lin_t, lohi = _hash_call(pts)
  ones_c = jnp.ones((CHUNK,), jnp.float32)
  zeros_c = jnp.zeros((HSLICE,), jnp.float32)
  counts = _count_call(lohi, ones_c, zeros_c)
  cnt_lo = counts[0:HALF].reshape(R // 2, R)
  cnt_hi = counts[HSIZE:HSIZE + HALF].reshape(R // 2, R)
  ranks = _prefix_call(cnt_lo, cnt_hi)
  ranks_flat = ranks.reshape(-1)
  gids = _gather_call(lin_t, ranks_flat)
  return gids.reshape(-1)[:N]

# --- scband reference (transcript-rebuilt; emitter-appended) ---
"""Pipeline reference for scband-cluster-grouper-67997922230541 (READ-ONLY COPY).

The authoritative reference and input builder live on the scoring server;
editing this copy changes nothing except your own understanding.
"""

import jax, jax.numpy as jnp
import numpy as np

N_POINTS = 400000
N_BATCH = 4
GRID = (64, 64, 64)


def setup_inputs(seed: int = 0) -> dict:
    key = jax.random.key(seed)
    k1, k2 = jax.random.split(key)
    batch_idx = jax.random.randint(k1, (N_POINTS,), 0, N_BATCH).astype(jnp.float32)
    xyz = jax.random.uniform(k2, (N_POINTS, 3), minval=-50.0, maxval=50.0, dtype=jnp.float32)
    point_bxyz = jnp.concatenate([batch_idx[:, None], xyz], axis=1)
    return {"point_bxyz": point_bxyz}


def reference(point_bxyz):
    # ClusterGrouper.forward: voxelize points into groups via PrimitiveFitting
    # (grid_size=GRID). Computes per-voxel center & covariance (segment reduce)
    # and returns dense group_ids per point.
    N = point_bxyz.shape[0]
    grid = jnp.array(GRID, dtype=jnp.int32)
    batch = point_bxyz[:, 0].astype(jnp.int64)
    xyz = point_bxyz[:, 1:4]

    pmin = jnp.min(xyz, axis=0)
    pmax = jnp.max(xyz, axis=0)
    vsize = (pmax - pmin) / grid.astype(jnp.float32)
    coords = jnp.floor((xyz - pmin) / vsize).astype(jnp.int32)
    coords = jnp.clip(coords, 0, grid - 1)

    # linear voxel hash including batch index
    lin = ((batch * grid[0] + coords[:, 0].astype(jnp.int64)) * grid[1]
           + coords[:, 1].astype(jnp.int64)) * grid[2] + coords[:, 2].astype(jnp.int64)

    # densify voxel hashes -> contiguous group ids
    _, inv = jnp.unique(lin, return_inverse=True, size=N, fill_value=-1)
    group_ids = inv.reshape(-1)

    # primitive fitting: per-group count, center, covariance via segment reduces
    cnt = jax.ops.segment_sum(jnp.ones((N,), jnp.float32), group_ids, num_segments=N)
    s = jax.ops.segment_sum(xyz, group_ids, num_segments=N)
    center = s / jnp.clip(cnt, 1.0)[:, None]
    diff = xyz - center[group_ids]
    outer = (diff[:, :, None] * diff[:, None, :]).reshape(N, 9)
    cov = jax.ops.segment_sum(outer, group_ids, num_segments=N) / jnp.clip(cnt, 1.0)[:, None]
    covariance = cov.reshape(N, 3, 3)  # computed per PrimitiveFitting, not returned
    del center, covariance
    return group_ids

if __name__ == "__main__":
    import jax
    _d = setup_inputs()
    print(jax.jit(kernel)(*tuple(_d.values())))

</pallas_src>

<mosaic_0001>
#map = affine_map<(d0, d1) -> (0, 0, 0)>
#map1 = affine_map<(d0, d1) -> (0)>
module attributes {stable_mosaic.version = 14 : i64} {
  func.func @_gather_body(%arg0: i32, %arg1: i32, %arg2: memref<32x98x128xi32, #tpu.memory_space<hbm>>, %arg3: memref<1056768xi32, #tpu.memory_space<hbm>>, %arg4: memref<32x98x128xi32, #tpu.memory_space<hbm>>, %arg5: memref<98x128xi32, #tpu.memory_space<vmem>>, %arg6: memref<98x128xi32, #tpu.memory_space<vmem>>, %arg7: memref<!tpu.dma_semaphore, #tpu.memory_space<semaphore_mem>>) attributes {dimension_semantics = [#tpu.dimension_semantics<core_parallel>, #tpu.dimension_semantics<subcore_parallel>], iteration_bounds = array<i64: 2, 16>, scalar_prefetch = 0 : i64, scratch_operands = 3 : i64, tpu.core_type = #tpu.core_type<sc_vector_subcore>, window_params = [{transform_indices = #map}, {transform_indices = #map1}, {transform_indices = #map}]} {
    %mul3A = arith.constant 16 : i32
    %mul3A_0 = arith.muli %arg0, %mul3A : i32
    %add3A = arith.addi %mul3A_0, %arg1 : i32
    "tpu.region"() ({
      %run_scoped3A = tpu.sem_alloc : memref<!tpu.dma_semaphore, #tpu.memory_space<semaphore_mem>>
      %dma_start3A = arith.constant 0 : i32
      %dma_start3A_6 = arith.constant 0 : i32
      %dma_start3A_7 = tpu.memref_slice %arg2[%add3A, %dma_start3A, %dma_start3A_6] : memref<32x98x128xi32, #tpu.memory_space<hbm>> -> memref<1x98x128xi32, #tpu.memory_space<hbm>>
      %dma_start3A_8 = tpu.memref_squeeze %dma_start3A_7 : memref<1x98x128xi32, #tpu.memory_space<hbm>> -> memref<98x128xi32, #tpu.memory_space<hbm>>
      %dma_start3A_9 = arith.constant 0 : i32
      %dma_start3A_10 = arith.constant 0 : i32
      %dma_start3A_11 = tpu.memref_slice %arg2[%add3A, %dma_start3A_9, %dma_start3A_10] : memref<32x98x128xi32, #tpu.memory_space<hbm>> -> memref<1x98x128xi32, #tpu.memory_space<hbm>>
      %dma_start3A_12 = tpu.memref_squeeze %dma_start3A_11 : memref<1x98x128xi32, #tpu.memory_space<hbm>> -> memref<98x128xi32, #tpu.memory_space<hbm>>
      tpu.enqueue_dma source(%dma_start3A_12 : memref<98x128xi32, #tpu.memory_space<hbm>>) target(%arg5 : memref<98x128xi32, #tpu.memory_space<vmem>>) target_semaphore(%run_scoped3A : memref<!tpu.dma_semaphore, #tpu.memory_space<semaphore_mem>>)
      %dma_wait3A = arith.constant 0 : i32
      %dma_wait3A_13 = arith.constant 0 : i32
      %dma_wait3A_14 = tpu.memref_slice %arg2[%add3A, %dma_wait3A, %dma_wait3A_13] : memref<32x98x128xi32, #tpu.memory_space<hbm>> -> memref<1x98x128xi32, #tpu.memory_space<hbm>>
      %dma_wait3A_15 = tpu.memref_squeeze %dma_wait3A_14 : memref<1x98x128xi32, #tpu.memory_space<hbm>> -> memref<98x128xi32, #tpu.memory_space<hbm>>
      %dma_wait3A_16 = arith.constant 0 : i32
      %dma_wait3A_17 = arith.constant 0 : i32
      %dma_wait3A_18 = tpu.memref_slice %arg2[%add3A, %dma_wait3A_16, %dma_wait3A_17] : memref<32x98x128xi32, #tpu.memory_space<hbm>> -> memref<1x98x128xi32, #tpu.memory_space<hbm>>
      %dma_wait3A_19 = tpu.memref_squeeze %dma_wait3A_18 : memref<1x98x128xi32, #tpu.memory_space<hbm>> -> memref<98x128xi32, #tpu.memory_space<hbm>>
      tpu.wait_dma2 semaphore(%run_scoped3A : memref<!tpu.dma_semaphore, #tpu.memory_space<semaphore_mem>>) src(%dma_wait3A_19 : memref<98x128xi32, #tpu.memory_space<hbm>>) dst(%arg5 : memref<98x128xi32, #tpu.memory_space<vmem>>)
      tpu.yield
    }) : () -> ()
    %scan3A = arith.constant 0 : i32
    %scan3A_1 = arith.constant 0 : i32
    %scan3A_2 = arith.constant 7 : i32
    %scan3A_3 = arith.addi %scan3A_1, %scan3A_2 : i32
    %scan3A_4 = arith.constant 1 : i32
    scf.for %scan3A_6 = %scan3A_1 to %scan3A_3 step %scan3A_4  : i32 {
      %mul3A_7 = arith.constant 14 : i32
      %mul3A_8 = arith.muli %scan3A_6, %mul3A_7 : i32
      %add3A_9 = arith.constant 0 : i32
      %add3A_10 = arith.addi %mul3A_8, %add3A_9 : i32
      %dma_start3A = arith.constant 0 : i32
      %dma_start3A_11 = tpu.memref_slice %arg6[%add3A_10, %dma_start3A] : memref<98x128xi32, #tpu.memory_space<vmem>> -> memref<1x128xi32, #tpu.memory_space<vmem>>
      %dma_start3A_12 = tpu.memref_squeeze %dma_start3A_11 : memref<1x128xi32, #tpu.memory_space<vmem>> -> memref<128xi32, #tpu.memory_space<vmem>>
      %dma_start3A_13 = arith.constant 0 : i32
      %dma_start3A_14 = tpu.memref_slice %arg5[%add3A_10, %dma_start3A_13] : memref<98x128xi32, #tpu.memory_space<vmem>> -> memref<1x128xi32, #tpu.memory_space<vmem>>
      %dma_start3A_15 = tpu.memref_squeeze %dma_start3A_14 : memref<1x128xi32, #tpu.memory_space<vmem>> -> memref<128xi32, #tpu.memory_space<vmem>>
      %dma_start3A_16 = arith.constant 0 : i32
      %dma_start3A_17 = tpu.memref_slice %arg3[%dma_start3A_16] : memref<1056768xi32, #tpu.memory_space<hbm>> -> memref<1056768xi32, #tpu.memory_space<hbm>>
      tpu.enqueue_indirect_dma source(%dma_start3A_17 : memref<1056768xi32, #tpu.memory_space<hbm>>) target(%dma_start3A_12 : memref<128xi32, #tpu.memory_space<vmem>>) offsets(%dma_start3A_15 : memref<128xi32, #tpu.memory_space<vmem>>) semaphore(%arg7 : memref<!tpu.dma_semaphore, #tpu.memory_space<semaphore_mem>>)
      %mul3A_18 = arith.constant 14 : i32
      %mul3A_19 = arith.muli %scan3A_6, %mul3A_18 : i32
      %add3A_20 = arith.constant 1 : i32
      %add3A_21 = arith.addi %mul3A_19, %add3A_20 : i32
      %dma_start3A_22 = arith.constant 0 : i32
      %dma_start3A_23 = tpu.memref_slice %arg6[%add3A_21, %dma_start3A_22] : memref<98x128xi32, #tpu.memory_space<vmem>> -> memref<1x128xi32, #tpu.memory_space<vmem>>
      %dma_start3A_24 = tpu.memref_squeeze %dma_start3A_23 : memref<1x128xi32, #tpu.memory_space<vmem>> -> memref<128xi32, #tpu.memory_space<vmem>>
      %dma_start3A_25 = arith.constant 0 : i32
      %dma_start3A_26 = tpu.memref_slice %arg5[%add3A_21, %dma_start3A_25] : memref<98x128xi32, #tpu.memory_space<vmem>> -> memref<1x128xi32, #tpu.memory_space<vmem>>
      %dma_start3A_27 = tpu.memref_squeeze %dma_start3A_26 : memref<1x128xi32, #tpu.memory_space<vmem>> -> memref<128xi32, #tpu.memory_space<vmem>>
      %dma_start3A_28 = arith.constant 0 : i32
      %dma_start3A_29 = tpu.memref_slice %arg3[%dma_start3A_28] : memref<1056768xi32, #tpu.memory_space<hbm>> -> memref<1056768xi32, #tpu.memory_space<hbm>>
      tpu.enqueue_indirect_dma source(%dma_start3A_29 : memref<1056768xi32, #tpu.memory_space<hbm>>) target(%dma_start3A_24 : memref<128xi32, #tpu.memory_space<vmem>>) offsets(%dma_start3A_27 : memref<128xi32, #tpu.memory_space<vmem>>) semaphore(%arg7 : memref<!tpu.dma_semaphore, #tpu.memory_space<semaphore_mem>>)
      %mul3A_30 = arith.constant 14 : i32
      %mul3A_31 = arith.muli %scan3A_6, %mul3A_30 : i32
      %add3A_32 = arith.constant 2 : i32
      %add3A_33 = arith.addi %mul3A_31, %add3A_32 : i32
      %dma_start3A_34 = arith.constant 0 : i32
      %dma_start3A_35 = tpu.memref_slice %arg6[%add3A_33, %dma_start3A_34] : memref<98x128xi32, #tpu.memory_space<vmem>> -> memref<1x128xi32, #tpu.memory_space<vmem>>
      %dma_start3A_36 = tpu.memref_squeeze %dma_start3A_35 : memref<1x128xi32, #tpu.memory_space<vmem>> -> memref<128xi32, #tpu.memory_space<vmem>>
      %dma_start3A_37 = arith.constant 0 : i32
      %dma_start3A_38 = tpu.memref_slice %arg5[%add3A_33, %dma_start3A_37] : memref<98x128xi32, #tpu.memory_space<vmem>> -> memref<1x128xi32, #tpu.memory_space<vmem>>
      %dma_start3A_39 = tpu.memref_squeeze %dma_start3A_38 : memref<1x128xi32, #tpu.memory_space<vmem>> -> memref<128xi32, #tpu.memory_space<vmem>>
      %dma_start3A_40 = arith.constant 0 : i32
      %dma_start3A_41 = tpu.memref_slice %arg3[%dma_start3A_40] : memref<1056768xi32, #tpu.memory_space<hbm>> -> memref<1056768xi32, #tpu.memory_space<hbm>>
      tpu.enqueue_indirect_dma source(%dma_start3A_41 : memref<1056768xi32, #tpu.memory_space<hbm>>) target(%dma_start3A_36 : memref<128xi32, #tpu.memory_space<vmem>>) offsets(%dma_start3A_39 : memref<128xi32, #tpu.memory_space<vmem>>) semaphore(%arg7 : memref<!tpu.dma_semaphore, #tpu.memory_space<semaphore_mem>>)
      %mul3A_42 = arith.constant 14 : i32
      %mul3A_43 = arith.muli %scan3A_6, %mul3A_42 : i32
      %add3A_44 = arith.constant 3 : i32
      %add3A_45 = arith.addi %mul3A_43, %add3A_44 : i32
      %dma_start3A_46 = arith.constant 0 : i32
      %dma_start3A_47 = tpu.memref_slice %arg6[%add3A_45, %dma_start3A_46] : memref<98x128xi32, #tpu.memory_space<vmem>> -> memref<1x128xi32, #tpu.memory_space<vmem>>
      %dma_start3A_48 = tpu.memref_squeeze %dma_start3A_47 : memref<1x128xi32, #tpu.memory_space<vmem>> -> memref<128xi32, #tpu.memory_space<vmem>>
      %dma_start3A_49 = arith.constant 0 : i32
      %dma_start3A_50 = tpu.memref_slice %arg5[%add3A_45, %dma_start3A_49] : memref<98x128xi32, #tpu.memory_space<vmem>> -> memref<1x128xi32, #tpu.memory_space<vmem>>
      %dma_start3A_51 = tpu.memref_squeeze %dma_start3A_50 : memref<1x128xi32, #tpu.memory_space<vmem>> -> memref<128xi32, #tpu.memory_space<vmem>>
      %dma_start3A_52 = arith.constant 0 : i32
      %dma_start3A_53 = tpu.memref_slice %arg3[%dma_start3A_52] : memref<1056768xi32, #tpu.memory_space<hbm>> -> memref<1056768xi32, #tpu.memory_space<hbm>>
      tpu.enqueue_indirect_dma source(%dma_start3A_53 : memref<1056768xi32, #tpu.memory_space<hbm>>) target(%dma_start3A_48 : memref<128xi32, #tpu.memory_space<vmem>>) offsets(%dma_start3A_51 : memref<128xi32, #tpu.memory_space<vmem>>) semaphore(%arg7 : memref<!tpu.dma_semaphore, #tpu.memory_space<semaphore_mem>>)
      %mul3A_54 = arith.constant 14 : i32
      %mul3A_55 = arith.muli %scan3A_6, %mul3A_54 : i32
      %add3A_56 = arith.constant 4 : i32
      %add3A_57 = arith.addi %mul3A_55, %add3A_56 : i32
      %dma_start3A_58 = arith.constant 0 : i32
      %dma_start3A_59 = tpu.memref_slice %arg6[%add3A_57, %dma_start3A_58] : memref<98x128xi32, #tpu.memory_space<vmem>> -> memref<1x128xi32, #tpu.memory_space<vmem>>
      %dma_start3A_60 = tpu.memref_squeeze %dma_start3A_59 : memref<1x128xi32, #tpu.memory_space<vmem>> -> memref<128xi32, #tpu.memory_space<vmem>>
      %dma_start3A_61 = arith.constant 0 : i32
      %dma_start3A_62 = tpu.memref_slice %arg5[%add3A_57, %dma_start3A_61] : memref<98x128xi32, #tpu.memory_space<vmem>> -> memref<1x128xi32, #tpu.memory_space<vmem>>
      %dma_start3A_63 = tpu.memref_squeeze %dma_start3A_62 : memref<1x128xi32, #tpu.memory_space<vmem>> -> memref<128xi32, #tpu.memory_space<vmem>>
      %dma_start3A_64 = arith.constant 0 : i32
      %dma_start3A_65 = tpu.memref_slice %arg3[%dma_start3A_64] : memref<1056768xi32, #tpu.memory_space<hbm>> -> memref<1056768xi32, #tpu.memory_space<hbm>>
      tpu.enqueue_indirect_dma source(%dma_start3A_65 : memref<1056768xi32, #tpu.memory_space<hbm>>) target(%dma_start3A_60 : memref<128xi32, #tpu.memory_space<vmem>>) offsets(%dma_start3A_63 : memref<128xi32, #tpu.memory_space<vmem>>) semaphore(%arg7 : memref<!tpu.dma_semaphore, #tpu.memory_space<semaphore_mem>>)
      %mul3A_66 = arith.constant 14 : i32
      %mul3A_67 = arith.muli %scan3A_6, %mul3A_66 : i32
      %add3A_68 = arith.constant 5 : i32
      %add3A_69 = arith.addi %mul3A_67, %add3A_68 : i32
      %dma_start3A_70 = arith.constant 0 : i32
      %dma_start3A_71 = tpu.memref_slice %arg6[%add3A_69, %dma_start3A_70] : memref<98x128xi32, #tpu.memory_space<vmem>> -> memref<1x128xi32, #tpu.memory_space<vmem>>
      %dma_start3A_72 = tpu.memref_squeeze %dma_start3A_71 : memref<1x128xi32, #tpu.memory_space<vmem>> -> memref<128xi32, #tpu.memory_space<vmem>>
      %dma_start3A_73 = arith.constant 0 : i32
      %dma_start3A_74 = tpu.memref_slice %arg5[%add3A_69, %dma_start3A_73] : memref<98x128xi32, #tpu.memory_space<vmem>> -> memref<1x128xi32, #tpu.memory_space<vmem>>
      %dma_start3A_75 = tpu.memref_squeeze %dma_start3A_74 : memref<1x128xi32, #tpu.memory_space<vmem>> -> memref<128xi32, #tpu.memory_space<vmem>>
      %dma_start3A_76 = arith.constant 0 : i32
      %dma_start3A_77 = tpu.memref_slice %arg3[%dma_start3A_76] : memref<1056768xi32, #tpu.memory_space<hbm>> -> memref<1056768xi32, #tpu.memory_space<hbm>>
      tpu.enqueue_indirect_dma source(%dma_start3A_77 : memref<1056768xi32, #tpu.memory_space<hbm>>) target(%dma_start3A_72 : memref<128xi32, #tpu.memory_space<vmem>>) offsets(%dma_start3A_75 : memref<128xi32, #tpu.memory_space<vmem>>) semaphore(%arg7 : memref<!tpu.dma_semaphore, #tpu.memory_space<semaphore_mem>>)
      %mul3A_78 = arith.constant 14 : i32
      %mul3A_79 = arith.muli %scan3A_6, %mul3A_78 : i32
      %add3A_80 = arith.constant 6 : i32
      %add3A_81 = arith.addi %mul3A_79, %add3A_80 : i32
      %dma_start3A_82 = arith.constant 0 : i32
      %dma_start3A_83 = tpu.memref_slice %arg6[%add3A_81, %dma_start3A_82] : memref<98x128xi32, #tpu.memory_space<vmem>> -> memref<1x128xi32, #tpu.memory_space<vmem>>
      %dma_start3A_84 = tpu.memref_squeeze %dma_start3A_83 : memref<1x128xi32, #tpu.memory_space<vmem>> -> memref<128xi32, #tpu.memory_space<vmem>>
      %dma_start3A_85 = arith.constant 0 : i32
      %dma_start3A_86 = tpu.memref_slice %arg5[%add3A_81, %dma_start3A_85] : memref<98x128xi32, #tpu.memory_space<vmem>> -> memref<1x128xi32, #tpu.memory_space<vmem>>
      %dma_start3A_87 = tpu.memref_squeeze %dma_start3A_86 : memref<1x128xi32, #tpu.memory_space<vmem>> -> memref<128xi32, #tpu.memory_space<vmem>>
      %dma_start3A_88 = arith.constant 0 : i32
      %dma_start3A_89 = tpu.memref_slice %arg3[%dma_start3A_88] : memref<1056768xi32, #tpu.memory_space<hbm>> -> memref<1056768xi32, #tpu.memory_space<hbm>>
      tpu.enqueue_indirect_dma source(%dma_start3A_89 : memref<1056768xi32, #tpu.memory_space<hbm>>) target(%dma_start3A_84 : memref<128xi32, #tpu.memory_space<vmem>>) offsets(%dma_start3A_87 : memref<128xi32, #tpu.memory_space<vmem>>) semaphore(%arg7 : memref<!tpu.dma_semaphore, #tpu.memory_space<semaphore_mem>>)
      %mul3A_90 = arith.constant 14 : i32
      %mul3A_91 = arith.muli %scan3A_6, %mul3A_90 : i32
      %add3A_92 = arith.constant 7 : i32
      %add3A_93 = arith.addi %mul3A_91, %add3A_92 : i32
      %dma_start3A_94 = arith.constant 0 : i32
      %dma_start3A_95 = tpu.memref_slice %arg6[%add3A_93, %dma_start3A_94] : memref<98x128xi32, #tpu.memory_space<vmem>> -> memref<1x128xi32, #tpu.memory_space<vmem>>
      %dma_start3A_96 = tpu.memref_squeeze %dma_start3A_95 : memref<1x128xi32, #tpu.memory_space<vmem>> -> memref<128xi32, #tpu.memory_space<vmem>>
      %dma_start3A_97 = arith.constant 0 : i32
      %dma_start3A_98 = tpu.memref_slice %arg5[%add3A_93, %dma_start3A_97] : memref<98x128xi32, #tpu.memory_space<vmem>> -> memref<1x128xi32, #tpu.memory_space<vmem>>
      %dma_start3A_99 = tpu.memref_squeeze %dma_start3A_98 : memref<1x128xi32, #tpu.memory_space<vmem>> -> memref<128xi32, #tpu.memory_space<vmem>>
      %dma_start3A_100 = arith.constant 0 : i32
      %dma_start3A_101 = tpu.memref_slice %arg3[%dma_start3A_100] : memref<1056768xi32, #tpu.memory_space<hbm>> -> memref<1056768xi32, #tpu.memory_space<hbm>>
      tpu.enqueue_indirect_dma source(%dma_start3A_101 : memref<1056768xi32, #tpu.memory_space<hbm>>) target(%dma_start3A_96 : memref<128xi32, #tpu.memory_space<vmem>>) offsets(%dma_start3A_99 : memref<128xi32, #tpu.memory_space<vmem>>) semaphore(%arg7 : memref<!tpu.dma_semaphore, #tpu.memory_space<semaphore_mem>>)
      %mul3A_102 = arith.constant 14 : i32
      %mul3A_103 = arith.muli %scan3A_6, %mul3A_102 : i32
      %add3A_104 = arith.constant 8 : i32
      %add3A_105 = arith.addi %mul3A_103, %add3A_104 : i32
      %dma_start3A_106 = arith.constant 0 : i32
      %dma_start3A_107 = tpu.memref_slice %arg6[%add3A_105, %dma_start3A_106] : memref<98x128xi32, #tpu.memory_space<vmem>> -> memref<1x128xi32, #tpu.memory_space<vmem>>
      %dma_start3A_108 = tpu.memref_squeeze %dma_start3A_107 : memref<1x128xi32, #tpu.memory_space<vmem>> -> memref<128xi32, #tpu.memory_space<vmem>>
      %dma_start3A_109 = arith.constant 0 : i32
      %dma_start3A_110 = tpu.memref_slice %arg5[%add3A_105, %dma_start3A_109] : memref<98x128xi32, #tpu.memory_space<vmem>> -> memref<1x128xi32, #tpu.memory_space<vmem>>
      %dma_start3A_111 = tpu.memref_squeeze %dma_start3A_110 : memref<1x128xi32, #tpu.memory_space<vmem>> -> memref<128xi32, #tpu.memory_space<vmem>>
      %dma_start3A_112 = arith.constant 0 : i32
      %dma_start3A_113 = tpu.memref_slice %arg3[%dma_start3A_112] : memref<1056768xi32, #tpu.memory_space<hbm>> -> memref<1056768xi32, #tpu.memory_space<hbm>>
      tpu.enqueue_indirect_dma source(%dma_start3A_113 : memref<1056768xi32, #tpu.memory_space<hbm>>) target(%dma_start3A_108 : memref<128xi32, #tpu.memory_space<vmem>>) offsets(%dma_start3A_111 : memref<128xi32, #tpu.memory_space<vmem>>) semaphore(%arg7 : memref<!tpu.dma_semaphore, #tpu.memory_space<semaphore_mem>>)
      %mul3A_114 = arith.constant 14 : i32
      %mul3A_115 = arith.muli %scan3A_6, %mul3A_114 : i32
      %add3A_116 = arith.constant 9 : i32
      %add3A_117 = arith.addi %mul3A_115, %add3A_116 : i32
      %dma_start3A_118 = arith.constant 0 : i32
      %dma_start3A_119 = tpu.memref_slice %arg6[%add3A_117, %dma_start3A_118] : memref<98x128xi32, #tpu.memory_space<vmem>> -> memref<1x128xi32, #tpu.memory_space<vmem>>
      %dma_start3A_120 = tpu.memref_squeeze %dma_start3A_119 : memref<1x128xi32, #tpu.memory_space<vmem>> -> memref<128xi32, #tpu.memory_space<vmem>>
      %dma_start3A_121 = arith.constant 0 : i32
      %dma_start3A_122 = tpu.memref_slice %arg5[%add3A_117, %dma_start3A_121] : memref<98x128xi32, #tpu.memory_space<vmem>> -> memref<1x128xi32, #tpu.memory_space<vmem>>
      %dma_start3A_123 = tpu.memref_squeeze %dma_start3A_122 : memref<1x128xi32, #tpu.memory_space<vmem>> -> memref<128xi32, #tpu.memory_space<vmem>>
      %dma_start3A_124 = arith.constant 0 : i32
      %dma_start3A_125 = tpu.memref_slice %arg3[%dma_start3A_124] : memref<1056768xi32, #tpu.memory_space<hbm>> -> memref<1056768xi32, #tpu.memory_space<hbm>>
      tpu.enqueue_indirect_dma source(%dma_start3A_125 : memref<1056768xi32, #tpu.memory_space<hbm>>) target(%dma_start3A_120 : memref<128xi32, #tpu.memory_space<vmem>>) offsets(%dma_start3A_123 : memref<128xi32, #tpu.memory_space<vmem>>) semaphore(%arg7 : memref<!tpu.dma_semaphore, #tpu.memory_space<semaphore_mem>>)
      %mul3A_126 = arith.constant 14 : i32
      %mul3A_127 = arith.muli %scan3A_6, %mul3A_126 : i32
      %add3A_128 = arith.constant 10 : i32
      %add3A_129 = arith.addi %mul3A_127, %add3A_128 : i32
      %dma_start3A_130 = arith.constant 0 : i32
      %dma_start3A_131 = tpu.memref_slice %arg6[%add3A_129, %dma_start3A_130] : memref<98x128xi32, #tpu.memory_space<vmem>> -> memref<1x128xi32, #tpu.memory_space<vmem>>
      %dma_start3A_132 = tpu.memref_squeeze %dma_start3A_131 : memref<1x128xi32, #tpu.memory_space<vmem>> -> memref<128xi32, #tpu.memory_space<vmem>>
      %dma_start3A_133 = arith.constant 0 : i32
      %dma_start3A_134 = tpu.memref_slice %arg5[%add3A_129, %dma_start3A_133] : memref<98x128xi32, #tpu.memory_space<vmem>> -> memref<1x128xi32, #tpu.memory_space<vmem>>
      %dma_start3A_135 = tpu.memref_squeeze %dma_start3A_134 : memref<1x128xi32, #tpu.memory_space<vmem>> -> memref<128xi32, #tpu.memory_space<vmem>>
      %dma_start3A_136 = arith.constant 0 : i32
      %dma_start3A_137 = tpu.memref_slice %arg3[%dma_start3A_136] : memref<1056768xi32, #tpu.memory_space<hbm>> -> memref<1056768xi32, #tpu.memory_space<hbm>>
      tpu.enqueue_indirect_dma source(%dma_start3A_137 : memref<1056768xi32, #tpu.memory_space<hbm>>) target(%dma_start3A_132 : memref<128xi32, #tpu.memory_space<vmem>>) offsets(%dma_start3A_135 : memref<128xi32, #tpu.memory_space<vmem>>) semaphore(%arg7 : memref<!tpu.dma_semaphore, #tpu.memory_space<semaphore_mem>>)
      %mul3A_138 = arith.constant 14 : i32
      %mul3A_139 = arith.muli %scan3A_6, %mul3A_138 : i32
      %add3A_140 = arith.constant 11 : i32
      %add3A_141 = arith.addi %mul3A_139, %add3A_140 : i32
      %dma_start3A_142 = arith.constant 0 : i32
      %dma_start3A_143 = tpu.memref_slice %arg6[%add3A_141, %dma_start3A_142] : memref<98x128xi32, #tpu.memory_space<vmem>> -> memref<1x128xi32, #tpu.memory_space<vmem>>
      %dma_start3A_144 = tpu.memref_squeeze %dma_start3A_143 : memref<1x128xi32, #tpu.memory_space<vmem>> -> memref<128xi32, #tpu.memory_space<vmem>>
      %dma_start3A_145 = arith.constant 0 : i32
      %dma_start3A_146 = tpu.memref_slice %arg5[%add3A_141, %dma_start3A_145] : memref<98x128xi32, #tpu.memory_space<vmem>> -> memref<1x128xi32, #tpu.memory_space<vmem>>
      %dma_start3A_147 = tpu.memref_squeeze %dma_start3A_146 : memref<1x128xi32, #tpu.memory_space<vmem>> -> memref<128xi32, #tpu.memory_space<vmem>>
      %dma_start3A_148 = arith.constant 0 : i32
      %dma_start3A_149 = tpu.memref_slice %arg3[%dma_start3A_148] : memref<1056768xi32, #tpu.memory_space<hbm>> -> memref<1056768xi32, #tpu.memory_space<hbm>>
      tpu.enqueue_indirect_dma source(%dma_start3A_149 : memref<1056768xi32, #tpu.memory_space<hbm>>) target(%dma_start3A_144 : memref<128xi32, #tpu.memory_space<vmem>>) offsets(%dma_start3A_147 : memref<128xi32, #tpu.memory_space<vmem>>) semaphore(%arg7 : memref<!tpu.dma_semaphore, #tpu.memory_space<semaphore_mem>>)
      %mul3A_150 = arith.constant 14 : i32
      %mul3A_151 = arith.muli %scan3A_6, %mul3A_150 : i32
      %add3A_152 = arith.constant 12 : i32
      %add3A_153 = arith.addi %mul3A_151, %add3A_152 : i32
      %dma_start3A_154 = arith.constant 0 : i32
      %dma_start3A_155 = tpu.memref_slice %arg6[%add3A_153, %dma_start3A_154] : memref<98x128xi32, #tpu.memory_space<vmem>> -> memref<1x128xi32, #tpu.memory_space<vmem>>
      %dma_start3A_156 = tpu.memref_squeeze %dma_start3A_155 : memref<1x128xi32, #tpu.memory_space<vmem>> -> memref<128xi32, #tpu.memory_space<vmem>>
      %dma_start3A_157 = arith.constant 0 : i32
      %dma_start3A_158 = tpu.memref_slice %arg5[%add3A_153, %dma_start3A_157] : memref<98x128xi32, #tpu.memory_space<vmem>> -> memref<1x128xi32, #tpu.memory_space<vmem>>
      %dma_start3A_159 = tpu.memref_squeeze %dma_start3A_158 : memref<1x128xi32, #tpu.memory_space<vmem>> -> memref<128xi32, #tpu.memory_space<vmem>>
      %dma_start3A_160 = arith.constant 0 : i32
      %dma_start3A_161 = tpu.memref_slice %arg3[%dma_start3A_160] : memref<1056768xi32, #tpu.memory_space<hbm>> -> memref<1056768xi32, #tpu.memory_space<hbm>>
      tpu.enqueue_indirect_dma source(%dma_start3A_161 : memref<1056768xi32, #tpu.memory_space<hbm>>) target(%dma_start3A_156 : memref<128xi32, #tpu.memory_space<vmem>>) offsets(%dma_start3A_159 : memref<128xi32, #tpu.memory_space<vmem>>) semaphore(%arg7 : memref<!tpu.dma_semaphore, #tpu.memory_space<semaphore_mem>>)
      %mul3A_162 = arith.constant 14 : i32
      %mul3A_163 = arith.muli %scan3A_6, %mul3A_162 : i32
      %add3A_164 = arith.constant 13 : i32
      %add3A_165 = arith.addi %mul3A_163, %add3A_164 : i32
      %dma_start3A_166 = arith.constant 0 : i32
      %dma_start3A_167 = tpu.memref_slice %arg6[%add3A_165, %dma_start3A_166] : memref<98x128xi32, #tpu.memory_space<vmem>> -> memref<1x128xi32, #tpu.memory_space<vmem>>
      %dma_start3A_168 = tpu.memref_squeeze %dma_start3A_167 : memref<1x128xi32, #tpu.memory_space<vmem>> -> memref<128xi32, #tpu.memory_space<vmem>>
      %dma_start3A_169 = arith.constant 0 : i32
      %dma_start3A_170 = tpu.memref_slice %arg5[%add3A_165, %dma_start3A_169] : memref<98x128xi32, #tpu.memory_space<vmem>> -> memref<1x128xi32, #tpu.memory_space<vmem>>
      %dma_start3A_171 = tpu.memref_squeeze %dma_start3A_170 : memref<1x128xi32, #tpu.memory_space<vmem>> -> memref<128xi32, #tpu.memory_space<vmem>>
      %dma_start3A_172 = arith.constant 0 : i32
      %dma_start3A_173 = tpu.memref_slice %arg3[%dma_start3A_172] : memref<1056768xi32, #tpu.memory_space<hbm>> -> memref<1056768xi32, #tpu.memory_space<hbm>>
      tpu.enqueue_indirect_dma source(%dma_start3A_173 : memref<1056768xi32, #tpu.memory_space<hbm>>) target(%dma_start3A_168 : memref<128xi32, #tpu.memory_space<vmem>>) offsets(%dma_start3A_171 : memref<128xi32, #tpu.memory_space<vmem>>) semaphore(%arg7 : memref<!tpu.dma_semaphore, #tpu.memory_space<semaphore_mem>>)
      %dma_wait3A = arith.constant 0 : i32
      %dma_wait3A_174 = tpu.memref_slice %arg6[%add3A_10, %dma_wait3A] : memref<98x128xi32, #tpu.memory_space<vmem>> -> memref<1x128xi32, #tpu.memory_space<vmem>>
      %dma_wait3A_175 = tpu.memref_squeeze %dma_wait3A_174 : memref<1x128xi32, #tpu.memory_space<vmem>> -> memref<128xi32, #tpu.memory_space<vmem>>
      %dma_wait3A_176 = arith.constant 0 : i32
      %dma_wait3A_177 = tpu.memref_slice %arg5[%add3A_10, %dma_wait3A_176] : memref<98x128xi32, #tpu.memory_space<vmem>> -> memref<1x128xi32, #tpu.memory_space<vmem>>
      %dma_wait3A_178 = tpu.memref_squeeze %dma_wait3A_177 : memref<1x128xi32, #tpu.memory_space<vmem>> -> memref<128xi32, #tpu.memory_space<vmem>>
      %dma_wait3A_179 = arith.constant 0 : i32
      %dma_wait3A_180 = tpu.memref_slice %arg3[%dma_wait3A_179] : memref<1056768xi32, #tpu.memory_space<hbm>> -> memref<1056768xi32, #tpu.memory_space<hbm>>
      tpu.wait_indirect_dma semaphore(%arg7 : memref<!tpu.dma_semaphore, #tpu.memory_space<semaphore_mem>>) src(%dma_wait3A_180 : memref<1056768xi32, #tpu.memory_space<hbm>>) dst(%dma_wait3A_175 : memref<128xi32, #tpu.memory_space<vmem>>)
      %dma_wait3A_181 = arith.constant 0 : i32
      %dma_wait3A_182 = tpu.memref_slice %arg6[%add3A_21, %dma_wait3A_181] : memref<98x128xi32, #tpu.memory_space<vmem>> -> memref<1x128xi32, #tpu.memory_space<vmem>>
      %dma_wait3A_183 = tpu.memref_squeeze %dma_wait3A_182 : memref<1x128xi32, #tpu.memory_space<vmem>> -> memref<128xi32, #tpu.memory_space<vmem>>
      %dma_wait3A_184 = arith.constant 0 : i32
      %dma_wait3A_185 = tpu.memref_slice %arg5[%add3A_21, %dma_wait3A_184] : memref<98x128xi32, #tpu.memory_space<vmem>> -> memref<1x128xi32, #tpu.memory_space<vmem>>
      %dma_wait3A_186 = tpu.memref_squeeze %dma_wait3A_185 : memref<1x128xi32, #tpu.memory_space<vmem>> -> memref<128xi32, #tpu.memory_space<vmem>>
      %dma_wait3A_187 = arith.constant 0 : i32
      %dma_wait3A_188 = tpu.memref_slice %arg3[%dma_wait3A_187] : memref<1056768xi32, #tpu.memory_space<hbm>> -> memref<1056768xi32, #tpu.memory_space<hbm>>
      tpu.wait_indirect_dma semaphore(%arg7 : memref<!tpu.dma_semaphore, #tpu.memory_space<semaphore_mem>>) src(%dma_wait3A_188 : memref<1056768xi32, #tpu.memory_space<hbm>>) dst(%dma_wait3A_183 : memref<128xi32, #tpu.memory_space<vmem>>)
      %dma_wait3A_189 = arith.constant 0 : i32
      %dma_wait3A_190 = tpu.memref_slice %arg6[%add3A_33, %dma_wait3A_189] : memref<98x128xi32, #tpu.memory_space<vmem>> -> memref<1x128xi32, #tpu.memory_space<vmem>>
      %dma_wait3A_191 = tpu.memref_squeeze %dma_wait3A_190 : memref<1x128xi32, #tpu.memory_space<vmem>> -> memref<128xi32, #tpu.memory_space<vmem>>
      %dma_wait3A_192 = arith.constant 0 : i32
      %dma_wait3A_193 = tpu.memref_slice %arg5[%add3A_33, %dma_wait3A_192] : memref<98x128xi32, #tpu.memory_space<vmem>> -> memref<1x128xi32, #tpu.memory_space<vmem>>
      %dma_wait3A_194 = tpu.memref_squeeze %dma_wait3A_193 : memref<1x128xi32, #tpu.memory_space<vmem>> -> memref<128xi32, #tpu.memory_space<vmem>>
      %dma_wait3A_195 = arith.constant 0 : i32
      %dma_wait3A_196 = tpu.memref_slice %arg3[%dma_wait3A_195] : memref<1056768xi32, #tpu.memory_space<hbm>> -> memref<1056768xi32, #tpu.memory_space<hbm>>
      tpu.wait_indirect_dma semaphore(%arg7 : memref<!tpu.dma_semaphore, #tpu.memory_space<semaphore_mem>>) src(%dma_wait3A_196 : memref<1056768xi32, #tpu.memory_space<hbm>>) dst(%dma_wait3A_191 : memref<128xi32, #tpu.memory_space<vmem>>)
      %dma_wait3A_197 = arith.constant 0 : i32
      %dma_wait3A_198 = tpu.memref_slice %arg6[%add3A_45, %dma_wait3A_197] : memref<98x128xi32, #tpu.memory_space<vmem>> -> memref<1x128xi32, #tpu.memory_space<vmem>>
      %dma_wait3A_199 = tpu.memref_squeeze %dma_wait3A_198 : memref<1x128xi32, #tpu.memory_space<vmem>> -> memref<128xi32, #tpu.memory_space<vmem>>
      %dma_wait3A_200 = arith.constant 0 : i32
      %dma_wait3A_201 = tpu.memref_slice %arg5[%add3A_45, %dma_wait3A_200] : memref<98x128xi32, #tpu.memory_space<vmem>> -> memref<1x128xi32, #tpu.memory_space<vmem>>
      %dma_wait3A_202 = tpu.memref_squeeze %dma_wait3A_201 : memref<1x128xi32, #tpu.memory_space<vmem>> -> memref<128xi32, #tpu.memory_space<vmem>>
      %dma_wait3A_203 = arith.constant 0 : i32
      %dma_wait3A_204 = tpu.memref_slice %arg3[%dma_wait3A_203] : memref<1056768xi32, #tpu.memory_space<hbm>> -> memref<1056768xi32, #tpu.memory_space<hbm>>
      tpu.wait_indirect_dma semaphore(%arg7 : memref<!tpu.dma_semaphore, #tpu.memory_space<semaphore_mem>>) src(%dma_wait3A_204 : memref<1056768xi32, #tpu.memory_space<hbm>>) dst(%dma_wait3A_199 : memref<128xi32, #tpu.memory_space<vmem>>)
      %dma_wait3A_205 = arith.constant 0 : i32
      %dma_wait3A_206 = tpu.memref_slice %arg6[%add3A_57, %dma_wait3A_205] : memref<98x128xi32, #tpu.memory_space<vmem>> -> memref<1x128xi32, #tpu.memory_space<vmem>>
      %dma_wait3A_207 = tpu.memref_squeeze %dma_wait3A_206 : memref<1x128xi32, #tpu.memory_space<vmem>> -> memref<128xi32, #tpu.memory_space<vmem>>
      %dma_wait3A_208 = arith.constant 0 : i32
      %dma_wait3A_209 = tpu.memref_slice %arg5[%add3A_57, %dma_wait3A_208] : memref<98x128xi32, #tpu.memory_space<vmem>> -> memref<1x128xi32, #tpu.memory_space<vmem>>
      %dma_wait3A_210 = tpu.memref_squeeze %dma_wait3A_209 : memref<1x128xi32, #tpu.memory_space<vmem>> -> memref<128xi32, #tpu.memory_space<vmem>>
      %dma_wait3A_211 = arith.constant 0 : i32
      %dma_wait3A_212 = tpu.memref_slice %arg3[%dma_wait3A_211] : memref<1056768xi32, #tpu.memory_space<hbm>> -> memref<1056768xi32, #tpu.memory_space<hbm>>
      tpu.wait_indirect_dma semaphore(%arg7 : memref<!tpu.dma_semaphore, #tpu.memory_space<semaphore_mem>>) src(%dma_wait3A_212 : memref<1056768xi32, #tpu.memory_space<hbm>>) dst(%dma_wait3A_207 : memref<128xi32, #tpu.memory_space<vmem>>)
      %dma_wait3A_213 = arith.constant 0 : i32
      %dma_wait3A_214 = tpu.memref_slice %arg6[%add3A_69, %dma_wait3A_213] : memref<98x128xi32, #tpu.memory_space<vmem>> -> memref<1x128xi32, #tpu.memory_space<vmem>>
      %dma_wait3A_215 = tpu.memref_squeeze %dma_wait3A_214 : memref<1x128xi32, #tpu.memory_space<vmem>> -> memref<128xi32, #tpu.memory_space<vmem>>
      %dma_wait3A_216 = arith.constant 0 : i32
      %dma_wait3A_217 = tpu.memref_slice %arg5[%add3A_69, %dma_wait3A_216] : memref<98x128xi32, #tpu.memory_space<vmem>> -> memref<1x128xi32, #tpu.memory_space<vmem>>
      %dma_wait3A_218 = tpu.memref_squeeze %dma_wait3A_217 : memref<1x128xi32, #tpu.memory_space<vmem>> -> memref<128xi32, #tpu.memory_space<vmem>>
      %dma_wait3A_219 = arith.constant 0 : i32
      %dma_wait3A_220 = tpu.memref_slice %arg3[%dma_wait3A_219] : memref<1056768xi32, #tpu.memory_space<hbm>> -> memref<1056768xi32, #tpu.memory_space<hbm>>
      tpu.wait_indirect_dma semaphore(%arg7 : memref<!tpu.dma_semaphore, #tpu.memory_space<semaphore_mem>>) src(%dma_wait3A_220 : memref<1056768xi32, #tpu.memory_space<hbm>>) dst(%dma_wait3A_215 : memref<128xi32, #tpu.memory_space<vmem>>)
      %dma_wait3A_221 = arith.constant 0 : i32
      %dma_wait3A_222 = tpu.memref_slice %arg6[%add3A_81, %dma_wait3A_221] : memref<98x128xi32, #tpu.memory_space<vmem>> -> memref<1x128xi32, #tpu.memory_space<vmem>>
      %dma_wait3A_223 = tpu.memref_squeeze %dma_wait3A_222 : memref<1x128xi32, #tpu.memory_space<vmem>> -> memref<128xi32, #tpu.memory_space<vmem>>
      %dma_wait3A_224 = arith.constant 0 : i32
      %dma_wait3A_225 = tpu.memref_slice %arg5[%add3A_81, %dma_wait3A_224] : memref<98x128xi32, #tpu.memory_space<vmem>> -> memref<1x128xi32, #tpu.memory_space<vmem>>
      %dma_wait3A_226 = tpu.memref_squeeze %dma_wait3A_225 : memref<1x128xi32, #tpu.memory_space<vmem>> -> memref<128xi32, #tpu.memory_space<vmem>>
      %dma_wait3A_227 = arith.constant 0 : i32
      %dma_wait3A_228 = tpu.memref_slice %arg3[%dma_wait3A_227] : memref<1056768xi32, #tpu.memory_space<hbm>> -> memref<1056768xi32, #tpu.memory_space<hbm>>
      tpu.wait_indirect_dma semaphore(%arg7 : memref<!tpu.dma_semaphore, #tpu.memory_space<semaphore_mem>>) src(%dma_wait3A_228 : memref<1056768xi32, #tpu.memory_space<hbm>>) dst(%dma_wait3A_223 : memref<128xi32, #tpu.memory_space<vmem>>)
      %dma_wait3A_229 = arith.constant 0 : i32
      %dma_wait3A_230 = tpu.memref_slice %arg6[%add3A_93, %dma_wait3A_229] : memref<98x128xi32, #tpu.memory_space<vmem>> -> memref<1x128xi32, #tpu.memory_space<vmem>>
      %dma_wait3A_231 = tpu.memref_squeeze %dma_wait3A_230 : memref<1x128xi32, #tpu.memory_space<vmem>> -> memref<128xi32, #tpu.memory_space<vmem>>
      %dma_wait3A_232 = arith.constant 0 : i32
      %dma_wait3A_233 = tpu.memref_slice %arg5[%add3A_93, %dma_wait3A_232] : memref<98x128xi32, #tpu.memory_space<vmem>> -> memref<1x128xi32, #tpu.memory_space<vmem>>
      %dma_wait3A_234 = tpu.memref_squeeze %dma_wait3A_233 : memref<1x128xi32, #tpu.memory_space<vmem>> -> memref<128xi32, #tpu.memory_space<vmem>>
      %dma_wait3A_235 = arith.constant 0 : i32
      %dma_wait3A_236 = tpu.memref_slice %arg3[%dma_wait3A_235] : memref<1056768xi32, #tpu.memory_space<hbm>> -> memref<1056768xi32, #tpu.memory_space<hbm>>
      tpu.wait_indirect_dma semaphore(%arg7 : memref<!tpu.dma_semaphore, #tpu.memory_space<semaphore_mem>>) src(%dma_wait3A_236 : memref<1056768xi32, #tpu.memory_space<hbm>>) dst(%dma_wait3A_231 : memref<128xi32, #tpu.memory_space<vmem>>)
      %dma_wait3A_237 = arith.constant 0 : i32
      %dma_wait3A_238 = tpu.memref_slice %arg6[%add3A_105, %dma_wait3A_237] : memref<98x128xi32, #tpu.memory_space<vmem>> -> memref<1x128xi32, #tpu.memory_space<vmem>>
      %dma_wait3A_239 = tpu.memref_squeeze %dma_wait3A_238 : memref<1x128xi32, #tpu.memory_space<vmem>> -> memref<128xi32, #tpu.memory_space<vmem>>
      %dma_wait3A_240 = arith.constant 0 : i32
      %dma_wait3A_241 = tpu.memref_slice %arg5[%add3A_105, %dma_wait3A_240] : memref<98x128xi32, #tpu.memory_space<vmem>> -> memref<1x128xi32, #tpu.memory_space<vmem>>
      %dma_wait3A_242 = tpu.memref_squeeze %dma_wait3A_241 : memref<1x128xi32, #tpu.memory_space<vmem>> -> memref<128xi32, #tpu.memory_space<vmem>>
      %dma_wait3A_243 = arith.constant 0 : i32
      %dma_wait3A_244 = tpu.memref_slice %arg3[%dma_wait3A_243] : memref<1056768xi32, #tpu.memory_space<hbm>> -> memref<1056768xi32, #tpu.memory_space<hbm>>
      tpu.wait_indirect_dma semaphore(%arg7 : memref<!tpu.dma_semaphore, #tpu.memory_space<semaphore_mem>>) src(%dma_wait3A_244 : memref<1056768xi32, #tpu.memory_space<hbm>>) dst(%dma_wait3A_239 : memref<128xi32, #tpu.memory_space<vmem>>)
      %dma_wait3A_245 = arith.constant 0 : i32
      %dma_wait3A_246 = tpu.memref_slice %arg6[%add3A_117, %dma_wait3A_245] : memref<98x128xi32, #tpu.memory_space<vmem>> -> memref<1x128xi32, #tpu.memory_space<vmem>>
      %dma_wait3A_247 = tpu.memref_squeeze %dma_wait3A_246 : memref<1x128xi32, #tpu.memory_space<vmem>> -> memref<128xi32, #tpu.memory_space<vmem>>
      %dma_wait3A_248 = arith.constant 0 : i32
      %dma_wait3A_249 = tpu.memref_slice %arg5[%add3A_117, %dma_wait3A_248] : memref<98x128xi32, #tpu.memory_space<vmem>> -> memref<1x128xi32, #tpu.memory_space<vmem>>
      %dma_wait3A_250 = tpu.memref_squeeze %dma_wait3A_249 : memref<1x128xi32, #tpu.memory_space<vmem>> -> memref<128xi32, #tpu.memory_space<vmem>>
      %dma_wait3A_251 = arith.constant 0 : i32
      %dma_wait3A_252 = tpu.memref_slice %arg3[%dma_wait3A_251] : memref<1056768xi32, #tpu.memory_space<hbm>> -> memref<1056768xi32, #tpu.memory_space<hbm>>
      tpu.wait_indirect_dma semaphore(%arg7 : memref<!tpu.dma_semaphore, #tpu.memory_space<semaphore_mem>>) src(%dma_wait3A_252 : memref<1056768xi32, #tpu.memory_space<hbm>>) dst(%dma_wait3A_247 : memref<128xi32, #tpu.memory_space<vmem>>)
      %dma_wait3A_253 = arith.constant 0 : i32
      %dma_wait3A_254 = tpu.memref_slice %arg6[%add3A_129, %dma_wait3A_253] : memref<98x128xi32, #tpu.memory_space<vmem>> -> memref<1x128xi32, #tpu.memory_space<vmem>>
      %dma_wait3A_255 = tpu.memref_squeeze %dma_wait3A_254 : memref<1x128xi32, #tpu.memory_space<vmem>> -> memref<128xi32, #tpu.memory_space<vmem>>
      %dma_wait3A_256 = arith.constant 0 : i32
      %dma_wait3A_257 = tpu.memref_slice %arg5[%add3A_129, %dma_wait3A_256] : memref<98x128xi32, #tpu.memory_space<vmem>> -> memref<1x128xi32, #tpu.memory_space<vmem>>
      %dma_wait3A_258 = tpu.memref_squeeze %dma_wait3A_257 : memref<1x128xi32, #tpu.memory_space<vmem>> -> memref<128xi32, #tpu.memory_space<vmem>>
      %dma_wait3A_259 = arith.constant 0 : i32
      %dma_wait3A_260 = tpu.memref_slice %arg3[%dma_wait3A_259] : memref<1056768xi32, #tpu.memory_space<hbm>> -> memref<1056768xi32, #tpu.memory_space<hbm>>
      tpu.wait_indirect_dma semaphore(%arg7 : memref<!tpu.dma_semaphore, #tpu.memory_space<semaphore_mem>>) src(%dma_wait3A_260 : memref<1056768xi32, #tpu.memory_space<hbm>>) dst(%dma_wait3A_255 : memref<128xi32, #tpu.memory_space<vmem>>)
      %dma_wait3A_261 = arith.constant 0 : i32
      %dma_wait3A_262 = tpu.memref_slice %arg6[%add3A_141, %dma_wait3A_261] : memref<98x128xi32, #tpu.memory_space<vmem>> -> memref<1x128xi32, #tpu.memory_space<vmem>>
      %dma_wait3A_263 = tpu.memref_squeeze %dma_wait3A_262 : memref<1x128xi32, #tpu.memory_space<vmem>> -> memref<128xi32, #tpu.memory_space<vmem>>
      %dma_wait3A_264 = arith.constant 0 : i32
      %dma_wait3A_265 = tpu.memref_slice %arg5[%add3A_141, %dma_wait3A_264] : memref<98x128xi32, #tpu.memory_space<vmem>> -> memref<1x128xi32, #tpu.memory_space<vmem>>
      %dma_wait3A_266 = tpu.memref_squeeze %dma_wait3A_265 : memref<1x128xi32, #tpu.memory_space<vmem>> -> memref<128xi32, #tpu.memory_space<vmem>>
      %dma_wait3A_267 = arith.constant 0 : i32
      %dma_wait3A_268 = tpu.memref_slice %arg3[%dma_wait3A_267] : memref<1056768xi32, #tpu.memory_space<hbm>> -> memref<1056768xi32, #tpu.memory_space<hbm>>
      tpu.wait_indirect_dma semaphore(%arg7 : memref<!tpu.dma_semaphore, #tpu.memory_space<semaphore_mem>>) src(%dma_wait3A_268 : memref<1056768xi32, #tpu.memory_space<hbm>>) dst(%dma_wait3A_263 : memref<128xi32, #tpu.memory_space<vmem>>)
      %dma_wait3A_269 = arith.constant 0 : i32
      %dma_wait3A_270 = tpu.memref_slice %arg6[%add3A_153, %dma_wait3A_269] : memref<98x128xi32, #tpu.memory_space<vmem>> -> memref<1x128xi32, #tpu.memory_space<vmem>>
      %dma_wait3A_271 = tpu.memref_squeeze %dma_wait3A_270 : memref<1x128xi32, #tpu.memory_space<vmem>> -> memref<128xi32, #tpu.memory_space<vmem>>
      %dma_wait3A_272 = arith.constant 0 : i32
      %dma_wait3A_273 = tpu.memref_slice %arg5[%add3A_153, %dma_wait3A_272] : memref<98x128xi32, #tpu.memory_space<vmem>> -> memref<1x128xi32, #tpu.memory_space<vmem>>
      %dma_wait3A_274 = tpu.memref_squeeze %dma_wait3A_273 : memref<1x128xi32, #tpu.memory_space<vmem>> -> memref<128xi32, #tpu.memory_space<vmem>>
      %dma_wait3A_275 = arith.constant 0 : i32
      %dma_wait3A_276 = tpu.memref_slice %arg3[%dma_wait3A_275] : memref<1056768xi32, #tpu.memory_space<hbm>> -> memref<1056768xi32, #tpu.memory_space<hbm>>
      tpu.wait_indirect_dma semaphore(%arg7 : memref<!tpu.dma_semaphore, #tpu.memory_space<semaphore_mem>>) src(%dma_wait3A_276 : memref<1056768xi32, #tpu.memory_space<hbm>>) dst(%dma_wait3A_271 : memref<128xi32, #tpu.memory_space<vmem>>)
      %dma_wait3A_277 = arith.constant 0 : i32
      %dma_wait3A_278 = tpu.memref_slice %arg6[%add3A_165, %dma_wait3A_277] : memref<98x128xi32, #tpu.memory_space<vmem>> -> memref<1x128xi32, #tpu.memory_space<vmem>>
      %dma_wait3A_279 = tpu.memref_squeeze %dma_wait3A_278 : memref<1x128xi32, #tpu.memory_space<vmem>> -> memref<128xi32, #tpu.memory_space<vmem>>
      %dma_wait3A_280 = arith.constant 0 : i32
      %dma_wait3A_281 = tpu.memref_slice %arg5[%add3A_165, %dma_wait3A_280] : memref<98x128xi32, #tpu.memory_space<vmem>> -> memref<1x128xi32, #tpu.memory_space<vmem>>
      %dma_wait3A_282 = tpu.memref_squeeze %dma_wait3A_281 : memref<1x128xi32, #tpu.memory_space<vmem>> -> memref<128xi32, #tpu.memory_space<vmem>>
      %dma_wait3A_283 = arith.constant 0 : i32
      %dma_wait3A_284 = tpu.memref_slice %arg3[%dma_wait3A_283] : memref<1056768xi32, #tpu.memory_space<hbm>> -> memref<1056768xi32, #tpu.memory_space<hbm>>
      tpu.wait_indirect_dma semaphore(%arg7 : memref<!tpu.dma_semaphore, #tpu.memory_space<semaphore_mem>>) src(%dma_wait3A_284 : memref<1056768xi32, #tpu.memory_space<hbm>>) dst(%dma_wait3A_279 : memref<128xi32, #tpu.memory_space<vmem>>)
    }
    %scan3A_5 = arith.constant 7 : i32
    "tpu.region"() ({
      %run_scoped3A = tpu.sem_alloc : memref<!tpu.dma_semaphore, #tpu.memory_space<semaphore_mem>>
      %dma_start3A = arith.constant 0 : i32
      %dma_start3A_6 = arith.constant 0 : i32
      %dma_start3A_7 = tpu.memref_slice %arg4[%add3A, %dma_start3A, %dma_start3A_6] : memref<32x98x128xi32, #tpu.memory_space<hbm>> -> memref<1x98x128xi32, #tpu.memory_space<hbm>>
      %dma_start3A_8 = tpu.memref_squeeze %dma_start3A_7 : memref<1x98x128xi32, #tpu.memory_space<hbm>> -> memref<98x128xi32, #tpu.memory_space<hbm>>
      %dma_start3A_9 = arith.constant 0 : i32
      %dma_start3A_10 = arith.constant 0 : i32
      %dma_start3A_11 = tpu.memref_slice %arg4[%add3A, %dma_start3A_9, %dma_start3A_10] : memref<32x98x128xi32, #tpu.memory_space<hbm>> -> memref<1x98x128xi32, #tpu.memory_space<hbm>>
      %dma_start3A_12 = tpu.memref_squeeze %dma_start3A_11 : memref<1x98x128xi32, #tpu.memory_space<hbm>> -> memref<98x128xi32, #tpu.memory_space<hbm>>
      tpu.enqueue_dma source(%arg6 : memref<98x128xi32, #tpu.memory_space<vmem>>) target(%dma_start3A_12 : memref<98x128xi32, #tpu.memory_space<hbm>>) target_semaphore(%run_scoped3A : memref<!tpu.dma_semaphore, #tpu.memory_space<semaphore_mem>>)
      %dma_wait3A = arith.constant 0 : i32
      %dma_wait3A_13 = arith.constant 0 : i32
      %dma_wait3A_14 = tpu.memref_slice %arg4[%add3A, %dma_wait3A, %dma_wait3A_13] : memref<32x98x128xi32, #tpu.memory_space<hbm>> -> memref<1x98x128xi32, #tpu.memory_space<hbm>>
      %dma_wait3A_15 = tpu.memref_squeeze %dma_wait3A_14 : memref<1x98x128xi32, #tpu.memory_space<hbm>> -> memref<98x128xi32, #tpu.memory_space<hbm>>
      %dma_wait3A_16 = arith.constant 0 : i32
      %dma_wait3A_17 = arith.constant 0 : i32
      %dma_wait3A_18 = tpu.memref_slice %arg4[%add3A, %dma_wait3A_16, %dma_wait3A_17] : memref<32x98x128xi32, #tpu.memory_space<hbm>> -> memref<1x98x128xi32, #tpu.memory_space<hbm>>
      %dma_wait3A_19 = tpu.memref_squeeze %dma_wait3A_18 : memref<1x98x128xi32, #tpu.memory_space<hbm>> -> memref<98x128xi32, #tpu.memory_space<hbm>>
      tpu.wait_dma2 semaphore(%run_scoped3A : memref<!tpu.dma_semaphore, #tpu.memory_space<semaphore_mem>>) src(%arg6 : memref<98x128xi32, #tpu.memory_space<vmem>>) dst(%dma_wait3A_19 : memref<98x128xi32, #tpu.memory_space<hbm>>)
      tpu.yield
    }) : () -> ()
    return
  }
}

#map = affine_map<(d0, d1) -> (0, 0, 0)>
#map1 = affine_map<(d0, d1) -> (0)>
module attributes {stable_mosaic.version = 14 : i64} {
  func.func @_count_body(%arg0: i32, %arg1: i32, %arg2: memref<32x196x128xi32, #tpu.memory_space<hbm>>, %arg3: memref<128xf32, #tpu.memory_space<hbm>>, %arg4: memref<32896xf32, #tpu.memory_space<hbm>>, %arg5: memref<1052672xf32, #tpu.memory_space<hbm>>, %arg6: memref<196x128xi32, #tpu.memory_space<vmem>>, %arg7: memref<128xf32, #tpu.memory_space<vmem>>, %arg8: memref<32896xf32, #tpu.memory_space<vmem>>, %arg9: memref<526336xf32, #tpu.memory_space<vmem_shared>>, %arg10: memref<!tpu.dma_semaphore, #tpu.memory_space<semaphore_mem>>) attributes {dimension_semantics = [#tpu.dimension_semantics<core_parallel>, #tpu.dimension_semantics<subcore_parallel>], iteration_bounds = array<i64: 2, 16>, scalar_prefetch = 0 : i64, scratch_operands = 5 : i64, tpu.core_type = #tpu.core_type<sc_vector_subcore>, window_params = [{transform_indices = #map}, {transform_indices = #map1}, {transform_indices = #map1}, {transform_indices = #map1}]} {
    "tpu.region"() ({
      %run_scoped3A = tpu.sem_alloc : memref<!tpu.dma_semaphore, #tpu.memory_space<semaphore_mem>>
      tpu.enqueue_dma source(%arg3 : memref<128xf32, #tpu.memory_space<hbm>>) target(%arg7 : memref<128xf32, #tpu.memory_space<vmem>>) target_semaphore(%run_scoped3A : memref<!tpu.dma_semaphore, #tpu.memory_space<semaphore_mem>>)
      tpu.wait_dma2 semaphore(%run_scoped3A : memref<!tpu.dma_semaphore, #tpu.memory_space<semaphore_mem>>) src(%arg3 : memref<128xf32, #tpu.memory_space<hbm>>) dst(%arg7 : memref<128xf32, #tpu.memory_space<vmem>>)
      tpu.yield
    }) : () -> ()
    "tpu.region"() ({
      %run_scoped3A = tpu.sem_alloc : memref<!tpu.dma_semaphore, #tpu.memory_space<semaphore_mem>>
      tpu.enqueue_dma source(%arg4 : memref<32896xf32, #tpu.memory_space<hbm>>) target(%arg8 : memref<32896xf32, #tpu.memory_space<vmem>>) target_semaphore(%run_scoped3A : memref<!tpu.dma_semaphore, #tpu.memory_space<semaphore_mem>>)
      tpu.wait_dma2 semaphore(%run_scoped3A : memref<!tpu.dma_semaphore, #tpu.memory_space<semaphore_mem>>) src(%arg4 : memref<32896xf32, #tpu.memory_space<hbm>>) dst(%arg8 : memref<32896xf32, #tpu.memory_space<vmem>>)
      tpu.yield
    }) : () -> ()
    %mul3A = arith.constant 32896 : i32
    %mul3A_0 = arith.muli %arg1, %mul3A : i32
    "tpu.region"() ({
      %run_scoped3A = tpu.sem_alloc : memref<!tpu.dma_semaphore, #tpu.memory_space<semaphore_mem>>
      %dma_start3A = tpu.memref_slice %arg9[%mul3A_0] : memref<526336xf32, #tpu.memory_space<vmem_shared>> -> memref<32896xf32, #tpu.memory_space<vmem_shared>>
      %dma_start3A_16 = tpu.memref_slice %arg9[%mul3A_0] : memref<526336xf32, #tpu.memory_space<vmem_shared>> -> memref<32896xf32, #tpu.memory_space<vmem_shared>>
      tpu.enqueue_dma source(%arg8 : memref<32896xf32, #tpu.memory_space<vmem>>) target(%dma_start3A_16 : memref<32896xf32, #tpu.memory_space<vmem_shared>>) target_semaphore(%run_scoped3A : memref<!tpu.dma_semaphore, #tpu.memory_space<semaphore_mem>>)
      %dma_wait3A = tpu.memref_slice %arg9[%mul3A_0] : memref<526336xf32, #tpu.memory_space<vmem_shared>> -> memref<32896xf32, #tpu.memory_space<vmem_shared>>
      %dma_wait3A_17 = tpu.memref_slice %arg9[%mul3A_0] : memref<526336xf32, #tpu.memory_space<vmem_shared>> -> memref<32896xf32, #tpu.memory_space<vmem_shared>>
      tpu.wait_dma2 semaphore(%run_scoped3A : memref<!tpu.dma_semaphore, #tpu.memory_space<semaphore_mem>>) src(%arg8 : memref<32896xf32, #tpu.memory_space<vmem>>) dst(%dma_wait3A_17 : memref<32896xf32, #tpu.memory_space<vmem_shared>>)
      tpu.yield
    }) : () -> ()
    %mul3A_1 = arith.constant 16 : i32
    %mul3A_2 = arith.muli %arg0, %mul3A_1 : i32
    %add3A = arith.addi %mul3A_2, %arg1 : i32
    "tpu.region"() ({
      %run_scoped3A = tpu.sem_alloc : memref<!tpu.dma_semaphore, #tpu.memory_space<semaphore_mem>>
      %dma_start3A = arith.constant 0 : i32
      %dma_start3A_16 = arith.constant 0 : i32
      %dma_start3A_17 = tpu.memref_slice %arg2[%add3A, %dma_start3A, %dma_start3A_16] : memref<32x196x128xi32, #tpu.memory_space<hbm>> -> memref<1x196x128xi32, #tpu.memory_space<hbm>>
      %dma_start3A_18 = tpu.memref_squeeze %dma_start3A_17 : memref<1x196x128xi32, #tpu.memory_space<hbm>> -> memref<196x128xi32, #tpu.memory_space<hbm>>
      %dma_start3A_19 = arith.constant 0 : i32
      %dma_start3A_20 = arith.constant 0 : i32
      %dma_start3A_21 = tpu.memref_slice %arg2[%add3A, %dma_start3A_19, %dma_start3A_20] : memref<32x196x128xi32, #tpu.memory_space<hbm>> -> memref<1x196x128xi32, #tpu.memory_space<hbm>>
      %dma_start3A_22 = tpu.memref_squeeze %dma_start3A_21 : memref<1x196x128xi32, #tpu.memory_space<hbm>> -> memref<196x128xi32, #tpu.memory_space<hbm>>
      tpu.enqueue_dma source(%dma_start3A_22 : memref<196x128xi32, #tpu.memory_space<hbm>>) target(%arg6 : memref<196x128xi32, #tpu.memory_space<vmem>>) target_semaphore(%run_scoped3A : memref<!tpu.dma_semaphore, #tpu.memory_space<semaphore_mem>>)
      %dma_wait3A = arith.constant 0 : i32
      %dma_wait3A_23 = arith.constant 0 : i32
      %dma_wait3A_24 = tpu.memref_slice %arg2[%add3A, %dma_wait3A, %dma_wait3A_23] : memref<32x196x128xi32, #tpu.memory_space<hbm>> -> memref<1x196x128xi32, #tpu.memory_space<hbm>>
      %dma_wait3A_25 = tpu.memref_squeeze %dma_wait3A_24 : memref<1x196x128xi32, #tpu.memory_space<hbm>> -> memref<196x128xi32, #tpu.memory_space<hbm>>
      %dma_wait3A_26 = arith.constant 0 : i32
      %dma_wait3A_27 = arith.constant 0 : i32
      %dma_wait3A_28 = tpu.memref_slice %arg2[%add3A, %dma_wait3A_26, %dma_wait3A_27] : memref<32x196x128xi32, #tpu.memory_space<hbm>> -> memref<1x196x128xi32, #tpu.memory_space<hbm>>
      %dma_wait3A_29 = tpu.memref_squeeze %dma_wait3A_28 : memref<1x196x128xi32, #tpu.memory_space<hbm>> -> memref<196x128xi32, #tpu.memory_space<hbm>>
      tpu.wait_dma2 semaphore(%run_scoped3A : memref<!tpu.dma_semaphore, #tpu.memory_space<semaphore_mem>>) src(%dma_wait3A_29 : memref<196x128xi32, #tpu.memory_space<hbm>>) dst(%arg6 : memref<196x128xi32, #tpu.memory_space<vmem>>)
      tpu.yield
    }) : () -> ()
    %barrier3A = arith.constant 0 : index
    tpu.barrier barrier_id(%barrier3A)
    %scan3A = arith.constant 0 : i32
    %scan3A_3 = arith.constant 0 : i32
    %scan3A_4 = arith.constant 7 : i32
    %scan3A_5 = arith.addi %scan3A_3, %scan3A_4 : i32
    %scan3A_6 = arith.constant 1 : i32
    scf.for %scan3A_16 = %scan3A_3 to %scan3A_5 step %scan3A_6  : i32 {
      %mul3A_17 = arith.constant 2 : i32
      %mul3A_18 = arith.muli %scan3A_16, %mul3A_17 : i32
      %mul3A_19 = arith.constant 14 : i32
      %mul3A_20 = arith.muli %mul3A_18, %mul3A_19 : i32
      %add3A_21 = arith.constant 0 : i32
      %add3A_22 = arith.addi %mul3A_20, %add3A_21 : i32
      %dma_start3A = arith.constant 0 : i32
      %dma_start3A_23 = tpu.memref_slice %arg6[%add3A_22, %dma_start3A] : memref<196x128xi32, #tpu.memory_space<vmem>> -> memref<1x128xi32, #tpu.memory_space<vmem>>
      %dma_start3A_24 = tpu.memref_squeeze %dma_start3A_23 : memref<1x128xi32, #tpu.memory_space<vmem>> -> memref<128xi32, #tpu.memory_space<vmem>>
      %dma_start3A_25 = arith.constant 0 : i32
      %dma_start3A_26 = tpu.memref_slice %arg9[%dma_start3A_25] : memref<526336xf32, #tpu.memory_space<vmem_shared>> -> memref<526336xf32, #tpu.memory_space<vmem_shared>>
      tpu.enqueue_indirect_dma source(%arg7 : memref<128xf32, #tpu.memory_space<vmem>>) target(%dma_start3A_26 : memref<526336xf32, #tpu.memory_space<vmem_shared>>) offsets(%dma_start3A_24 : memref<128xi32, #tpu.memory_space<vmem>>) semaphore(%arg10 : memref<!tpu.dma_semaphore, #tpu.memory_space<semaphore_mem>>) {add = true}
      %mul3A_27 = arith.constant 2 : i32
      %mul3A_28 = arith.muli %scan3A_16, %mul3A_27 : i32
      %mul3A_29 = arith.constant 14 : i32
      %mul3A_30 = arith.muli %mul3A_28, %mul3A_29 : i32
      %add3A_31 = arith.constant 1 : i32
      %add3A_32 = arith.addi %mul3A_30, %add3A_31 : i32
      %dma_start3A_33 = arith.constant 0 : i32
      %dma_start3A_34 = tpu.memref_slice %arg6[%add3A_32, %dma_start3A_33] : memref<196x128xi32, #tpu.memory_space<vmem>> -> memref<1x128xi32, #tpu.memory_space<vmem>>
      %dma_start3A_35 = tpu.memref_squeeze %dma_start3A_34 : memref<1x128xi32, #tpu.memory_space<vmem>> -> memref<128xi32, #tpu.memory_space<vmem>>
      %dma_start3A_36 = arith.constant 0 : i32
      %dma_start3A_37 = tpu.memref_slice %arg9[%dma_start3A_36] : memref<526336xf32, #tpu.memory_space<vmem_shared>> -> memref<526336xf32, #tpu.memory_space<vmem_shared>>
      tpu.enqueue_indirect_dma source(%arg7 : memref<128xf32, #tpu.memory_space<vmem>>) target(%dma_start3A_37 : memref<526336xf32, #tpu.memory_space<vmem_shared>>) offsets(%dma_start3A_35 : memref<128xi32, #tpu.memory_space<vmem>>) semaphore(%arg10 : memref<!tpu.dma_semaphore, #tpu.memory_space<semaphore_mem>>) {add = true}
      %mul3A_38 = arith.constant 2 : i32
      %mul3A_39 = arith.muli %scan3A_16, %mul3A_38 : i32
      %mul3A_40 = arith.constant 14 : i32
      %mul3A_41 = arith.muli %mul3A_39, %mul3A_40 : i32
      %add3A_42 = arith.constant 2 : i32
      %add3A_43 = arith.addi %mul3A_41, %add3A_42 : i32
      %dma_start3A_44 = arith.constant 0 : i32
      %dma_start3A_45 = tpu.memref_slice %arg6[%add3A_43, %dma_start3A_44] : memref<196x128xi32, #tpu.memory_space<vmem>> -> memref<1x128xi32, #tpu.memory_space<vmem>>
      %dma_start3A_46 = tpu.memref_squeeze %dma_start3A_45 : memref<1x128xi32, #tpu.memory_space<vmem>> -> memref<128xi32, #tpu.memory_space<vmem>>
      %dma_start3A_47 = arith.constant 0 : i32
      %dma_start3A_48 = tpu.memref_slice %arg9[%dma_start3A_47] : memref<526336xf32, #tpu.memory_space<vmem_shared>> -> memref<526336xf32, #tpu.memory_space<vmem_shared>>
      tpu.enqueue_indirect_dma source(%arg7 : memref<128xf32, #tpu.memory_space<vmem>>) target(%dma_start3A_48 : memref<526336xf32, #tpu.memory_space<vmem_shared>>) offsets(%dma_start3A_46 : memref<128xi32, #tpu.memory_space<vmem>>) semaphore(%arg10 : memref<!tpu.dma_semaphore, #tpu.memory_space<semaphore_mem>>) {add = true}
      %mul3A_49 = arith.constant 2 : i32
      %mul3A_50 = arith.muli %scan3A_16, %mul3A_49 : i32
      %mul3A_51 = arith.constant 14 : i32
      %mul3A_52 = arith.muli %mul3A_50, %mul3A_51 : i32
      %add3A_53 = arith.constant 3 : i32
      %add3A_54 = arith.addi %mul3A_52, %add3A_53 : i32
      %dma_start3A_55 = arith.constant 0 : i32
      %dma_start3A_56 = tpu.memref_slice %arg6[%add3A_54, %dma_start3A_55] : memref<196x128xi32, #tpu.memory_space<vmem>> -> memref<1x128xi32, #tpu.memory_space<vmem>>
      %dma_start3A_57 = tpu.memref_squeeze %dma_start3A_56 : memref<1x128xi32, #tpu.memory_space<vmem>> -> memref<128xi32, #tpu.memory_space<vmem>>
      %dma_start3A_58 = arith.constant 0 : i32
      %dma_start3A_59 = tpu.memref_slice %arg9[%dma_start3A_58] : memref<526336xf32, #tpu.memory_space<vmem_shared>> -> memref<526336xf32, #tpu.memory_space<vmem_shared>>
      tpu.enqueue_indirect_dma source(%arg7 : memref<128xf32, #tpu.memory_space<vmem>>) target(%dma_start3A_59 : memref<526336xf32, #tpu.memory_space<vmem_shared>>) offsets(%dma_start3A_57 : memref<128xi32, #tpu.memory_space<vmem>>) semaphore(%arg10 : memref<!tpu.dma_semaphore, #tpu.memory_space<semaphore_mem>>) {add = true}
      %mul3A_60 = arith.constant 2 : i32
      %mul3A_61 = arith.muli %scan3A_16, %mul3A_60 : i32
      %mul3A_62 = arith.constant 14 : i32
      %mul3A_63 = arith.muli %mul3A_61, %mul3A_62 : i32
      %add3A_64 = arith.constant 4 : i32
      %add3A_65 = arith.addi %mul3A_63, %add3A_64 : i32
      %dma_start3A_66 = arith.constant 0 : i32
      %dma_start3A_67 = tpu.memref_slice %arg6[%add3A_65, %dma_start3A_66] : memref<196x128xi32, #tpu.memory_space<vmem>> -> memref<1x128xi32, #tpu.memory_space<vmem>>
      %dma_start3A_68 = tpu.memref_squeeze %dma_start3A_67 : memref<1x128xi32, #tpu.memory_space<vmem>> -> memref<128xi32, #tpu.memory_space<vmem>>
      %dma_start3A_69 = arith.constant 0 : i32
      %dma_start3A_70 = tpu.memref_slice %arg9[%dma_start3A_69] : memref<526336xf32, #tpu.memory_space<vmem_shared>> -> memref<526336xf32, #tpu.memory_space<vmem_shared>>
      tpu.enqueue_indirect_dma source(%arg7 : memref<128xf32, #tpu.memory_space<vmem>>) target(%dma_start3A_70 : memref<526336xf32, #tpu.memory_space<vmem_shared>>) offsets(%dma_start3A_68 : memref<128xi32, #tpu.memory_space<vmem>>) semaphore(%arg10 : memref<!tpu.dma_semaphore, #tpu.memory_space<semaphore_mem>>) {add = true}
      %mul3A_71 = arith.constant 2 : i32
      %mul3A_72 = arith.muli %scan3A_16, %mul3A_71 : i32
      %mul3A_73 = arith.constant 14 : i32
      %mul3A_74 = arith.muli %mul3A_72, %mul3A_73 : i32
      %add3A_75 = arith.constant 5 : i32
      %add3A_76 = arith.addi %mul3A_74, %add3A_75 : i32
      %dma_start3A_77 = arith.constant 0 : i32
      %dma_start3A_78 = tpu.memref_slice %arg6[%add3A_76, %dma_start3A_77] : memref<196x128xi32, #tpu.memory_space<vmem>> -> memref<1x128xi32, #tpu.memory_space<vmem>>
      %dma_start3A_79 = tpu.memref_squeeze %dma_start3A_78 : memref<1x128xi32, #tpu.memory_space<vmem>> -> memref<128xi32, #tpu.memory_space<vmem>>
      %dma_start3A_80 = arith.constant 0 : i32
      %dma_start3A_81 = tpu.memref_slice %arg9[%dma_start3A_80] : memref<526336xf32, #tpu.memory_space<vmem_shared>> -> memref<526336xf32, #tpu.memory_space<vmem_shared>>
      tpu.enqueue_indirect_dma source(%arg7 : memref<128xf32, #tpu.memory_space<vmem>>) target(%dma_start3A_81 : memref<526336xf32, #tpu.memory_space<vmem_shared>>) offsets(%dma_start3A_79 : memref<128xi32, #tpu.memory_space<vmem>>) semaphore(%arg10 : memref<!tpu.dma_semaphore, #tpu.memory_space<semaphore_mem>>) {add = true}
      %mul3A_82 = arith.constant 2 : i32
      %mul3A_83 = arith.muli %scan3A_16, %mul3A_82 : i32
      %mul3A_84 = arith.constant 14 : i32
      %mul3A_85 = arith.muli %mul3A_83, %mul3A_84 : i32
      %add3A_86 = arith.constant 6 : i32
      %add3A_87 = arith.addi %mul3A_85, %add3A_86 : i32
      %dma_start3A_88 = arith.constant 0 : i32
      %dma_start3A_89 = tpu.memref_slice %arg6[%add3A_87, %dma_start3A_88] : memref<196x128xi32, #tpu.memory_space<vmem>> -> memref<1x128xi32, #tpu.memory_space<vmem>>
      %dma_start3A_90 = tpu.memref_squeeze %dma_start3A_89 : memref<1x128xi32, #tpu.memory_space<vmem>> -> memref<128xi32, #tpu.memory_space<vmem>>
      %dma_start3A_91 = arith.constant 0 : i32
      %dma_start3A_92 = tpu.memref_slice %arg9[%dma_start3A_91] : memref<526336xf32, #tpu.memory_space<vmem_shared>> -> memref<526336xf32, #tpu.memory_space<vmem_shared>>
      tpu.enqueue_indirect_dma source(%arg7 : memref<128xf32, #tpu.memory_space<vmem>>) target(%dma_start3A_92 : memref<526336xf32, #tpu.memory_space<vmem_shared>>) offsets(%dma_start3A_90 : memref<128xi32, #tpu.memory_space<vmem>>) semaphore(%arg10 : memref<!tpu.dma_semaphore, #tpu.memory_space<semaphore_mem>>) {add = true}
      %mul3A_93 = arith.constant 2 : i32
      %mul3A_94 = arith.muli %scan3A_16, %mul3A_93 : i32
      %mul3A_95 = arith.constant 14 : i32
      %mul3A_96 = arith.muli %mul3A_94, %mul3A_95 : i32
      %add3A_97 = arith.constant 7 : i32
      %add3A_98 = arith.addi %mul3A_96, %add3A_97 : i32
      %dma_start3A_99 = arith.constant 0 : i32
      %dma_start3A_100 = tpu.memref_slice %arg6[%add3A_98, %dma_start3A_99] : memref<196x128xi32, #tpu.memory_space<vmem>> -> memref<1x128xi32, #tpu.memory_space<vmem>>
      %dma_start3A_101 = tpu.memref_squeeze %dma_start3A_100 : memref<1x128xi32, #tpu.memory_space<vmem>> -> memref<128xi32, #tpu.memory_space<vmem>>
      %dma_start3A_102 = arith.constant 0 : i32
      %dma_start3A_103 = tpu.memref_slice %arg9[%dma_start3A_102] : memref<526336xf32, #tpu.memory_space<vmem_shared>> -> memref<526336xf32, #tpu.memory_space<vmem_shared>>
      tpu.enqueue_indirect_dma source(%arg7 : memref<128xf32, #tpu.memory_space<vmem>>) target(%dma_start3A_103 : memref<526336xf32, #tpu.memory_space<vmem_shared>>) offsets(%dma_start3A_101 : memref<128xi32, #tpu.memory_space<vmem>>) semaphore(%arg10 : memref<!tpu.dma_semaphore, #tpu.memory_space<semaphore_mem>>) {add = true}
      %mul3A_104 = arith.constant 2 : i32
      %mul3A_105 = arith.muli %scan3A_16, %mul3A_104 : i32
      %mul3A_106 = arith.constant 14 : i32
      %mul3A_107 = arith.muli %mul3A_105, %mul3A_106 : i32
      %add3A_108 = arith.constant 8 : i32
      %add3A_109 = arith.addi %mul3A_107, %add3A_108 : i32
      %dma_start3A_110 = arith.constant 0 : i32
      %dma_start3A_111 = tpu.memref_slice %arg6[%add3A_109, %dma_start3A_110] : memref<196x128xi32, #tpu.memory_space<vmem>> -> memref<1x128xi32, #tpu.memory_space<vmem>>
      %dma_start3A_112 = tpu.memref_squeeze %dma_start3A_111 : memref<1x128xi32, #tpu.memory_space<vmem>> -> memref<128xi32, #tpu.memory_space<vmem>>
      %dma_start3A_113 = arith.constant 0 : i32
      %dma_start3A_114 = tpu.memref_slice %arg9[%dma_start3A_113] : memref<526336xf32, #tpu.memory_space<vmem_shared>> -> memref<526336xf32, #tpu.memory_space<vmem_shared>>
      tpu.enqueue_indirect_dma source(%arg7 : memref<128xf32, #tpu.memory_space<vmem>>) target(%dma_start3A_114 : memref<526336xf32, #tpu.memory_space<vmem_shared>>) offsets(%dma_start3A_112 : memref<128xi32, #tpu.memory_space<vmem>>) semaphore(%arg10 : memref<!tpu.dma_semaphore, #tpu.memory_space<semaphore_mem>>) {add = true}
      %mul3A_115 = arith.constant 2 : i32
      %mul3A_116 = arith.muli %scan3A_16, %mul3A_115 : i32
      %mul3A_117 = arith.constant 14 : i32
      %mul3A_118 = arith.muli %mul3A_116, %mul3A_117 : i32
      %add3A_119 = arith.constant 9 : i32
      %add3A_120 = arith.addi %mul3A_118, %add3A_119 : i32
      %dma_start3A_121 = arith.constant 0 : i32
      %dma_start3A_122 = tpu.memref_slice %arg6[%add3A_120, %dma_start3A_121] : memref<196x128xi32, #tpu.memory_space<vmem>> -> memref<1x128xi32, #tpu.memory_space<vmem>>
      %dma_start3A_123 = tpu.memref_squeeze %dma_start3A_122 : memref<1x128xi32, #tpu.memory_space<vmem>> -> memref<128xi32, #tpu.memory_space<vmem>>
      %dma_start3A_124 = arith.constant 0 : i32
      %dma_start3A_125 = tpu.memref_slice %arg9[%dma_start3A_124] : memref<526336xf32, #tpu.memory_space<vmem_shared>> -> memref<526336xf32, #tpu.memory_space<vmem_shared>>
      tpu.enqueue_indirect_dma source(%arg7 : memref<128xf32, #tpu.memory_space<vmem>>) target(%dma_start3A_125 : memref<526336xf32, #tpu.memory_space<vmem_shared>>) offsets(%dma_start3A_123 : memref<128xi32, #tpu.memory_space<vmem>>) semaphore(%arg10 : memref<!tpu.dma_semaphore, #tpu.memory_space<semaphore_mem>>) {add = true}
      %mul3A_126 = arith.constant 2 : i32
      %mul3A_127 = arith.muli %scan3A_16, %mul3A_126 : i32
      %mul3A_128 = arith.constant 14 : i32
      %mul3A_129 = arith.muli %mul3A_127, %mul3A_128 : i32
      %add3A_130 = arith.constant 10 : i32
      %add3A_131 = arith.addi %mul3A_129, %add3A_130 : i32
      %dma_start3A_132 = arith.constant 0 : i32
      %dma_start3A_133 = tpu.memref_slice %arg6[%add3A_131, %dma_start3A_132] : memref<196x128xi32, #tpu.memory_space<vmem>> -> memref<1x128xi32, #tpu.memory_space<vmem>>
      %dma_start3A_134 = tpu.memref_squeeze %dma_start3A_133 : memref<1x128xi32, #tpu.memory_space<vmem>> -> memref<128xi32, #tpu.memory_space<vmem>>
      %dma_start3A_135 = arith.constant 0 : i32
      %dma_start3A_136 = tpu.memref_slice %arg9[%dma_start3A_135] : memref<526336xf32, #tpu.memory_space<vmem_shared>> -> memref<526336xf32, #tpu.memory_space<vmem_shared>>
      tpu.enqueue_indirect_dma source(%arg7 : memref<128xf32, #tpu.memory_space<vmem>>) target(%dma_start3A_136 : memref<526336xf32, #tpu.memory_space<vmem_shared>>) offsets(%dma_start3A_134 : memref<128xi32, #tpu.memory_space<vmem>>) semaphore(%arg10 : memref<!tpu.dma_semaphore, #tpu.memory_space<semaphore_mem>>) {add = true}
      %mul3A_137 = arith.constant 2 : i32
      %mul3A_138 = arith.muli %scan3A_16, %mul3A_137 : i32
      %mul3A_139 = arith.constant 14 : i32
      %mul3A_140 = arith.muli %mul3A_138, %mul3A_139 : i32
      %add3A_141 = arith.constant 11 : i32
      %add3A_142 = arith.addi %mul3A_140, %add3A_141 : i32
      %dma_start3A_143 = arith.constant 0 : i32
      %dma_start3A_144 = tpu.memref_slice %arg6[%add3A_142, %dma_start3A_143] : memref<196x128xi32, #tpu.memory_space<vmem>> -> memref<1x128xi32, #tpu.memory_space<vmem>>
      %dma_start3A_145 = tpu.memref_squeeze %dma_start3A_144 : memref<1x128xi32, #tpu.memory_space<vmem>> -> memref<128xi32, #tpu.memory_space<vmem>>
      %dma_start3A_146 = arith.constant 0 : i32
      %dma_start3A_147 = tpu.memref_slice %arg9[%dma_start3A_146] : memref<526336xf32, #tpu.memory_space<vmem_shared>> -> memref<526336xf32, #tpu.memory_space<vmem_shared>>
      tpu.enqueue_indirect_dma source(%arg7 : memref<128xf32, #tpu.memory_space<vmem>>) target(%dma_start3A_147 : memref<526336xf32, #tpu.memory_space<vmem_shared>>) offsets(%dma_start3A_145 : memref<128xi32, #tpu.memory_space<vmem>>) semaphore(%arg10 : memref<!tpu.dma_semaphore, #tpu.memory_space<semaphore_mem>>) {add = true}
      %mul3A_148 = arith.constant 2 : i32
      %mul3A_149 = arith.muli %scan3A_16, %mul3A_148 : i32
      %mul3A_150 = arith.constant 14 : i32
      %mul3A_151 = arith.muli %mul3A_149, %mul3A_150 : i32
      %add3A_152 = arith.constant 12 : i32
      %add3A_153 = arith.addi %mul3A_151, %add3A_152 : i32
      %dma_start3A_154 = arith.constant 0 : i32
      %dma_start3A_155 = tpu.memref_slice %arg6[%add3A_153, %dma_start3A_154] : memref<196x128xi32, #tpu.memory_space<vmem>> -> memref<1x128xi32, #tpu.memory_space<vmem>>
      %dma_start3A_156 = tpu.memref_squeeze %dma_start3A_155 : memref<1x128xi32, #tpu.memory_space<vmem>> -> memref<128xi32, #tpu.memory_space<vmem>>
      %dma_start3A_157 = arith.constant 0 : i32
      %dma_start3A_158 = tpu.memref_slice %arg9[%dma_start3A_157] : memref<526336xf32, #tpu.memory_space<vmem_shared>> -> memref<526336xf32, #tpu.memory_space<vmem_shared>>
      tpu.enqueue_indirect_dma source(%arg7 : memref<128xf32, #tpu.memory_space<vmem>>) target(%dma_start3A_158 : memref<526336xf32, #tpu.memory_space<vmem_shared>>) offsets(%dma_start3A_156 : memref<128xi32, #tpu.memory_space<vmem>>) semaphore(%arg10 : memref<!tpu.dma_semaphore, #tpu.memory_space<semaphore_mem>>) {add = true}
      %mul3A_159 = arith.constant 2 : i32
      %mul3A_160 = arith.muli %scan3A_16, %mul3A_159 : i32
      %mul3A_161 = arith.constant 14 : i32
      %mul3A_162 = arith.muli %mul3A_160, %mul3A_161 : i32
      %add3A_163 = arith.constant 13 : i32
      %add3A_164 = arith.addi %mul3A_162, %add3A_163 : i32
      %dma_start3A_165 = arith.constant 0 : i32
      %dma_start3A_166 = tpu.memref_slice %arg6[%add3A_164, %dma_start3A_165] : memref<196x128xi32, #tpu.memory_space<vmem>> -> memref<1x128xi32, #tpu.memory_space<vmem>>
      %dma_start3A_167 = tpu.memref_squeeze %dma_start3A_166 : memref<1x128xi32, #tpu.memory_space<vmem>> -> memref<128xi32, #tpu.memory_space<vmem>>
      %dma_start3A_168 = arith.constant 0 : i32
      %dma_start3A_169 = tpu.memref_slice %arg9[%dma_start3A_168] : memref<526336xf32, #tpu.memory_space<vmem_shared>> -> memref<526336xf32, #tpu.memory_space<vmem_shared>>
      tpu.enqueue_indirect_dma source(%arg7 : memref<128xf32, #tpu.memory_space<vmem>>) target(%dma_start3A_169 : memref<526336xf32, #tpu.memory_space<vmem_shared>>) offsets(%dma_start3A_167 : memref<128xi32, #tpu.memory_space<vmem>>) semaphore(%arg10 : memref<!tpu.dma_semaphore, #tpu.memory_space<semaphore_mem>>) {add = true}
      %mul3A_170 = arith.constant 2 : i32
      %mul3A_171 = arith.muli %scan3A_16, %mul3A_170 : i32
      %mul3A_172 = arith.constant 14 : i32
      %mul3A_173 = arith.muli %mul3A_171, %mul3A_172 : i32
      %add3A_174 = arith.constant 14 : i32
      %add3A_175 = arith.addi %mul3A_173, %add3A_174 : i32
      %dma_start3A_176 = arith.constant 0 : i32
      %dma_start3A_177 = tpu.memref_slice %arg6[%add3A_175, %dma_start3A_176] : memref<196x128xi32, #tpu.memory_space<vmem>> -> memref<1x128xi32, #tpu.memory_space<vmem>>
      %dma_start3A_178 = tpu.memref_squeeze %dma_start3A_177 : memref<1x128xi32, #tpu.memory_space<vmem>> -> memref<128xi32, #tpu.memory_space<vmem>>
      %dma_start3A_179 = arith.constant 0 : i32
      %dma_start3A_180 = tpu.memref_slice %arg9[%dma_start3A_179] : memref<526336xf32, #tpu.memory_space<vmem_shared>> -> memref<526336xf32, #tpu.memory_space<vmem_shared>>
      tpu.enqueue_indirect_dma source(%arg7 : memref<128xf32, #tpu.memory_space<vmem>>) target(%dma_start3A_180 : memref<526336xf32, #tpu.memory_space<vmem_shared>>) offsets(%dma_start3A_178 : memref<128xi32, #tpu.memory_space<vmem>>) semaphore(%arg10 : memref<!tpu.dma_semaphore, #tpu.memory_space<semaphore_mem>>) {add = true}
      %mul3A_181 = arith.constant 2 : i32
      %mul3A_182 = arith.muli %scan3A_16, %mul3A_181 : i32
      %mul3A_183 = arith.constant 14 : i32
      %mul3A_184 = arith.muli %mul3A_182, %mul3A_183 : i32
      %add3A_185 = arith.constant 15 : i32
      %add3A_186 = arith.addi %mul3A_184, %add3A_185 : i32
      %dma_start3A_187 = arith.constant 0 : i32
      %dma_start3A_188 = tpu.memref_slice %arg6[%add3A_186, %dma_start3A_187] : memref<196x128xi32, #tpu.memory_space<vmem>> -> memref<1x128xi32, #tpu.memory_space<vmem>>
      %dma_start3A_189 = tpu.memref_squeeze %dma_start3A_188 : memref<1x128xi32, #tpu.memory_space<vmem>> -> memref<128xi32, #tpu.memory_space<vmem>>
      %dma_start3A_190 = arith.constant 0 : i32
      %dma_start3A_191 = tpu.memref_slice %arg9[%dma_start3A_190] : memref<526336xf32, #tpu.memory_space<vmem_shared>> -> memref<526336xf32, #tpu.memory_space<vmem_shared>>
      tpu.enqueue_indirect_dma source(%arg7 : memref<128xf32, #tpu.memory_space<vmem>>) target(%dma_start3A_191 : memref<526336xf32, #tpu.memory_space<vmem_shared>>) offsets(%dma_start3A_189 : memref<128xi32, #tpu.memory_space<vmem>>) semaphore(%arg10 : memref<!tpu.dma_semaphore, #tpu.memory_space<semaphore_mem>>) {add = true}
      %mul3A_192 = arith.constant 2 : i32
      %mul3A_193 = arith.muli %scan3A_16, %mul3A_192 : i32
      %mul3A_194 = arith.constant 14 : i32
      %mul3A_195 = arith.muli %mul3A_193, %mul3A_194 : i32
      %add3A_196 = arith.constant 16 : i32
      %add3A_197 = arith.addi %mul3A_195, %add3A_196 : i32
      %dma_start3A_198 = arith.constant 0 : i32
      %dma_start3A_199 = tpu.memref_slice %arg6[%add3A_197, %dma_start3A_198] : memref<196x128xi32, #tpu.memory_space<vmem>> -> memref<1x128xi32, #tpu.memory_space<vmem>>
      %dma_start3A_200 = tpu.memref_squeeze %dma_start3A_199 : memref<1x128xi32, #tpu.memory_space<vmem>> -> memref<128xi32, #tpu.memory_space<vmem>>
      %dma_start3A_201 = arith.constant 0 : i32
      %dma_start3A_202 = tpu.memref_slice %arg9[%dma_start3A_201] : memref<526336xf32, #tpu.memory_space<vmem_shared>> -> memref<526336xf32, #tpu.memory_space<vmem_shared>>
      tpu.enqueue_indirect_dma source(%arg7 : memref<128xf32, #tpu.memory_space<vmem>>) target(%dma_start3A_202 : memref<526336xf32, #tpu.memory_space<vmem_shared>>) offsets(%dma_start3A_200 : memref<128xi32, #tpu.memory_space<vmem>>) semaphore(%arg10 : memref<!tpu.dma_semaphore, #tpu.memory_space<semaphore_mem>>) {add = true}
      %mul3A_203 = arith.constant 2 : i32
      %mul3A_204 = arith.muli %scan3A_16, %mul3A_203 : i32
      %mul3A_205 = arith.constant 14 : i32
      %mul3A_206 = arith.muli %mul3A_204, %mul3A_205 : i32
      %add3A_207 = arith.constant 17 : i32
      %add3A_208 = arith.addi %mul3A_206, %add3A_207 : i32
      %dma_start3A_209 = arith.constant 0 : i32
      %dma_start3A_210 = tpu.memref_slice %arg6[%add3A_208, %dma_start3A_209] : memref<196x128xi32, #tpu.memory_space<vmem>> -> memref<1x128xi32, #tpu.memory_space<vmem>>
      %dma_start3A_211 = tpu.memref_squeeze %dma_start3A_210 : memref<1x128xi32, #tpu.memory_space<vmem>> -> memref<128xi32, #tpu.memory_space<vmem>>
      %dma_start3A_212 = arith.constant 0 : i32
      %dma_start3A_213 = tpu.memref_slice %arg9[%dma_start3A_212] : memref<526336xf32, #tpu.memory_space<vmem_shared>> -> memref<526336xf32, #tpu.memory_space<vmem_shared>>
      tpu.enqueue_indirect_dma source(%arg7 : memref<128xf32, #tpu.memory_space<vmem>>) target(%dma_start3A_213 : memref<526336xf32, #tpu.memory_space<vmem_shared>>) offsets(%dma_start3A_211 : memref<128xi32, #tpu.memory_space<vmem>>) semaphore(%arg10 : memref<!tpu.dma_semaphore, #tpu.memory_space<semaphore_mem>>) {add = true}
      %mul3A_214 = arith.constant 2 : i32
      %mul3A_215 = arith.muli %scan3A_16, %mul3A_214 : i32
      %mul3A_216 = arith.constant 14 : i32
      %mul3A_217 = arith.muli %mul3A_215, %mul3A_216 : i32
      %add3A_218 = arith.constant 18 : i32
      %add3A_219 = arith.addi %mul3A_217, %add3A_218 : i32
      %dma_start3A_220 = arith.constant 0 : i32
      %dma_start3A_221 = tpu.memref_slice %arg6[%add3A_219, %dma_start3A_220] : memref<196x128xi32, #tpu.memory_space<vmem>> -> memref<1x128xi32, #tpu.memory_space<vmem>>
      %dma_start3A_222 = tpu.memref_squeeze %dma_start3A_221 : memref<1x128xi32, #tpu.memory_space<vmem>> -> memref<128xi32, #tpu.memory_space<vmem>>
      %dma_start3A_223 = arith.constant 0 : i32
      %dma_start3A_224 = tpu.memref_slice %arg9[%dma_start3A_223] : memref<526336xf32, #tpu.memory_space<vmem_shared>> -> memref<526336xf32, #tpu.memory_space<vmem_shared>>
      tpu.enqueue_indirect_dma source(%arg7 : memref<128xf32, #tpu.memory_space<vmem>>) target(%dma_start3A_224 : memref<526336xf32, #tpu.memory_space<vmem_shared>>) offsets(%dma_start3A_222 : memref<128xi32, #tpu.memory_space<vmem>>) semaphore(%arg10 : memref<!tpu.dma_semaphore, #tpu.memory_space<semaphore_mem>>) {add = true}
      %mul3A_225 = arith.constant 2 : i32
      %mul3A_226 = arith.muli %scan3A_16, %mul3A_225 : i32
      %mul3A_227 = arith.constant 14 : i32
      %mul3A_228 = arith.muli %mul3A_226, %mul3A_227 : i32
      %add3A_229 = arith.constant 19 : i32
      %add3A_230 = arith.addi %mul3A_228, %add3A_229 : i32
      %dma_start3A_231 = arith.constant 0 : i32
      %dma_start3A_232 = tpu.memref_slice %arg6[%add3A_230, %dma_start3A_231] : memref<196x128xi32, #tpu.memory_space<vmem>> -> memref<1x128xi32, #tpu.memory_space<vmem>>
      %dma_start3A_233 = tpu.memref_squeeze %dma_start3A_232 : memref<1x128xi32, #tpu.memory_space<vmem>> -> memref<128xi32, #tpu.memory_space<vmem>>
      %dma_start3A_234 = arith.constant 0 : i32
      %dma_start3A_235 = tpu.memref_slice %arg9[%dma_start3A_234] : memref<526336xf32, #tpu.memory_space<vmem_shared>> -> memref<526336xf32, #tpu.memory_space<vmem_shared>>
      tpu.enqueue_indirect_dma source(%arg7 : memref<128xf32, #tpu.memory_space<vmem>>) target(%dma_start3A_235 : memref<526336xf32, #tpu.memory_space<vmem_shared>>) offsets(%dma_start3A_233 : memref<128xi32, #tpu.memory_space<vmem>>) semaphore(%arg10 : memref<!tpu.dma_semaphore, #tpu.memory_space<semaphore_mem>>) {add = true}
      %mul3A_236 = arith.constant 2 : i32
      %mul3A_237 = arith.muli %scan3A_16, %mul3A_236 : i32
      %mul3A_238 = arith.constant 14 : i32
      %mul3A_239 = arith.muli %mul3A_237, %mul3A_238 : i32
      %add3A_240 = arith.constant 20 : i32
      %add3A_241 = arith.addi %mul3A_239, %add3A_240 : i32
      %dma_start3A_242 = arith.constant 0 : i32
      %dma_start3A_243 = tpu.memref_slice %arg6[%add3A_241, %dma_start3A_242] : memref<196x128xi32, #tpu.memory_space<vmem>> -> memref<1x128xi32, #tpu.memory_space<vmem>>
      %dma_start3A_244 = tpu.memref_squeeze %dma_start3A_243 : memref<1x128xi32, #tpu.memory_space<vmem>> -> memref<128xi32, #tpu.memory_space<vmem>>
      %dma_start3A_245 = arith.constant 0 : i32
      %dma_start3A_246 = tpu.memref_slice %arg9[%dma_start3A_245] : memref<526336xf32, #tpu.memory_space<vmem_shared>> -> memref<526336xf32, #tpu.memory_space<vmem_shared>>
      tpu.enqueue_indirect_dma source(%arg7 : memref<128xf32, #tpu.memory_space<vmem>>) target(%dma_start3A_246 : memref<526336xf32, #tpu.memory_space<vmem_shared>>) offsets(%dma_start3A_244 : memref<128xi32, #tpu.memory_space<vmem>>) semaphore(%arg10 : memref<!tpu.dma_semaphore, #tpu.memory_space<semaphore_mem>>) {add = true}
      %mul3A_247 = arith.constant 2 : i32
      %mul3A_248 = arith.muli %scan3A_16, %mul3A_247 : i32
      %mul3A_249 = arith.constant 14 : i32
      %mul3A_250 = arith.muli %mul3A_248, %mul3A_249 : i32
      %add3A_251 = arith.constant 21 : i32
      %add3A_252 = arith.addi %mul3A_250, %add3A_251 : i32
      %dma_start3A_253 = arith.constant 0 : i32
      %dma_start3A_254 = tpu.memref_slice %arg6[%add3A_252, %dma_start3A_253] : memref<196x128xi32, #tpu.memory_space<vmem>> -> memref<1x128xi32, #tpu.memory_space<vmem>>
      %dma_start3A_255 = tpu.memref_squeeze %dma_start3A_254 : memref<1x128xi32, #tpu.memory_space<vmem>> -> memref<128xi32, #tpu.memory_space<vmem>>
      %dma_start3A_256 = arith.constant 0 : i32
      %dma_start3A_257 = tpu.memref_slice %arg9[%dma_start3A_256] : memref<526336xf32, #tpu.memory_space<vmem_shared>> -> memref<526336xf32, #tpu.memory_space<vmem_shared>>
      tpu.enqueue_indirect_dma source(%arg7 : memref<128xf32, #tpu.memory_space<vmem>>) target(%dma_start3A_257 : memref<526336xf32, #tpu.memory_space<vmem_shared>>) offsets(%dma_start3A_255 : memref<128xi32, #tpu.memory_space<vmem>>) semaphore(%arg10 : memref<!tpu.dma_semaphore, #tpu.memory_space<semaphore_mem>>) {add = true}
      %mul3A_258 = arith.constant 2 : i32
      %mul3A_259 = arith.muli %scan3A_16, %mul3A_258 : i32
      %mul3A_260 = arith.constant 14 : i32
      %mul3A_261 = arith.muli %mul3A_259, %mul3A_260 : i32
      %add3A_262 = arith.constant 22 : i32
      %add3A_263 = arith.addi %mul3A_261, %add3A_262 : i32
      %dma_start3A_264 = arith.constant 0 : i32
      %dma_start3A_265 = tpu.memref_slice %arg6[%add3A_263, %dma_start3A_264] : memref<196x128xi32, #tpu.memory_space<vmem>> -> memref<1x128xi32, #tpu.memory_space<vmem>>
      %dma_start3A_266 = tpu.memref_squeeze %dma_start3A_265 : memref<1x128xi32, #tpu.memory_space<vmem>> -> memref<128xi32, #tpu.memory_space<vmem>>
      %dma_start3A_267 = arith.constant 0 : i32
      %dma_start3A_268 = tpu.memref_slice %arg9[%dma_start3A_267] : memref<526336xf32, #tpu.memory_space<vmem_shared>> -> memref<526336xf32, #tpu.memory_space<vmem_shared>>
      tpu.enqueue_indirect_dma source(%arg7 : memref<128xf32, #tpu.memory_space<vmem>>) target(%dma_start3A_268 : memref<526336xf32, #tpu.memory_space<vmem_shared>>) offsets(%dma_start3A_266 : memref<128xi32, #tpu.memory_space<vmem>>) semaphore(%arg10 : memref<!tpu.dma_semaphore, #tpu.memory_space<semaphore_mem>>) {add = true}
      %mul3A_269 = arith.constant 2 : i32
      %mul3A_270 = arith.muli %scan3A_16, %mul3A_269 : i32
      %mul3A_271 = arith.constant 14 : i32
      %mul3A_272 = arith.muli %mul3A_270, %mul3A_271 : i32
      %add3A_273 = arith.constant 23 : i32
      %add3A_274 = arith.addi %mul3A_272, %add3A_273 : i32
      %dma_start3A_275 = arith.constant 0 : i32
      %dma_start3A_276 = tpu.memref_slice %arg6[%add3A_274, %dma_start3A_275] : memref<196x128xi32, #tpu.memory_space<vmem>> -> memref<1x128xi32, #tpu.memory_space<vmem>>
      %dma_start3A_277 = tpu.memref_squeeze %dma_start3A_276 : memref<1x128xi32, #tpu.memory_space<vmem>> -> memref<128xi32, #tpu.memory_space<vmem>>
      %dma_start3A_278 = arith.constant 0 : i32
      %dma_start3A_279 = tpu.memref_slice %arg9[%dma_start3A_278] : memref<526336xf32, #tpu.memory_space<vmem_shared>> -> memref<526336xf32, #tpu.memory_space<vmem_shared>>
      tpu.enqueue_indirect_dma source(%arg7 : memref<128xf32, #tpu.memory_space<vmem>>) target(%dma_start3A_279 : memref<526336xf32, #tpu.memory_space<vmem_shared>>) offsets(%dma_start3A_277 : memref<128xi32, #tpu.memory_space<vmem>>) semaphore(%arg10 : memref<!tpu.dma_semaphore, #tpu.memory_space<semaphore_mem>>) {add = true}
      %mul3A_280 = arith.constant 2 : i32
      %mul3A_281 = arith.muli %scan3A_16, %mul3A_280 : i32
      %mul3A_282 = arith.constant 14 : i32
      %mul3A_283 = arith.muli %mul3A_281, %mul3A_282 : i32
      %add3A_284 = arith.constant 24 : i32
      %add3A_285 = arith.addi %mul3A_283, %add3A_284 : i32
      %dma_start3A_286 = arith.constant 0 : i32
      %dma_start3A_287 = tpu.memref_slice %arg6[%add3A_285, %dma_start3A_286] : memref<196x128xi32, #tpu.memory_space<vmem>> -> memref<1x128xi32, #tpu.memory_space<vmem>>
      %dma_start3A_288 = tpu.memref_squeeze %dma_start3A_287 : memref<1x128xi32, #tpu.memory_space<vmem>> -> memref<128xi32, #tpu.memory_space<vmem>>
      %dma_start3A_289 = arith.constant 0 : i32
      %dma_start3A_290 = tpu.memref_slice %arg9[%dma_start3A_289] : memref<526336xf32, #tpu.memory_space<vmem_shared>> -> memref<526336xf32, #tpu.memory_space<vmem_shared>>
      tpu.enqueue_indirect_dma source(%arg7 : memref<128xf32, #tpu.memory_space<vmem>>) target(%dma_start3A_290 : memref<526336xf32, #tpu.memory_space<vmem_shared>>) offsets(%dma_start3A_288 : memref<128xi32, #tpu.memory_space<vmem>>) semaphore(%arg10 : memref<!tpu.dma_semaphore, #tpu.memory_space<semaphore_mem>>) {add = true}
      %mul3A_291 = arith.constant 2 : i32
      %mul3A_292 = arith.muli %scan3A_16, %mul3A_291 : i32
      %mul3A_293 = arith.constant 14 : i32
      %mul3A_294 = arith.muli %mul3A_292, %mul3A_293 : i32
      %add3A_295 = arith.constant 25 : i32
      %add3A_296 = arith.addi %mul3A_294, %add3A_295 : i32
      %dma_start3A_297 = arith.constant 0 : i32
      %dma_start3A_298 = tpu.memref_slice %arg6[%add3A_296, %dma_start3A_297] : memref<196x128xi32, #tpu.memory_space<vmem>> -> memref<1x128xi32, #tpu.memory_space<vmem>>
      %dma_start3A_299 = tpu.memref_squeeze %dma_start3A_298 : memref<1x128xi32, #tpu.memory_space<vmem>> -> memref<128xi32, #tpu.memory_space<vmem>>
      %dma_start3A_300 = arith.constant 0 : i32
      %dma_start3A_301 = tpu.memref_slice %arg9[%dma_start3A_300] : memref<526336xf32, #tpu.memory_space<vmem_shared>> -> memref<526336xf32, #tpu.memory_space<vmem_shared>>
      tpu.enqueue_indirect_dma source(%arg7 : memref<128xf32, #tpu.memory_space<vmem>>) target(%dma_start3A_301 : memref<526336xf32, #tpu.memory_space<vmem_shared>>) offsets(%dma_start3A_299 : memref<128xi32, #tpu.memory_space<vmem>>) semaphore(%arg10 : memref<!tpu.dma_semaphore, #tpu.memory_space<semaphore_mem>>) {add = true}
      %mul3A_302 = arith.constant 2 : i32
      %mul3A_303 = arith.muli %scan3A_16, %mul3A_302 : i32
      %mul3A_304 = arith.constant 14 : i32
      %mul3A_305 = arith.muli %mul3A_303, %mul3A_304 : i32
      %add3A_306 = arith.constant 26 : i32
      %add3A_307 = arith.addi %mul3A_305, %add3A_306 : i32
      %dma_start3A_308 = arith.constant 0 : i32
      %dma_start3A_309 = tpu.memref_slice %arg6[%add3A_307, %dma_start3A_308] : memref<196x128xi32, #tpu.memory_space<vmem>> -> memref<1x128xi32, #tpu.memory_space<vmem>>
      %dma_start3A_310 = tpu.memref_squeeze %dma_start3A_309 : memref<1x128xi32, #tpu.memory_space<vmem>> -> memref<128xi32, #tpu.memory_space<vmem>>
      %dma_start3A_311 = arith.constant 0 : i32
      %dma_start3A_312 = tpu.memref_slice %arg9[%dma_start3A_311] : memref<526336xf32, #tpu.memory_space<vmem_shared>> -> memref<526336xf32, #tpu.memory_space<vmem_shared>>
      tpu.enqueue_indirect_dma source(%arg7 : memref<128xf32, #tpu.memory_space<vmem>>) target(%dma_start3A_312 : memref<526336xf32, #tpu.memory_space<vmem_shared>>) offsets(%dma_start3A_310 : memref<128xi32, #tpu.memory_space<vmem>>) semaphore(%arg10 : memref<!tpu.dma_semaphore, #tpu.memory_space<semaphore_mem>>) {add = true}
      %mul3A_313 = arith.constant 2 : i32
      %mul3A_314 = arith.muli %scan3A_16, %mul3A_313 : i32
      %mul3A_315 = arith.constant 14 : i32
      %mul3A_316 = arith.muli %mul3A_314, %mul3A_315 : i32
      %add3A_317 = arith.constant 27 : i32
      %add3A_318 = arith.addi %mul3A_316, %add3A_317 : i32
      %dma_start3A_319 = arith.constant 0 : i32
      %dma_start3A_320 = tpu.memref_slice %arg6[%add3A_318, %dma_start3A_319] : memref<196x128xi32, #tpu.memory_space<vmem>> -> memref<1x128xi32, #tpu.memory_space<vmem>>
      %dma_start3A_321 = tpu.memref_squeeze %dma_start3A_320 : memref<1x128xi32, #tpu.memory_space<vmem>> -> memref<128xi32, #tpu.memory_space<vmem>>
      %dma_start3A_322 = arith.constant 0 : i32
      %dma_start3A_323 = tpu.memref_slice %arg9[%dma_start3A_322] : memref<526336xf32, #tpu.memory_space<vmem_shared>> -> memref<526336xf32, #tpu.memory_space<vmem_shared>>
      tpu.enqueue_indirect_dma source(%arg7 : memref<128xf32, #tpu.memory_space<vmem>>) target(%dma_start3A_323 : memref<526336xf32, #tpu.memory_space<vmem_shared>>) offsets(%dma_start3A_321 : memref<128xi32, #tpu.memory_space<vmem>>) semaphore(%arg10 : memref<!tpu.dma_semaphore, #tpu.memory_space<semaphore_mem>>) {add = true}
      %dma_wait3A = arith.constant 0 : i32
      %dma_wait3A_324 = tpu.memref_slice %arg6[%add3A_22, %dma_wait3A] : memref<196x128xi32, #tpu.memory_space<vmem>> -> memref<1x128xi32, #tpu.memory_space<vmem>>
      %dma_wait3A_325 = tpu.memref_squeeze %dma_wait3A_324 : memref<1x128xi32, #tpu.memory_space<vmem>> -> memref<128xi32, #tpu.memory_space<vmem>>
      %dma_wait3A_326 = arith.constant 0 : i32
      %dma_wait3A_327 = tpu.memref_slice %arg9[%dma_wait3A_326] : memref<526336xf32, #tpu.memory_space<vmem_shared>> -> memref<526336xf32, #tpu.memory_space<vmem_shared>>
      tpu.wait_indirect_dma semaphore(%arg10 : memref<!tpu.dma_semaphore, #tpu.memory_space<semaphore_mem>>) src(%arg7 : memref<128xf32, #tpu.memory_space<vmem>>) dst(%dma_wait3A_327 : memref<526336xf32, #tpu.memory_space<vmem_shared>>)
      %dma_wait3A_328 = arith.constant 0 : i32
      %dma_wait3A_329 = tpu.memref_slice %arg6[%add3A_32, %dma_wait3A_328] : memref<196x128xi32, #tpu.memory_space<vmem>> -> memref<1x128xi32, #tpu.memory_space<vmem>>
      %dma_wait3A_330 = tpu.memref_squeeze %dma_wait3A_329 : memref<1x128xi32, #tpu.memory_space<vmem>> -> memref<128xi32, #tpu.memory_space<vmem>>
      %dma_wait3A_331 = arith.constant 0 : i32
      %dma_wait3A_332 = tpu.memref_slice %arg9[%dma_wait3A_331] : memref<526336xf32, #tpu.memory_space<vmem_shared>> -> memref<526336xf32, #tpu.memory_space<vmem_shared>>
      tpu.wait_indirect_dma semaphore(%arg10 : memref<!tpu.dma_semaphore, #tpu.memory_space<semaphore_mem>>) src(%arg7 : memref<128xf32, #tpu.memory_space<vmem>>) dst(%dma_wait3A_332 : memref<526336xf32, #tpu.memory_space<vmem_shared>>)
      %dma_wait3A_333 = arith.constant 0 : i32
      %dma_wait3A_334 = tpu.memref_slice %arg6[%add3A_43, %dma_wait3A_333] : memref<196x128xi32, #tpu.memory_space<vmem>> -> memref<1x128xi32, #tpu.memory_space<vmem>>
      %dma_wait3A_335 = tpu.memref_squeeze %dma_wait3A_334 : memref<1x128xi32, #tpu.memory_space<vmem>> -> memref<128xi32, #tpu.memory_space<vmem>>
      %dma_wait3A_336 = arith.constant 0 : i32
      %dma_wait3A_337 = tpu.memref_slice %arg9[%dma_wait3A_336] : memref<526336xf32, #tpu.memory_space<vmem_shared>> -> memref<526336xf32, #tpu.memory_space<vmem_shared>>
      tpu.wait_indirect_dma semaphore(%arg10 : memref<!tpu.dma_semaphore, #tpu.memory_space<semaphore_mem>>) src(%arg7 : memref<128xf32, #tpu.memory_space<vmem>>) dst(%dma_wait3A_337 : memref<526336xf32, #tpu.memory_space<vmem_shared>>)
      %dma_wait3A_338 = arith.constant 0 : i32
      %dma_wait3A_339 = tpu.memref_slice %arg6[%add3A_54, %dma_wait3A_338] : memref<196x128xi32, #tpu.memory_space<vmem>> -> memref<1x128xi32, #tpu.memory_space<vmem>>
      %dma_wait3A_340 = tpu.memref_squeeze %dma_wait3A_339 : memref<1x128xi32, #tpu.memory_space<vmem>> -> memref<128xi32, #tpu.memory_space<vmem>>
      %dma_wait3A_341 = arith.constant 0 : i32
      %dma_wait3A_342 = tpu.memref_slice %arg9[%dma_wait3A_341] : memref<526336xf32, #tpu.memory_space<vmem_shared>> -> memref<526336xf32, #tpu.memory_space<vmem_shared>>
      tpu.wait_indirect_dma semaphore(%arg10 : memref<!tpu.dma_semaphore, #tpu.memory_space<semaphore_mem>>) src(%arg7 : memref<128xf32, #tpu.memory_space<vmem>>) dst(%dma_wait3A_342 : memref<526336xf32, #tpu.memory_space<vmem_shared>>)
      %dma_wait3A_343 = arith.constant 0 : i32
      %dma_wait3A_344 = tpu.memref_slice %arg6[%add3A_65, %dma_wait3A_343] : memref<196x128xi32, #tpu.memory_space<vmem>> -> memref<1x128xi32, #tpu.memory_space<vmem>>
      %dma_wait3A_345 = tpu.memref_squeeze %dma_wait3A_344 : memref<1x128xi32, #tpu.memory_space<vmem>> -> memref<128xi32, #tpu.memory_space<vmem>>
      %dma_wait3A_346 = arith.constant 0 : i32
      %dma_wait3A_347 = tpu.memref_slice %arg9[%dma_wait3A_346] : memref<526336xf32, #tpu.memory_space<vmem_shared>> -> memref<526336xf32, #tpu.memory_space<vmem_shared>>
      tpu.wait_indirect_dma semaphore(%arg10 : memref<!tpu.dma_semaphore, #tpu.memory_space<semaphore_mem>>) src(%arg7 : memref<128xf32, #tpu.memory_space<vmem>>) dst(%dma_wait3A_347 : memref<526336xf32, #tpu.memory_space<vmem_shared>>)
      %dma_wait3A_348 = arith.constant 0 : i32
      %dma_wait3A_349 = tpu.memref_slice %arg6[%add3A_76, %dma_wait3A_348] : memref<196x128xi32, #tpu.memory_space<vmem>> -> memref<1x128xi32, #tpu.memory_space<vmem>>
      %dma_wait3A_350 = tpu.memref_squeeze %dma_wait3A_349 : memref<1x128xi32, #tpu.memory_space<vmem>> -> memref<128xi32, #tpu.memory_space<vmem>>
      %dma_wait3A_351 = arith.constant 0 : i32
      %dma_wait3A_352 = tpu.memref_slice %arg9[%dma_wait3A_351] : memref<526336xf32, #tpu.memory_space<vmem_shared>> -> memref<526336xf32, #tpu.memory_space<vmem_shared>>
      tpu.wait_indirect_dma semaphore(%arg10 : memref<!tpu.dma_semaphore, #tpu.memory_space<semaphore_mem>>) src(%arg7 : memref<128xf32, #tpu.memory_space<vmem>>) dst(%dma_wait3A_352 : memref<526336xf32, #tpu.memory_space<vmem_shared>>)
      %dma_wait3A_353 = arith.constant 0 : i32
      %dma_wait3A_354 = tpu.memref_slice %arg6[%add3A_87, %dma_wait3A_353] : memref<196x128xi32, #tpu.memory_space<vmem>> -> memref<1x128xi32, #tpu.memory_space<vmem>>
      %dma_wait3A_355 = tpu.memref_squeeze %dma_wait3A_354 : memref<1x128xi32, #tpu.memory_space<vmem>> -> memref<128xi32, #tpu.memory_space<vmem>>
      %dma_wait3A_356 = arith.constant 0 : i32
      %dma_wait3A_357 = tpu.memref_slice %arg9[%dma_wait3A_356] : memref<526336xf32, #tpu.memory_space<vmem_shared>> -> memref<526336xf32, #tpu.memory_space<vmem_shared>>
      tpu.wait_indirect_dma semaphore(%arg10 : memref<!tpu.dma_semaphore, #tpu.memory_space<semaphore_mem>>) src(%arg7 : memref<128xf32, #tpu.memory_space<vmem>>) dst(%dma_wait3A_357 : memref<526336xf32, #tpu.memory_space<vmem_shared>>)
      %dma_wait3A_358 = arith.constant 0 : i32
      %dma_wait3A_359 = tpu.memref_slice %arg6[%add3A_98, %dma_wait3A_358] : memref<196x128xi32, #tpu.memory_space<vmem>> -> memref<1x128xi32, #tpu.memory_space<vmem>>
      %dma_wait3A_360 = tpu.memref_squeeze %dma_wait3A_359 : memref<1x128xi32, #tpu.memory_space<vmem>> -> memref<128xi32, #tpu.memory_space<vmem>>
      %dma_wait3A_361 = arith.constant 0 : i32
      %dma_wait3A_362 = tpu.memref_slice %arg9[%dma_wait3A_361] : memref<526336xf32, #tpu.memory_space<vmem_shared>> -> memref<526336xf32, #tpu.memory_space<vmem_shared>>
      tpu.wait_indirect_dma semaphore(%arg10 : memref<!tpu.dma_semaphore, #tpu.memory_space<semaphore_mem>>) src(%arg7 : memref<128xf32, #tpu.memory_space<vmem>>) dst(%dma_wait3A_362 : memref<526336xf32, #tpu.memory_space<vmem_shared>>)
      %dma_wait3A_363 = arith.constant 0 : i32
      %dma_wait3A_364 = tpu.memref_slice %arg6[%add3A_109, %dma_wait3A_363] : memref<196x128xi32, #tpu.memory_space<vmem>> -> memref<1x128xi32, #tpu.memory_space<vmem>>
      %dma_wait3A_365 = tpu.memref_squeeze %dma_wait3A_364 : memref<1x128xi32, #tpu.memory_space<vmem>> -> memref<128xi32, #tpu.memory_space<vmem>>
      %dma_wait3A_366 = arith.constant 0 : i32
      %dma_wait3A_367 = tpu.memref_slice %arg9[%dma_wait3A_366] : memref<526336xf32, #tpu.memory_space<vmem_shared>> -> memref<526336xf32, #tpu.memory_space<vmem_shared>>
      tpu.wait_indirect_dma semaphore(%arg10 : memref<!tpu.dma_semaphore, #tpu.memory_space<semaphore_mem>>) src(%arg7 : memref<128xf32, #tpu.memory_space<vmem>>) dst(%dma_wait3A_367 : memref<526336xf32, #tpu.memory_space<vmem_shared>>)
      %dma_wait3A_368 = arith.constant 0 : i32
      %dma_wait3A_369 = tpu.memref_slice %arg6[%add3A_120, %dma_wait3A_368] : memref<196x128xi32, #tpu.memory_space<vmem>> -> memref<1x128xi32, #tpu.memory_space<vmem>>
      %dma_wait3A_370 = tpu.memref_squeeze %dma_wait3A_369 : memref<1x128xi32, #tpu.memory_space<vmem>> -> memref<128xi32, #tpu.memory_space<vmem>>
      %dma_wait3A_371 = arith.constant 0 : i32
      %dma_wait3A_372 = tpu.memref_slice %arg9[%dma_wait3A_371] : memref<526336xf32, #tpu.memory_space<vmem_shared>> -> memref<526336xf32, #tpu.memory_space<vmem_shared>>
      tpu.wait_indirect_dma semaphore(%arg10 : memref<!tpu.dma_semaphore, #tpu.memory_space<semaphore_mem>>) src(%arg7 : memref<128xf32, #tpu.memory_space<vmem>>) dst(%dma_wait3A_372 : memref<526336xf32, #tpu.memory_space<vmem_shared>>)
      %dma_wait3A_373 = arith.constant 0 : i32
      %dma_wait3A_374 = tpu.memref_slice %arg6[%add3A_131, %dma_wait3A_373] : memref<196x128xi32, #tpu.memory_space<vmem>> -> memref<1x128xi32, #tpu.memory_space<vmem>>
      %dma_wait3A_375 = tpu.memref_squeeze %dma_wait3A_374 : memref<1x128xi32, #tpu.memory_space<vmem>> -> memref<128xi32, #tpu.memory_space<vmem>>
      %dma_wait3A_376 = arith.constant 0 : i32
      %dma_wait3A_377 = tpu.memref_slice %arg9[%dma_wait3A_376] : memref<526336xf32, #tpu.memory_space<vmem_shared>> -> memref<526336xf32, #tpu.memory_space<vmem_shared>>
      tpu.wait_indirect_dma semaphore(%arg10 : memref<!tpu.dma_semaphore, #tpu.memory_space<semaphore_mem>>) src(%arg7 : memref<128xf32, #tpu.memory_space<vmem>>) dst(%dma_wait3A_377 : memref<526336xf32, #tpu.memory_space<vmem_shared>>)
      %dma_wait3A_378 = arith.constant 0 : i32
      %dma_wait3A_379 = tpu.memref_slice %arg6[%add3A_142, %dma_wait3A_378] : memref<196x128xi32, #tpu.memory_space<vmem>> -> memref<1x128xi32, #tpu.memory_space<vmem>>
      %dma_wait3A_380 = tpu.memref_squeeze %dma_wait3A_379 : memref<1x128xi32, #tpu.memory_space<vmem>> -> memref<128xi32, #tpu.memory_space<vmem>>
      %dma_wait3A_381 = arith.constant 0 : i32
      %dma_wait3A_382 = tpu.memref_slice %arg9[%dma_wait3A_381] : memref<526336xf32, #tpu.memory_space<vmem_shared>> -> memref<526336xf32, #tpu.memory_space<vmem_shared>>
      tpu.wait_indirect_dma semaphore(%arg10 : memref<!tpu.dma_semaphore, #tpu.memory_space<semaphore_mem>>) src(%arg7 : memref<128xf32, #tpu.memory_space<vmem>>) dst(%dma_wait3A_382 : memref<526336xf32, #tpu.memory_space<vmem_shared>>)
      %dma_wait3A_383 = arith.constant 0 : i32
      %dma_wait3A_384 = tpu.memref_slice %arg6[%add3A_153, %dma_wait3A_383] : memref<196x128xi32, #tpu.memory_space<vmem>> -> memref<1x128xi32, #tpu.memory_space<vmem>>
      %dma_wait3A_385 = tpu.memref_squeeze %dma_wait3A_384 : memref<1x128xi32, #tpu.memory_space<vmem>> -> memref<128xi32, #tpu.memory_space<vmem>>
      %dma_wait3A_386 = arith.constant 0 : i32
      %dma_wait3A_387 = tpu.memref_slice %arg9[%dma_wait3A_386] : memref<526336xf32, #tpu.memory_space<vmem_shared>> -> memref<526336xf32, #tpu.memory_space<vmem_shared>>
      tpu.wait_indirect_dma semaphore(%arg10 : memref<!tpu.dma_semaphore, #tpu.memory_space<semaphore_mem>>) src(%arg7 : memref<128xf32, #tpu.memory_space<vmem>>) dst(%dma_wait3A_387 : memref<526336xf32, #tpu.memory_space<vmem_shared>>)
      %dma_wait3A_388 = arith.constant 0 : i32
      %dma_wait3A_389 = tpu.memref_slice %arg6[%add3A_164, %dma_wait3A_388] : memref<196x128xi32, #tpu.memory_space<vmem>> -> memref<1x128xi32, #tpu.memory_space<vmem>>
      %dma_wait3A_390 = tpu.memref_squeeze %dma_wait3A_389 : memref<1x128xi32, #tpu.memory_space<vmem>> -> memref<128xi32, #tpu.memory_space<vmem>>
      %dma_wait3A_391 = arith.constant 0 : i32
      %dma_wait3A_392 = tpu.memref_slice %arg9[%dma_wait3A_391] : memref<526336xf32, #tpu.memory_space<vmem_shared>> -> memref<526336xf32, #tpu.memory_space<vmem_shared>>
      tpu.wait_indirect_dma semaphore(%arg10 : memref<!tpu.dma_semaphore, #tpu.memory_space<semaphore_mem>>) src(%arg7 : memref<128xf32, #tpu.memory_space<vmem>>) dst(%dma_wait3A_392 : memref<526336xf32, #tpu.memory_space<vmem_shared>>)
      %dma_wait3A_393 = arith.constant 0 : i32
      %dma_wait3A_394 = tpu.memref_slice %arg6[%add3A_175, %dma_wait3A_393] : memref<196x128xi32, #tpu.memory_space<vmem>> -> memref<1x128xi32, #tpu.memory_space<vmem>>
      %dma_wait3A_395 = tpu.memref_squeeze %dma_wait3A_394 : memref<1x128xi32, #tpu.memory_space<vmem>> -> memref<128xi32, #tpu.memory_space<vmem>>
      %dma_wait3A_396 = arith.constant 0 : i32
      %dma_wait3A_397 = tpu.memref_slice %arg9[%dma_wait3A_396] : memref<526336xf32, #tpu.memory_space<vmem_shared>> -> memref<526336xf32, #tpu.memory_space<vmem_shared>>
      tpu.wait_indirect_dma semaphore(%arg10 : memref<!tpu.dma_semaphore, #tpu.memory_space<semaphore_mem>>) src(%arg7 : memref<128xf32, #tpu.memory_space<vmem>>) dst(%dma_wait3A_397 : memref<526336xf32, #tpu.memory_space<vmem_shared>>)
      %dma_wait3A_398 = arith.constant 0 : i32
      %dma_wait3A_399 = tpu.memref_slice %arg6[%add3A_186, %dma_wait3A_398] : memref<196x128xi32, #tpu.memory_space<vmem>> -> memref<1x128xi32, #tpu.memory_space<vmem>>
      %dma_wait3A_400 = tpu.memref_squeeze %dma_wait3A_399 : memref<1x128xi32, #tpu.memory_space<vmem>> -> memref<128xi32, #tpu.memory_space<vmem>>
      %dma_wait3A_401 = arith.constant 0 : i32
      %dma_wait3A_402 = tpu.memref_slice %arg9[%dma_wait3A_401] : memref<526336xf32, #tpu.memory_space<vmem_shared>> -> memref<526336xf32, #tpu.memory_space<vmem_shared>>
      tpu.wait_indirect_dma semaphore(%arg10 : memref<!tpu.dma_semaphore, #tpu.memory_space<semaphore_mem>>) src(%arg7 : memref<128xf32, #tpu.memory_space<vmem>>) dst(%dma_wait3A_402 : memref<526336xf32, #tpu.memory_space<vmem_shared>>)
      %dma_wait3A_403 = arith.constant 0 : i32
      %dma_wait3A_404 = tpu.memref_slice %arg6[%add3A_197, %dma_wait3A_403] : memref<196x128xi32, #tpu.memory_space<vmem>> -> memref<1x128xi32, #tpu.memory_space<vmem>>
      %dma_wait3A_405 = tpu.memref_squeeze %dma_wait3A_404 : memref<1x128xi32, #tpu.memory_space<vmem>> -> memref<128xi32, #tpu.memory_space<vmem>>
      %dma_wait3A_406 = arith.constant 0 : i32
      %dma_wait3A_407 = tpu.memref_slice %arg9[%dma_wait3A_406] : memref<526336xf32, #tpu.memory_space<vmem_shared>> -> memref<526336xf32, #tpu.memory_space<vmem_shared>>
      tpu.wait_indirect_dma semaphore(%arg10 : memref<!tpu.dma_semaphore, #tpu.memory_space<semaphore_mem>>) src(%arg7 : memref<128xf32, #tpu.memory_space<vmem>>) dst(%dma_wait3A_407 : memref<526336xf32, #tpu.memory_space<vmem_shared>>)
      %dma_wait3A_408 = arith.constant 0 : i32
      %dma_wait3A_409 = tpu.memref_slice %arg6[%add3A_208, %dma_wait3A_408] : memref<196x128xi32, #tpu.memory_space<vmem>> -> memref<1x128xi32, #tpu.memory_space<vmem>>
      %dma_wait3A_410 = tpu.memref_squeeze %dma_wait3A_409 : memref<1x128xi32, #tpu.memory_space<vmem>> -> memref<128xi32, #tpu.memory_space<vmem>>
      %dma_wait3A_411 = arith.constant 0 : i32
      %dma_wait3A_412 = tpu.memref_slice %arg9[%dma_wait3A_411] : memref<526336xf32, #tpu.memory_space<vmem_shared>> -> memref<526336xf32, #tpu.memory_space<vmem_shared>>
      tpu.wait_indirect_dma semaphore(%arg10 : memref<!tpu.dma_semaphore, #tpu.memory_space<semaphore_mem>>) src(%arg7 : memref<128xf32, #tpu.memory_space<vmem>>) dst(%dma_wait3A_412 : memref<526336xf32, #tpu.memory_space<vmem_shared>>)
      %dma_wait3A_413 = arith.constant 0 : i32
      %dma_wait3A_414 = tpu.memref_slice %arg6[%add3A_219, %dma_wait3A_413] : memref<196x128xi32, #tpu.memory_space<vmem>> -> memref<1x128xi32, #tpu.memory_space<vmem>>
      %dma_wait3A_415 = tpu.memref_squeeze %dma_wait3A_414 : memref<1x128xi32, #tpu.memory_space<vmem>> -> memref<128xi32, #tpu.memory_space<vmem>>
      %dma_wait3A_416 = arith.constant 0 : i32
      %dma_wait3A_417 = tpu.memref_slice %arg9[%dma_wait3A_416] : memref<526336xf32, #tpu.memory_space<vmem_shared>> -> memref<526336xf32, #tpu.memory_space<vmem_shared>>
      tpu.wait_indirect_dma semaphore(%arg10 : memref<!tpu.dma_semaphore, #tpu.memory_space<semaphore_mem>>) src(%arg7 : memref<128xf32, #tpu.memory_space<vmem>>) dst(%dma_wait3A_417 : memref<526336xf32, #tpu.memory_space<vmem_shared>>)
      %dma_wait3A_418 = arith.constant 0 : i32
      %dma_wait3A_419 = tpu.memref_slice %arg6[%add3A_230, %dma_wait3A_418] : memref<196x128xi32, #tpu.memory_space<vmem>> -> memref<1x128xi32, #tpu.memory_space<vmem>>
      %dma_wait3A_420 = tpu.memref_squeeze %dma_wait3A_419 : memref<1x128xi32, #tpu.memory_space<vmem>> -> memref<128xi32, #tpu.memory_space<vmem>>
      %dma_wait3A_421 = arith.constant 0 : i32
      %dma_wait3A_422 = tpu.memref_slice %arg9[%dma_wait3A_421] : memref<526336xf32, #tpu.memory_space<vmem_shared>> -> memref<526336xf32, #tpu.memory_space<vmem_shared>>
      tpu.wait_indirect_dma semaphore(%arg10 : memref<!tpu.dma_semaphore, #tpu.memory_space<semaphore_mem>>) src(%arg7 : memref<128xf32, #tpu.memory_space<vmem>>) dst(%dma_wait3A_422 : memref<526336xf32, #tpu.memory_space<vmem_shared>>)
      %dma_wait3A_423 = arith.constant 0 : i32
      %dma_wait3A_424 = tpu.memref_slice %arg6[%add3A_241, %dma_wait3A_423] : memref<196x128xi32, #tpu.memory_space<vmem>> -> memref<1x128xi32, #tpu.memory_space<vmem>>
      %dma_wait3A_425 = tpu.memref_squeeze %dma_wait3A_424 : memref<1x128xi32, #tpu.memory_space<vmem>> -> memref<128xi32, #tpu.memory_space<vmem>>
      %dma_wait3A_426 = arith.constant 0 : i32
      %dma_wait3A_427 = tpu.memref_slice %arg9[%dma_wait3A_426] : memref<526336xf32, #tpu.memory_space<vmem_shared>> -> memref<526336xf32, #tpu.memory_space<vmem_shared>>
      tpu.wait_indirect_dma semaphore(%arg10 : memref<!tpu.dma_semaphore, #tpu.memory_space<semaphore_mem>>) src(%arg7 : memref<128xf32, #tpu.memory_space<vmem>>) dst(%dma_wait3A_427 : memref<526336xf32, #tpu.memory_space<vmem_shared>>)
      %dma_wait3A_428 = arith.constant 0 : i32
      %dma_wait3A_429 = tpu.memref_slice %arg6[%add3A_252, %dma_wait3A_428] : memref<196x128xi32, #tpu.memory_space<vmem>> -> memref<1x128xi32, #tpu.memory_space<vmem>>
      %dma_wait3A_430 = tpu.memref_squeeze %dma_wait3A_429 : memref<1x128xi32, #tpu.memory_space<vmem>> -> memref<128xi32, #tpu.memory_space<vmem>>
      %dma_wait3A_431 = arith.constant 0 : i32
      %dma_wait3A_432 = tpu.memref_slice %arg9[%dma_wait3A_431] : memref<526336xf32, #tpu.memory_space<vmem_shared>> -> memref<526336xf32, #tpu.memory_space<vmem_shared>>
      tpu.wait_indirect_dma semaphore(%arg10 : memref<!tpu.dma_semaphore, #tpu.memory_space<semaphore_mem>>) src(%arg7 : memref<128xf32, #tpu.memory_space<vmem>>) dst(%dma_wait3A_432 : memref<526336xf32, #tpu.memory_space<vmem_shared>>)
      %dma_wait3A_433 = arith.constant 0 : i32
      %dma_wait3A_434 = tpu.memref_slice %arg6[%add3A_263, %dma_wait3A_433] : memref<196x128xi32, #tpu.memory_space<vmem>> -> memref<1x128xi32, #tpu.memory_space<vmem>>
      %dma_wait3A_435 = tpu.memref_squeeze %dma_wait3A_434 : memref<1x128xi32, #tpu.memory_space<vmem>> -> memref<128xi32, #tpu.memory_space<vmem>>
      %dma_wait3A_436 = arith.constant 0 : i32
      %dma_wait3A_437 = tpu.memref_slice %arg9[%dma_wait3A_436] : memref<526336xf32, #tpu.memory_space<vmem_shared>> -> memref<526336xf32, #tpu.memory_space<vmem_shared>>
      tpu.wait_indirect_dma semaphore(%arg10 : memref<!tpu.dma_semaphore, #tpu.memory_space<semaphore_mem>>) src(%arg7 : memref<128xf32, #tpu.memory_space<vmem>>) dst(%dma_wait3A_437 : memref<526336xf32, #tpu.memory_space<vmem_shared>>)
      %dma_wait3A_438 = arith.constant 0 : i32
      %dma_wait3A_439 = tpu.memref_slice %arg6[%add3A_274, %dma_wait3A_438] : memref<196x128xi32, #tpu.memory_space<vmem>> -> memref<1x128xi32, #tpu.memory_space<vmem>>
      %dma_wait3A_440 = tpu.memref_squeeze %dma_wait3A_439 : memref<1x128xi32, #tpu.memory_space<vmem>> -> memref<128xi32, #tpu.memory_space<vmem>>
      %dma_wait3A_441 = arith.constant 0 : i32
      %dma_wait3A_442 = tpu.memref_slice %arg9[%dma_wait3A_441] : memref<526336xf32, #tpu.memory_space<vmem_shared>> -> memref<526336xf32, #tpu.memory_space<vmem_shared>>
      tpu.wait_indirect_dma semaphore(%arg10 : memref<!tpu.dma_semaphore, #tpu.memory_space<semaphore_mem>>) src(%arg7 : memref<128xf32, #tpu.memory_space<vmem>>) dst(%dma_wait3A_442 : memref<526336xf32, #tpu.memory_space<vmem_shared>>)
      %dma_wait3A_443 = arith.constant 0 : i32
      %dma_wait3A_444 = tpu.memref_slice %arg6[%add3A_285, %dma_wait3A_443] : memref<196x128xi32, #tpu.memory_space<vmem>> -> memref<1x128xi32, #tpu.memory_space<vmem>>
      %dma_wait3A_445 = tpu.memref_squeeze %dma_wait3A_444 : memref<1x128xi32, #tpu.memory_space<vmem>> -> memref<128xi32, #tpu.memory_space<vmem>>
      %dma_wait3A_446 = arith.constant 0 : i32
      %dma_wait3A_447 = tpu.memref_slice %arg9[%dma_wait3A_446] : memref<526336xf32, #tpu.memory_space<vmem_shared>> -> memref<526336xf32, #tpu.memory_space<vmem_shared>>
      tpu.wait_indirect_dma semaphore(%arg10 : memref<!tpu.dma_semaphore, #tpu.memory_space<semaphore_mem>>) src(%arg7 : memref<128xf32, #tpu.memory_space<vmem>>) dst(%dma_wait3A_447 : memref<526336xf32, #tpu.memory_space<vmem_shared>>)
      %dma_wait3A_448 = arith.constant 0 : i32
      %dma_wait3A_449 = tpu.memref_slice %arg6[%add3A_296, %dma_wait3A_448] : memref<196x128xi32, #tpu.memory_space<vmem>> -> memref<1x128xi32, #tpu.memory_space<vmem>>
      %dma_wait3A_450 = tpu.memref_squeeze %dma_wait3A_449 : memref<1x128xi32, #tpu.memory_space<vmem>> -> memref<128xi32, #tpu.memory_space<vmem>>
      %dma_wait3A_451 = arith.constant 0 : i32
      %dma_wait3A_452 = tpu.memref_slice %arg9[%dma_wait3A_451] : memref<526336xf32, #tpu.memory_space<vmem_shared>> -> memref<526336xf32, #tpu.memory_space<vmem_shared>>
      tpu.wait_indirect_dma semaphore(%arg10 : memref<!tpu.dma_semaphore, #tpu.memory_space<semaphore_mem>>) src(%arg7 : memref<128xf32, #tpu.memory_space<vmem>>) dst(%dma_wait3A_452 : memref<526336xf32, #tpu.memory_space<vmem_shared>>)
      %dma_wait3A_453 = arith.constant 0 : i32
      %dma_wait3A_454 = tpu.memref_slice %arg6[%add3A_307, %dma_wait3A_453] : memref<196x128xi32, #tpu.memory_space<vmem>> -> memref<1x128xi32, #tpu.memory_space<vmem>>
      %dma_wait3A_455 = tpu.memref_squeeze %dma_wait3A_454 : memref<1x128xi32, #tpu.memory_space<vmem>> -> memref<128xi32, #tpu.memory_space<vmem>>
      %dma_wait3A_456 = arith.constant 0 : i32
      %dma_wait3A_457 = tpu.memref_slice %arg9[%dma_wait3A_456] : memref<526336xf32, #tpu.memory_space<vmem_shared>> -> memref<526336xf32, #tpu.memory_space<vmem_shared>>
      tpu.wait_indirect_dma semaphore(%arg10 : memref<!tpu.dma_semaphore, #tpu.memory_space<semaphore_mem>>) src(%arg7 : memref<128xf32, #tpu.memory_space<vmem>>) dst(%dma_wait3A_457 : memref<526336xf32, #tpu.memory_space<vmem_shared>>)
      %dma_wait3A_458 = arith.constant 0 : i32
      %dma_wait3A_459 = tpu.memref_slice %arg6[%add3A_318, %dma_wait3A_458] : memref<196x128xi32, #tpu.memory_space<vmem>> -> memref<1x128xi32, #tpu.memory_space<vmem>>
      %dma_wait3A_460 = tpu.memref_squeeze %dma_wait3A_459 : memref<1x128xi32, #tpu.memory_space<vmem>> -> memref<128xi32, #tpu.memory_space<vmem>>
      %dma_wait3A_461 = arith.constant 0 : i32
      %dma_wait3A_462 = tpu.memref_slice %arg9[%dma_wait3A_461] : memref<526336xf32, #tpu.memory_space<vmem_shared>> -> memref<526336xf32, #tpu.memory_space<vmem_shared>>
      tpu.wait_indirect_dma semaphore(%arg10 : memref<!tpu.dma_semaphore, #tpu.memory_space<semaphore_mem>>) src(%arg7 : memref<128xf32, #tpu.memory_space<vmem>>) dst(%dma_wait3A_462 : memref<526336xf32, #tpu.memory_space<vmem_shared>>)
    }
    %scan3A_7 = arith.constant 7 : i32
    %barrier3A_8 = arith.constant 0 : index
    tpu.barrier barrier_id(%barrier3A_8)
    %mul3A_9 = arith.constant 32896 : i32
    %mul3A_10 = arith.muli %arg1, %mul3A_9 : i32
    "tpu.region"() ({
      %run_scoped3A = tpu.sem_alloc : memref<!tpu.dma_semaphore, #tpu.memory_space<semaphore_mem>>
      %dma_start3A = tpu.memref_slice %arg9[%mul3A_10] : memref<526336xf32, #tpu.memory_space<vmem_shared>> -> memref<32896xf32, #tpu.memory_space<vmem_shared>>
      %dma_start3A_16 = tpu.memref_slice %arg9[%mul3A_10] : memref<526336xf32, #tpu.memory_space<vmem_shared>> -> memref<32896xf32, #tpu.memory_space<vmem_shared>>
      tpu.enqueue_dma source(%dma_start3A_16 : memref<32896xf32, #tpu.memory_space<vmem_shared>>) target(%arg8 : memref<32896xf32, #tpu.memory_space<vmem>>) target_semaphore(%run_scoped3A : memref<!tpu.dma_semaphore, #tpu.memory_space<semaphore_mem>>)
      %dma_wait3A = tpu.memref_slice %arg9[%mul3A_10] : memref<526336xf32, #tpu.memory_space<vmem_shared>> -> memref<32896xf32, #tpu.memory_space<vmem_shared>>
      %dma_wait3A_17 = tpu.memref_slice %arg9[%mul3A_10] : memref<526336xf32, #tpu.memory_space<vmem_shared>> -> memref<32896xf32, #tpu.memory_space<vmem_shared>>
      tpu.wait_dma2 semaphore(%run_scoped3A : memref<!tpu.dma_semaphore, #tpu.memory_space<semaphore_mem>>) src(%dma_wait3A_17 : memref<32896xf32, #tpu.memory_space<vmem_shared>>) dst(%arg8 : memref<32896xf32, #tpu.memory_space<vmem>>)
      tpu.yield
    }) : () -> ()
    %mul3A_11 = arith.constant 526336 : i32
    %mul3A_12 = arith.muli %arg0, %mul3A_11 : i32
    %mul3A_13 = arith.constant 32896 : i32
    %mul3A_14 = arith.muli %arg1, %mul3A_13 : i32
    %add3A_15 = arith.addi %mul3A_12, %mul3A_14 : i32
    "tpu.region"() ({
      %run_scoped3A = tpu.sem_alloc : memref<!tpu.dma_semaphore, #tpu.memory_space<semaphore_mem>>
      %dma_start3A = tpu.memref_slice %arg5[%add3A_15] : memref<1052672xf32, #tpu.memory_space<hbm>> -> memref<32896xf32, #tpu.memory_space<hbm>>
      %dma_start3A_16 = tpu.memref_slice %arg5[%add3A_15] : memref<1052672xf32, #tpu.memory_space<hbm>> -> memref<32896xf32, #tpu.memory_space<hbm>>
      tpu.enqueue_dma source(%arg8 : memref<32896xf32, #tpu.memory_space<vmem>>) target(%dma_start3A_16 : memref<32896xf32, #tpu.memory_space<hbm>>) target_semaphore(%run_scoped3A : memref<!tpu.dma_semaphore, #tpu.memory_space<semaphore_mem>>)
      %dma_wait3A = tpu.memref_slice %arg5[%add3A_15] : memref<1052672xf32, #tpu.memory_space<hbm>> -> memref<32896xf32, #tpu.memory_space<hbm>>
      %dma_wait3A_17 = tpu.memref_slice %arg5[%add3A_15] : memref<1052672xf32, #tpu.memory_space<hbm>> -> memref<32896xf32, #tpu.memory_space<hbm>>
      tpu.wait_dma2 semaphore(%run_scoped3A : memref<!tpu.dma_semaphore, #tpu.memory_space<semaphore_mem>>) src(%arg8 : memref<32896xf32, #tpu.memory_space<vmem>>) dst(%dma_wait3A_17 : memref<32896xf32, #tpu.memory_space<hbm>>)
      tpu.yield
    }) : () -> ()
    return
  }
}

module attributes {stable_mosaic.version = 14 : i64} {
  func.func @_hash_body(%arg0: memref<3125x512xf32, #tpu.memory_space<vmem>>, %arg1: memref<32x98x128xi32, #tpu.memory_space<vmem>>, %arg2: memref<32x196x128xi32, #tpu.memory_space<vmem>>) attributes {dimension_semantics = [], scalar_prefetch = 0 : i64, scratch_operands = 0 : i64, tpu.core_type = #tpu.core_type<tc>} {
    %get3A = arith.constant 0 : index
    %get3A_0 = arith.constant 0 : index
    %get3A_1 = vector.load %arg0[%get3A, %get3A_0] : memref<3125x512xf32, #tpu.memory_space<vmem>>, vector<3125x512xf32>
    %iota3A = tpu.iota {dimensions = array<i32: 1>} : vector<3125x512xi32>
    %and3A = arith.constant 3 : i32
    %and3A_2 = vector.broadcast %and3A : i32 to vector<3125x512xi32>
    %and3A_3 = arith.andi %iota3A, %and3A_2 : vector<3125x512xi32>
    %eq3A = arith.constant 1 : i32
    %eq3A_4 = vector.broadcast %eq3A : i32 to vector<3125x512xi32>
    %eq3A_5 = arith.cmpi eq, %and3A_3, %eq3A_4 : vector<3125x512xi32>
    %eq3A_6 = arith.constant 2 : i32
    %eq3A_7 = vector.broadcast %eq3A_6 : i32 to vector<3125x512xi32>
    %eq3A_8 = arith.cmpi eq, %and3A_3, %eq3A_7 : vector<3125x512xi32>
    %eq3A_9 = arith.constant 3 : i32
    %eq3A_10 = vector.broadcast %eq3A_9 : i32 to vector<3125x512xi32>
    %eq3A_11 = arith.cmpi eq, %and3A_3, %eq3A_10 : vector<3125x512xi32>
    %jit3A = arith.constant 0x7F800000 : f32
    %broadcast_in_dim3A = vector.broadcast %jit3A : f32 to vector<3125x512xf32>
    %select_n3A = arith.select %eq3A_5, %get3A_1, %broadcast_in_dim3A : vector<3125x512xi1>, vector<3125x512xf32>
    %reduce_min3A = vector.shape_cast %select_n3A : vector<3125x512xf32> to vector<1x3125x512xf32>
    %reduce_min3A_12 = arith.constant dense<0x7F800000> : vector<1xf32>
    %reduce_min3A_13 = vector.multi_reduction <minimumf>, %reduce_min3A, %reduce_min3A_12 [1, 2] : vector<1x3125x512xf32> to vector<1xf32>
    %reduce_min3A_14 = vector.shape_cast %reduce_min3A_13 : vector<1xf32> to vector<1x1x1xf32>
    %reduce_min3A_15 = vector.extract %reduce_min3A_14[0, 0, 0] : f32 from vector<1x1x1xf32>
    %neg3A = arith.constant 0.000000e+00 : f32
    %neg3A_16 = arith.constant 0x7F800000 : f32
    %neg3A_17 = arith.subf %neg3A, %neg3A_16 : f32
    %broadcast_in_dim3A_18 = vector.broadcast %neg3A_17 : f32 to vector<3125x512xf32>
    %select_n3A_19 = arith.select %eq3A_5, %get3A_1, %broadcast_in_dim3A_18 : vector<3125x512xi1>, vector<3125x512xf32>
    %reduce_max3A = vector.shape_cast %select_n3A_19 : vector<3125x512xf32> to vector<1x3125x512xf32>
    %reduce_max3A_20 = arith.constant dense<0xFF800000> : vector<1xf32>
    %reduce_max3A_21 = vector.multi_reduction <maximumf>, %reduce_max3A, %reduce_max3A_20 [1, 2] : vector<1x3125x512xf32> to vector<1xf32>
    %reduce_max3A_22 = vector.shape_cast %reduce_max3A_21 : vector<1xf32> to vector<1x1x1xf32>
    %reduce_max3A_23 = vector.extract %reduce_max3A_22[0, 0, 0] : f32 from vector<1x1x1xf32>
    %jit3A_24 = arith.constant 0x7F800000 : f32
    %broadcast_in_dim3A_25 = vector.broadcast %jit3A_24 : f32 to vector<3125x512xf32>
    %select_n3A_26 = arith.select %eq3A_8, %get3A_1, %broadcast_in_dim3A_25 : vector<3125x512xi1>, vector<3125x512xf32>
    %reduce_min3A_27 = vector.shape_cast %select_n3A_26 : vector<3125x512xf32> to vector<1x3125x512xf32>
    %reduce_min3A_28 = arith.constant dense<0x7F800000> : vector<1xf32>
    %reduce_min3A_29 = vector.multi_reduction <minimumf>, %reduce_min3A_27, %reduce_min3A_28 [1, 2] : vector<1x3125x512xf32> to vector<1xf32>
    %reduce_min3A_30 = vector.shape_cast %reduce_min3A_29 : vector<1xf32> to vector<1x1x1xf32>
    %reduce_min3A_31 = vector.extract %reduce_min3A_30[0, 0, 0] : f32 from vector<1x1x1xf32>
    %neg3A_32 = arith.constant 0.000000e+00 : f32
    %neg3A_33 = arith.constant 0x7F800000 : f32
    %neg3A_34 = arith.subf %neg3A_32, %neg3A_33 : f32
    %broadcast_in_dim3A_35 = vector.broadcast %neg3A_34 : f32 to vector<3125x512xf32>
    %select_n3A_36 = arith.select %eq3A_8, %get3A_1, %broadcast_in_dim3A_35 : vector<3125x512xi1>, vector<3125x512xf32>
    %reduce_max3A_37 = vector.shape_cast %select_n3A_36 : vector<3125x512xf32> to vector<1x3125x512xf32>
    %reduce_max3A_38 = arith.constant dense<0xFF800000> : vector<1xf32>
    %reduce_max3A_39 = vector.multi_reduction <maximumf>, %reduce_max3A_37, %reduce_max3A_38 [1, 2] : vector<1x3125x512xf32> to vector<1xf32>
    %reduce_max3A_40 = vector.shape_cast %reduce_max3A_39 : vector<1xf32> to vector<1x1x1xf32>
    %reduce_max3A_41 = vector.extract %reduce_max3A_40[0, 0, 0] : f32 from vector<1x1x1xf32>
    %jit3A_42 = arith.constant 0x7F800000 : f32
    %broadcast_in_dim3A_43 = vector.broadcast %jit3A_42 : f32 to vector<3125x512xf32>
    %select_n3A_44 = arith.select %eq3A_11, %get3A_1, %broadcast_in_dim3A_43 : vector<3125x512xi1>, vector<3125x512xf32>
    %reduce_min3A_45 = vector.shape_cast %select_n3A_44 : vector<3125x512xf32> to vector<1x3125x512xf32>
    %reduce_min3A_46 = arith.constant dense<0x7F800000> : vector<1xf32>
    %reduce_min3A_47 = vector.multi_reduction <minimumf>, %reduce_min3A_45, %reduce_min3A_46 [1, 2] : vector<1x3125x512xf32> to vector<1xf32>
    %reduce_min3A_48 = vector.shape_cast %reduce_min3A_47 : vector<1xf32> to vector<1x1x1xf32>
    %reduce_min3A_49 = vector.extract %reduce_min3A_48[0, 0, 0] : f32 from vector<1x1x1xf32>
    %neg3A_50 = arith.constant 0.000000e+00 : f32
    %neg3A_51 = arith.constant 0x7F800000 : f32
    %neg3A_52 = arith.subf %neg3A_50, %neg3A_51 : f32
    %broadcast_in_dim3A_53 = vector.broadcast %neg3A_52 : f32 to vector<3125x512xf32>
    %select_n3A_54 = arith.select %eq3A_11, %get3A_1, %broadcast_in_dim3A_53 : vector<3125x512xi1>, vector<3125x512xf32>
    %reduce_max3A_55 = vector.shape_cast %select_n3A_54 : vector<3125x512xf32> to vector<1x3125x512xf32>
    %reduce_max3A_56 = arith.constant dense<0xFF800000> : vector<1xf32>
    %reduce_max3A_57 = vector.multi_reduction <maximumf>, %reduce_max3A_55, %reduce_max3A_56 [1, 2] : vector<1x3125x512xf32> to vector<1xf32>
    %reduce_max3A_58 = vector.shape_cast %reduce_max3A_57 : vector<1xf32> to vector<1x1x1xf32>
    %reduce_max3A_59 = vector.extract %reduce_max3A_58[0, 0, 0] : f32 from vector<1x1x1xf32>
    %sub3A = arith.subf %reduce_max3A_23, %reduce_min3A_15 : f32
    %div3A = arith.constant 6.400000e+01 : f32
    %div3A_60 = arith.divf %sub3A, %div3A : f32
    %sub3A_61 = arith.subf %reduce_max3A_41, %reduce_min3A_31 : f32
    %div3A_62 = arith.constant 6.400000e+01 : f32
    %div3A_63 = arith.divf %sub3A_61, %div3A_62 : f32
    %sub3A_64 = arith.subf %reduce_max3A_59, %reduce_min3A_49 : f32
    %div3A_65 = arith.constant 6.400000e+01 : f32
    %div3A_66 = arith.divf %sub3A_64, %div3A_65 : f32
    %jit3A_67 = arith.constant 0.000000e+00 : f32
    %broadcast_in_dim3A_68 = vector.broadcast %reduce_min3A_49 : f32 to vector<3125x512xf32>
    %broadcast_in_dim3A_69 = vector.broadcast %jit3A_67 : f32 to vector<3125x512xf32>
    %select_n3A_70 = arith.select %eq3A_11, %broadcast_in_dim3A_68, %broadcast_in_dim3A_69 : vector<3125x512xi1>, vector<3125x512xf32>
    %broadcast_in_dim3A_71 = vector.broadcast %reduce_min3A_31 : f32 to vector<3125x512xf32>
    %select_n3A_72 = arith.select %eq3A_8, %broadcast_in_dim3A_71, %select_n3A_70 : vector<3125x512xi1>, vector<3125x512xf32>
    %broadcast_in_dim3A_73 = vector.broadcast %reduce_min3A_15 : f32 to vector<3125x512xf32>
    %select_n3A_74 = arith.select %eq3A_5, %broadcast_in_dim3A_73, %select_n3A_72 : vector<3125x512xi1>, vector<3125x512xf32>
    %jit3A_75 = arith.constant 1.000000e+00 : f32
    %broadcast_in_dim3A_76 = vector.broadcast %div3A_66 : f32 to vector<3125x512xf32>
    %broadcast_in_dim3A_77 = vector.broadcast %jit3A_75 : f32 to vector<3125x512xf32>
    %select_n3A_78 = arith.select %eq3A_11, %broadcast_in_dim3A_76, %broadcast_in_dim3A_77 : vector<3125x512xi1>, vector<3125x512xf32>
    %broadcast_in_dim3A_79 = vector.broadcast %div3A_63 : f32 to vector<3125x512xf32>
    %select_n3A_80 = arith.select %eq3A_8, %broadcast_in_dim3A_79, %select_n3A_78 : vector<3125x512xi1>, vector<3125x512xf32>
    %broadcast_in_dim3A_81 = vector.broadcast %div3A_60 : f32 to vector<3125x512xf32>
    %select_n3A_82 = arith.select %eq3A_5, %broadcast_in_dim3A_81, %select_n3A_80 : vector<3125x512xi1>, vector<3125x512xf32>
    %sub3A_83 = arith.subf %get3A_1, %select_n3A_74 : vector<3125x512xf32>
    %div3A_84 = arith.divf %sub3A_83, %select_n3A_82 : vector<3125x512xf32>
    %floor3A = math.floor %div3A_84 : vector<3125x512xf32>
    %convert_element_type3A = arith.fptosi %floor3A : vector<3125x512xf32> to vector<3125x512xi32>
    %jit3A_85 = arith.constant 0 : i32
    %jit3A_86 = arith.constant 63 : i32
    %max3A = vector.broadcast %jit3A_85 : i32 to vector<3125x512xi32>
    %max3A_87 = arith.maxsi %max3A, %convert_element_type3A : vector<3125x512xi32>
    %min3A = vector.broadcast %jit3A_86 : i32 to vector<3125x512xi32>
    %min3A_88 = arith.minsi %min3A, %max3A_87 : vector<3125x512xi32>
    %jit3A_89 = arith.constant 4.096000e+03 : f32
    %jit3A_90 = arith.constant 1.000000e+00 : f32
    %broadcast_in_dim3A_91 = vector.broadcast %jit3A_89 : f32 to vector<3125x512xf32>
    %broadcast_in_dim3A_92 = vector.broadcast %jit3A_90 : f32 to vector<3125x512xf32>
    %select_n3A_93 = arith.select %eq3A_5, %broadcast_in_dim3A_91, %broadcast_in_dim3A_92 : vector<3125x512xi1>, vector<3125x512xf32>
    %jit3A_94 = arith.constant 6.400000e+01 : f32
    %broadcast_in_dim3A_95 = vector.broadcast %jit3A_94 : f32 to vector<3125x512xf32>
    %select_n3A_96 = arith.select %eq3A_8, %broadcast_in_dim3A_95, %select_n3A_93 : vector<3125x512xi1>, vector<3125x512xf32>
    %eq3A_97 = arith.constant 0 : i32
    %eq3A_98 = vector.broadcast %eq3A_97 : i32 to vector<3125x512xi32>
    %eq3A_99 = arith.cmpi eq, %and3A_3, %eq3A_98 : vector<3125x512xi32>
    %jit3A_100 = arith.constant 2.621440e+05 : f32
    %broadcast_in_dim3A_101 = vector.broadcast %jit3A_100 : f32 to vector<3125x512xf32>
    %select_n3A_102 = arith.select %eq3A_99, %broadcast_in_dim3A_101, %select_n3A_96 : vector<3125x512xi1>, vector<3125x512xf32>
    %convert_element_type3A_103 = arith.sitofp %min3A_88 : vector<3125x512xi32> to vector<3125x512xf32>
    %mul3A = arith.mulf %convert_element_type3A_103, %select_n3A_102 : vector<3125x512xf32>
    %iota3A_104 = tpu.iota {dimensions = array<i32: 0>} : vector<512x128xi32>
    %iota3A_105 = tpu.iota {dimensions = array<i32: 1>} : vector<512x128xi32>
    %jit3A_106 = arith.constant 4 : i32
    %div3A_107 = vector.broadcast %jit3A_106 : i32 to vector<512x128xi32>
    %div3A_108 = arith.divsi %iota3A_104, %div3A_107 : vector<512x128xi32>
    %sign3A = arith.constant 0 : i32
    %sign3A_109 = vector.broadcast %sign3A : i32 to vector<512x128xi32>
    %sign3A_110 = arith.cmpi sgt, %iota3A_104, %sign3A_109 : vector<512x128xi32>
    %sign3A_111 = arith.extui %sign3A_110 : vector<512x128xi1> to vector<512x128xi32>
    %sign3A_112 = arith.constant 0 : i32
    %sign3A_113 = vector.broadcast %sign3A_112 : i32 to vector<512x128xi32>
    %sign3A_114 = arith.cmpi slt, %iota3A_104, %sign3A_113 : vector<512x128xi32>
    %sign3A_115 = arith.extui %sign3A_114 : vector<512x128xi1> to vector<512x128xi32>
    %sign3A_116 = arith.subi %sign3A_111, %sign3A_115 : vector<512x128xi32>
    %sign3A_117 = arith.constant 0 : i32
    %sign3A_118 = arith.cmpi sgt, %jit3A_106, %sign3A_117 : i32
    %sign3A_119 = arith.extui %sign3A_118 : i1 to i32
    %sign3A_120 = arith.constant 0 : i32
    %sign3A_121 = arith.cmpi slt, %jit3A_106, %sign3A_120 : i32
    %sign3A_122 = arith.extui %sign3A_121 : i1 to i32
    %sign3A_123 = arith.subi %sign3A_119, %sign3A_122 : i32
    %ne3A = vector.broadcast %sign3A_123 : i32 to vector<512x128xi32>
    %ne3A_124 = arith.cmpi ne, %sign3A_116, %ne3A : vector<512x128xi32>
    %rem3A = vector.broadcast %jit3A_106 : i32 to vector<512x128xi32>
    %rem3A_125 = arith.remsi %iota3A_104, %rem3A : vector<512x128xi32>
    %ne3A_126 = arith.constant 0 : i32
    %ne3A_127 = vector.broadcast %ne3A_126 : i32 to vector<512x128xi32>
    %ne3A_128 = arith.cmpi ne, %rem3A_125, %ne3A_127 : vector<512x128xi32>
    %and3A_129 = arith.andi %ne3A_124, %ne3A_128 : vector<512x128xi1>
    %sub3A_130 = arith.constant 1 : i32
    %sub3A_131 = vector.broadcast %sub3A_130 : i32 to vector<512x128xi32>
    %sub3A_132 = arith.subi %div3A_108, %sub3A_131 : vector<512x128xi32>
    %select_n3A_133 = arith.select %and3A_129, %sub3A_132, %div3A_108 : vector<512x128xi1>, vector<512x128xi32>
    %eq3A_134 = arith.cmpi eq, %select_n3A_133, %iota3A_105 : vector<512x128xi32>
    %convert_element_type3A_135 = arith.extui %eq3A_134 : vector<512x128xi1> to vector<512x128xi32>
    %convert_element_type3A_136 = arith.sitofp %convert_element_type3A_135 : vector<512x128xi32> to vector<512x128xf32>
    %dot_general3A = arith.constant dense<0.000000e+00> : vector<3125x128xf32>
    %dot_general3A_137 = tpu.matmul %mul3A, %convert_element_type3A_136, %dot_general3A {dimension_numbers = #tpu.dot_dimension_numbers<[1], [0], [0], [1], [0, 0, 1, 1], [], []>, precision = #tpu.contract_precision<fp32>, transpose_lhs_hint = false} : vector<3125x512xf32>, vector<512x128xf32>, vector<3125x128xf32> -> vector<3125x128xf32>
    %convert_element_type3A_138 = arith.fptosi %dot_general3A_137 : vector<3125x128xf32> to vector<3125x128xi32>
    %broadcast_in_dim3A_139 = arith.constant 1048576 : i32
    %broadcast_in_dim3A_140 = vector.broadcast %broadcast_in_dim3A_139 : i32 to vector<11x128xi32>
    %concatenate3A = tpu.concatenate %convert_element_type3A_138, %broadcast_in_dim3A_140 in 0 : vector<3125x128xi32>, vector<11x128xi32> -> vector<3136x128xi32>
    %reshape3A = vector.shape_cast %concatenate3A : vector<3136x128xi32> to vector<32x98x128xi32>
    %swap3A = arith.constant 0 : index
    %swap3A_141 = arith.constant 0 : index
    %swap3A_142 = arith.constant 0 : index
    %swap3A_143 = vector.load %arg1[%swap3A, %swap3A_141, %swap3A_142] : memref<32x98x128xi32, #tpu.memory_space<vmem>>, vector<32x98x128xi32>
    tpu.vector_store %arg1[%swap3A, %swap3A_141, %swap3A_142], %reshape3A {strides = array<i32>} : memref<32x98x128xi32, #tpu.memory_space<vmem>>, vector<32x98x128xi32>,
    %lt3A = arith.constant 524288 : i32
    %lt3A_144 = vector.broadcast %lt3A : i32 to vector<3136x128xi32>
    %lt3A_145 = arith.cmpi slt, %concatenate3A, %lt3A_144 : vector<3136x128xi32>
    %jit3A_146 = arith.constant 524288 : i32
    %broadcast_in_dim3A_147 = vector.broadcast %jit3A_146 : i32 to vector<3136x128xi32>
    %select_n3A_148 = arith.select %lt3A_145, %concatenate3A, %broadcast_in_dim3A_147 : vector<3136x128xi1>, vector<3136x128xi32>
    %reshape3A_149 = vector.shape_cast %select_n3A_148 : vector<3136x128xi32> to vector<16x196x128xi32>
    %swap3A_150 = arith.constant 0 : index
    %swap3A_151 = arith.constant 0 : index
    %swap3A_152 = arith.constant 0 : index
    %swap3A_153 = vector.load %arg2[%swap3A_150, %swap3A_151, %swap3A_152] : memref<32x196x128xi32, #tpu.memory_space<vmem>>, vector<16x196x128xi32>
    tpu.vector_store %arg2[%swap3A_150, %swap3A_151, %swap3A_152], %reshape3A_149 {strides = array<i32>} : memref<32x196x128xi32, #tpu.memory_space<vmem>>, vector<16x196x128xi32>,
    %ge3A = arith.constant 524288 : i32
    %ge3A_154 = vector.broadcast %ge3A : i32 to vector<3136x128xi32>
    %ge3A_155 = arith.cmpi sge, %concatenate3A, %ge3A_154 : vector<3136x128xi32>
    %sub3A_156 = arith.constant 524288 : i32
    %sub3A_157 = vector.broadcast %sub3A_156 : i32 to vector<3136x128xi32>
    %sub3A_158 = arith.subi %concatenate3A, %sub3A_157 : vector<3136x128xi32>
    %jit3A_159 = arith.constant 524288 : i32
    %broadcast_in_dim3A_160 = vector.broadcast %jit3A_159 : i32 to vector<3136x128xi32>
    %select_n3A_161 = arith.select %ge3A_155, %sub3A_158, %broadcast_in_dim3A_160 : vector<3136x128xi1>, vector<3136x128xi32>
    %reshape3A_162 = vector.shape_cast %select_n3A_161 : vector<3136x128xi32> to vector<16x196x128xi32>
    %swap3A_163 = arith.constant 16 : index
    %swap3A_164 = arith.constant 0 : index
    %swap3A_165 = arith.constant 0 : index
    %swap3A_166 = vector.load %arg2[%swap3A_163, %swap3A_164, %swap3A_165] : memref<32x196x128xi32, #tpu.memory_space<vmem>>, vector<16x196x128xi32>
    tpu.vector_store %arg2[%swap3A_163, %swap3A_164, %swap3A_165], %reshape3A_162 {strides = array<i32>} : memref<32x196x128xi32, #tpu.memory_space<vmem>>, vector<16x196x128xi32>,
    return
  }
}

module attributes {stable_mosaic.version = 14 : i64} {
  func.func @_prefix_body(%arg0: memref<512x1024xf32, #tpu.memory_space<vmem>>, %arg1: memref<512x1024xf32, #tpu.memory_space<vmem>>, %arg2: memref<1032x1024xi32, #tpu.memory_space<vmem>>) attributes {dimension_semantics = [], scalar_prefetch = 0 : i64, scratch_operands = 0 : i64, tpu.core_type = #tpu.core_type<tc>} {
    %get3A = arith.constant 0 : index
    %get3A_0 = arith.constant 0 : index
    %get3A_1 = vector.load %arg0[%get3A, %get3A_0] : memref<512x1024xf32, #tpu.memory_space<vmem>>, vector<512x1024xf32>
    %gt3A = arith.constant 0.000000e+00 : f32
    %gt3A_2 = vector.broadcast %gt3A : f32 to vector<512x1024xf32>
    %gt3A_3 = arith.cmpf ogt, %get3A_1, %gt3A_2 : vector<512x1024xf32>
    %get3A_4 = arith.constant 0 : index
    %get3A_5 = arith.constant 0 : index
    %get3A_6 = vector.load %arg1[%get3A_4, %get3A_5] : memref<512x1024xf32, #tpu.memory_space<vmem>>, vector<512x1024xf32>
    %gt3A_7 = arith.constant 0.000000e+00 : f32
    %gt3A_8 = vector.broadcast %gt3A_7 : f32 to vector<512x1024xf32>
    %gt3A_9 = arith.cmpf ogt, %get3A_6, %gt3A_8 : vector<512x1024xf32>
    %concatenate3A = tpu.concatenate %gt3A_3, %gt3A_9 in 0 : vector<512x1024xi1>, vector<512x1024xi1> -> vector<1024x1024xi1>
    %convert_element_type3A = arith.extui %concatenate3A : vector<1024x1024xi1> to vector<1024x1024xi32>
    %convert_element_type3A_10 = arith.sitofp %convert_element_type3A : vector<1024x1024xi32> to vector<1024x1024xf32>
    %iota3A = tpu.iota {dimensions = array<i32: 0>} : vector<1024x1024xi32>
    %iota3A_11 = tpu.iota {dimensions = array<i32: 1>} : vector<1024x1024xi32>
    %lt3A = arith.cmpi slt, %iota3A, %iota3A_11 : vector<1024x1024xi32>
    %convert_element_type3A_12 = arith.extui %lt3A : vector<1024x1024xi1> to vector<1024x1024xi32>
    %convert_element_type3A_13 = arith.sitofp %convert_element_type3A_12 : vector<1024x1024xi32> to vector<1024x1024xf32>
    %convert_element_type3A_14 = arith.truncf %convert_element_type3A_13 : vector<1024x1024xf32> to vector<1024x1024xbf16>
    %convert_element_type3A_15 = arith.truncf %convert_element_type3A_10 : vector<1024x1024xf32> to vector<1024x1024xbf16>
    %dot_general3A = arith.constant dense<0.000000e+00> : vector<1024x1024xf32>
    %dot_general3A_16 = tpu.matmul %convert_element_type3A_15, %convert_element_type3A_14, %dot_general3A {dimension_numbers = #tpu.dot_dimension_numbers<[1], [0], [0], [1], [0, 0, 1, 1], [], []>, transpose_lhs_hint = false} : vector<1024x1024xbf16>, vector<1024x1024xbf16>, vector<1024x1024xf32> -> vector<1024x1024xf32>
    %reduce_sum3A = arith.constant dense<0.000000e+00> : vector<1024xf32>
    %reduce_sum3A_17 = vector.multi_reduction <add>, %convert_element_type3A_10, %reduce_sum3A [1] : vector<1024x1024xf32> to vector<1024xf32>
    %broadcast_in_dim3A = vector.shape_cast %reduce_sum3A_17 : vector<1024xf32> to vector<1024x1xf32>
    %lt3A_18 = arith.cmpi slt, %iota3A_11, %iota3A : vector<1024x1024xi32>
    %convert_element_type3A_19 = arith.extui %lt3A_18 : vector<1024x1024xi1> to vector<1024x1024xi32>
    %convert_element_type3A_20 = arith.sitofp %convert_element_type3A_19 : vector<1024x1024xi32> to vector<1024x1024xf32>
    %dot_general3A_21 = arith.constant dense<0.000000e+00> : vector<1024x1xf32>
    %dot_general3A_22 = tpu.matmul %convert_element_type3A_20, %broadcast_in_dim3A, %dot_general3A_21 {dimension_numbers = #tpu.dot_dimension_numbers<[1], [0], [0], [1], [0, 0, 1, 1], [], []>, transpose_lhs_hint = false} : vector<1024x1024xf32>, vector<1024x1xf32>, vector<1024x1xf32> -> vector<1024x1xf32>
    %add3A = vector.broadcast %dot_general3A_22 : vector<1024x1xf32> to vector<1024x1024xf32>
    %add3A_23 = arith.addf %add3A, %dot_general3A_16 : vector<1024x1024xf32>
    %convert_element_type3A_24 = arith.fptosi %add3A_23 : vector<1024x1024xf32> to vector<1024x1024xi32>
    %swap3A = arith.constant 0 : index
    %swap3A_25 = arith.constant 0 : index
    %swap3A_26 = vector.load %arg2[%swap3A, %swap3A_25] : memref<1032x1024xi32, #tpu.memory_space<vmem>>, vector<1024x1024xi32>
    tpu.vector_store %arg2[%swap3A, %swap3A_25], %convert_element_type3A_24 {strides = array<i32>} : memref<1032x1024xi32, #tpu.memory_space<vmem>>, vector<1024x1024xi32>,
    %broadcast_in_dim3A_27 = arith.constant 0 : i32
    %broadcast_in_dim3A_28 = vector.broadcast %broadcast_in_dim3A_27 : i32 to vector<8x1024xi32>
    %swap3A_29 = arith.constant 1024 : index
    %swap3A_30 = arith.constant 0 : index
    %swap3A_31 = vector.load %arg2[%swap3A_29, %swap3A_30] : memref<1032x1024xi32, #tpu.memory_space<vmem>>, vector<8x1024xi32>
    tpu.vector_store %arg2[%swap3A_29, %swap3A_30], %broadcast_in_dim3A_28 {strides = array<i32>} : memref<1032x1024xi32, #tpu.memory_space<vmem>>, vector<8x1024xi32>,
    return
  }
}

</mosaic_0001>

<sc_bundles>
// kernel: kernel.6.cloned.1.call-start
scs
__scs_entry_jumppad:
0x0: {  	(pc) =	sbr.rel $0x88, $3  }
0x1: {  	(tag) =	ssettag $0x0;
	lr =	simm.s32 $0x1  }
0x2: {  	[smem:$0x3FA0] =	sst lr;
	_ =	strace $0xD0000000  }
0x3: {  	_ = 	snop  }
0x4: {  	_ = 	snop  }
0x5: {  	_ = 	snop  }
0x6: {  	_ = 	snop  }
0x7: {  	_ = 	snop  }
__scs_overlays_trampoline_lowered:
0x8: {  	[smem:$0x3FAF] =	sst s0  }
0x9: {  	[smem:$0x3FB0] =	sst s1  }
0xa: {  	[smem:$0x3FB1] =	sst s2  }
0xb: {  	[smem:$0x3FB2] =	sst s3  }
0xc: {  	[smem:$0x3FB3] =	sst s4  }
0xd: {  	[smem:$0x3FB4] =	sst s5  }
0xe: {  	[smem:$0x3FB5] =	sst s6  }
0xf: {  	[smem:$0x3FB6] =	sst s7  }
0x10: {  	[smem:$0x3FB7] =	sst s8  }
0x11: {  	[smem:$0x3FB8] =	sst s9;
	s0 =	simm.s32 @!p0 $0x0  }
0x12: {  	s1 =	sld [smem:$0x3F9E];
	s0 =	simm.s32 @p0 $0x1  }
0x13: {  	[smem:$0x3FB9] =	sst s0;
	s0 =	simm.s32 @!p1 $0x0  }
0x14: {  	s2 =	sld [smem:$0x3F9D];
	s0 =	simm.s32 @p1 $0x1  }
0x15: {  	[smem:$0x3FBA] =	sst s0;
	s0 =	simm.s32 @!p2 $0x0  }
0x16: {  	s3 =	sld [smem:$0x3FDB];
	s0 =	simm.s32 @p2 $0x1  }
0x17: {  	s4 =	simm.s32 $0x1BF5;
	[smem:$0x3FBC] =	sst s0  }
0x18: {  	s0 =	sld [smem:$0x3F9F];
	_ =	swait.ge [sflag:s4], $0x0  }
0x19: {  	s7 =	sld [smem:$0x3FA0]  }
0x1a: {  	s8 =	sadd.s32 $0xFFFFE003, lr  }
0x1b: {  	s9 =	sadd.s32 $0xFFFFFEF7, lr;
	s5 =	simm.s32 $0xFFFFFFFF;
	p2 =	slt.u32 s8, $0xFFFFF086  }
0x1c: {  	p1 =	slt.u32 s9, $0xF7A;
	s5 =	simm.s32 @!p2 $0x0  }
0x1d: {  	s5 =	simm.s32 @p1 $0x1;
	p0 =	seq.s32 s7, s2  }
0x1e: {  	s7 =	smul.u32 @!p0 $0xF7A, s2;
	p2 =	seq.s32 @!p0 s5, $0x0  }
0x1f: {  	s9 =	smul.u32 $0xF7A, s1;
	s8 =	simm.s32 @!p0 $0x1BF5;
	p2 =	por !p2, p0  }
0x20: {  	[sflag:s8] =	ssyncset.s32 @!p0 $0xFFFFF086;
	s6 =	sadd.s32 @!p0 s3, s7;
	s7 =	simm.s32 @!p0 $0x108  }
0x21: {  	s3 =	sadd.s32 s3, s9;
	s6 =	sadd.s32 @!p0 $0x88, s6;
	s7 =	simm.s32 @p2 $0x1082  }
0x22: {  	[simem:s7], [sflag:s8] =	dma.local @!p0 [hbm:s6], $0xF7A  }
0x23: {  	s9 =	sor.u32 $0xD0000000, s2;
	s6 =	simm.s32 $0x108;
	_ =	swait.ge @!p0 [sflag:s8], $0x0  }
0x24: {  	s3 =	sadd.s32 $0x88, s3;
	s6 =	simm.s32 @!p1 $0x1082;
	[sflag:s4] =	ssyncset.s32 $0xFFFFF086  }
0x25: {  	[simem:s6], [sflag:s4] =	dma.local [hbm:s3], $0xF7A  }
0x26: {  	[smem:$0x3FA0] =	sst s1;
	(tag) =	ssettag s2;
	_ =	strace s9  }
0x27: {  	s1 =	sld [smem:$0x3FB0]  }
0x28: {  	s2 =	sld [smem:$0x3FB1]  }
0x29: {  	s4 =	sld [smem:$0x3FB3]  }
0x2a: {  	p0 =	seq.s32 s5, $0x0;
	s5 =	sld [smem:$0x3FB4]  }
0x2b: {  	s6 =	sld [smem:$0x3FB5]  }
0x2c: {  	s7 =	sld [smem:$0x3FB6]  }
0x2d: {  	s3 =	simm.s32 $0x108;
	s8 =	sld [smem:$0x3FB7]  }
0x2e: {  	s3 =	simm.s32 @!p0 $0x1082;
	s9 =	sld [smem:$0x3FB8]  }
0x2f: {  	lr =	sadd.s32 s0, s3;
	s0 =	sld [smem:$0x3FAF]  }
0x30: {  	s3 =	sld [smem:$0x3FB2]  }
0x31: {  	[smem:$0x3FBB] =	sst s10  }
0x32: {  	s10 =	sld [smem:$0x3FB9];
	_ =	sdelay $0x3  }
0x33: {  	p0 =	seq.s32 s10, $0x1;
	s10 =	sld [smem:$0x3FBB];
	_ =	sdelay $0x3  }
0x34: {  	[smem:$0x3FBB] =	sst s10  }
0x35: {  	s10 =	sld [smem:$0x3FBA];
	_ =	sdelay $0x3  }
0x36: {  	p1 =	seq.s32 s10, $0x1;
	s10 =	sld [smem:$0x3FBB];
	_ =	sdelay $0x3  }
0x37: {  	[smem:$0x3FBB] =	sst s10  }
0x38: {  	s10 =	sld [smem:$0x3FBC]  }
0x39: {  	_ = 	snop;
	(pc) =	sbr.ind lr, $3  }
0x3a: {  	_ = 	snop  }
0x3b: {  	_ = 	snop  }
0x3c: {  	p2 =	seq.s32 s10, $0x1;
	s10 =	sld [smem:$0x3FBB]  }
0x3d: {  	_ =	shalt  }
0x3e: {  	_ =	shalt  }
0x3f: {  	_ =	shalt  }
0x40: {  	_ =	shalt  }
0x41: {  	_ =	shalt  }
0x42: {  	_ =	shalt  }
0x43: {  	_ =	shalt  }
0x44: {  	_ =	shalt  }
0x45: {  	_ =	shalt  }
0x46: {  	_ =	shalt  }
0x47: {  	_ =	shalt  }
0x48: {  	_ =	shalt  }
0x49: {  	_ =	shalt  }
0x4a: {  	_ =	shalt  }
0x4b: {  	_ =	shalt  }
0x4c: {  	_ =	shalt  }
0x4d: {  	_ =	shalt  }
0x4e: {  	_ =	shalt  }
0x4f: {  	_ =	shalt  }
0x50: {  	_ =	shalt  }
0x51: {  	_ =	shalt  }
0x52: {  	_ =	shalt  }
0x53: {  	_ =	shalt  }
0x54: {  	_ =	shalt  }
0x55: {  	_ =	shalt  }
0x56: {  	_ =	shalt  }
0x57: {  	_ =	shalt  }
0x58: {  	_ =	shalt  }
0x59: {  	_ =	shalt  }
0x5a: {  	_ =	shalt  }
0x5b: {  	_ =	shalt  }
0x5c: {  	_ =	shalt  }
0x5d: {  	_ =	shalt  }
0x5e: {  	_ =	shalt  }
0x5f: {  	_ =	shalt  }
0x60: {  	_ =	shalt  }
0x61: {  	_ =	shalt  }
0x62: {  	_ =	shalt  }
0x63: {  	_ =	shalt  }
0x64: {  	_ =	shalt  }
0x65: {  	_ =	shalt  }
0x66: {  	_ =	shalt  }
0x67: {  	_ =	shalt  }
0x68: {  	_ =	shalt  }
0x69: {  	_ =	shalt  }
0x6a: {  	_ =	shalt  }
0x6b: {  	_ =	shalt  }
0x6c: {  	_ =	shalt  }
0x6d: {  	_ =	shalt  }
0x6e: {  	_ =	shalt  }
0x6f: {  	_ =	shalt  }
0x70: {  	_ =	shalt  }
0x71: {  	_ =	shalt  }
0x72: {  	_ =	shalt  }
0x73: {  	_ =	shalt  }
0x74: {  	_ =	shalt  }
0x75: {  	_ =	shalt  }
0x76: {  	_ =	shalt  }
0x77: {  	_ =	shalt  }
0x78: {  	_ =	shalt  }
0x79: {  	_ =	shalt  }
0x7a: {  	_ =	shalt  }
0x7b: {  	_ =	shalt  }
0x7c: {  	_ =	shalt  }
0x7d: {  	_ =	shalt  }
0x7e: {  	_ =	shalt  }
0x7f: {  	_ =	shalt  }
0x80: {  	_ =	shalt  }
0x81: {  	_ =	shalt  }
0x82: {  	_ =	shalt  }
0x83: {  	_ =	shalt  }
0x84: {  	_ =	shalt  }
0x85: {  	_ =	shalt  }
0x86: {  	_ =	shalt  }
0x87: {  	_ =	shalt  }
.Lfunc_end0:
.L_simem_size_0:
called_computation_lowered:
.L_overlay_start_0:
0x88: {  	s2 =	sld [smem:$0x3FD9]  }
0x89: {  	s3 =	sld [smem:$0x3FFE];
	_ =	sdelay $0x1  }
0x8a: {  	s1 =	srdreg.scid  }
0x8b: {  	s0 =	sand.u32 $0x1, s1  }
0x8c: {  	s17 =	sshll.u32 s0, $0xA;
	s2 =	sadd.s32 s3, s2  }
0x8d: {  	s2 =	sadd.s32 s2, s17  }
0x8e: {  	[smem:$0x3FC7] =	sst s2  }
0x8f: {  	_ = 	snop  }
0x90: {  	s2 =	sld [smem:$0x3FD0];
	(tm) =	ssettm $0x1  }
0x91: {  	s18 =	sld [smem:$0x3FFB];
	_ =	sdelay $0x3  }
0x92: {  	_ =	strace s18  }
0x93: {  	s3 =	sld [smem:$0x3FFC];
	_ =	sdelay $0x3  }
0x94: {  	_ =	strace s3  }
0x95: {  	s3 =	sld [smem:$0x3FFD];
	_ =	sdelay $0x3  }
0x96: {  	_ =	strace s3  }
0x97: {  	_ =	strace $0x8FFFFFFF  }
0x98: {  	s19 =	sld [smem:$0x3FDB];
	_ =	sdelay $0x1  }
0x99: {  	s4 =	simm.s32 $_scs_section_size  }
0x9a: {  	s5 =	simm.s32 $_size__tile_overlayer_lowered;
	s6 =	simm.s32 $_tile_overlayer_lowered  }
0x9b: {  	s22 =	simm.s32 $0x1BFF;
	s21 =	sshll.u32 s6, $0x1;
	s3 =	sadd.s32 s4, s19  }
0x9c: {  	s7 =	simm.s32 $0x0;
	s20 =	sshll.u32 s5, $0x1;
	s5 =	sadd.s32 s21, s3  }
0x9d: {  	[timem:s7], [sflag:s22] =	dma.local [hbm:s5], s20  }
0x9e: {  	_ =	swait.ge [sflag:s22], s20  }
0x9f: {  	s4 =	ssub.s32 $0x0, s20;
	[sflag:s22] =	ssyncset.done $0x0  }
0xa0: {  	[sflag:s22] =	ssyncadd.s32 s4;
	_ =	sdelay $0x1  }
0xa1: {  	s23 =	simm.s32 $0x1B8B  }
0xa2: {  	_ =	swait.ge [sflag:s23], $0x1  }
0xa3: {  	[sflag:s23] =	ssyncset.done $0x0  }
0xa4: {  	s25 =	simm.s32 $0x1B8E;
	s24 =	sld [smem:$0x3FFE];
	[sflag:s23] =	ssyncadd.s32 $0xFFFFFFFF  }
0xa5: {  	s26 =	simm.s32 $execute0_lowered;
	[smem:$0x3FD2] =	sst s25  }
0xa6: {  	s5 =	sshll.u32 s26, $0x1;
	_ =	strace $0x80000046;
	[dreg:$0x1] =	wrdreg $0xFFFFFFFF  }
0xa7: {  	s28 =	simm.s32 $_size_execute0_lowered;
	s3 =	sadd.s32 s3, s5;
	[dreg:$0x0] =	wrdreg $0x0  }
0xa8: {  	s5 =	sshll.u32 s28, $0x1;
	[dreg:$0x2] =	wrdreg s3  }
0xa9: {  	[dreg:$0x3] =	wrdreg s5  }
0xaa: {  	[dreg:$0x4] =	wrdreg $0xC0  }
0xab: {  	_ =	task [dreg:s7], $0x5FFFF  }
0xac: {  	[dreg:$0x1] =	wrdreg $0xFFFFFFFF  }
0xad: {  	[dreg:$0x0] =	wrdreg $0x60  }
0xae: {  	[dreg:$0x2] =	wrdreg s24  }
0xaf: {  	[dreg:$0x3] =	wrdreg s2  }
0xb0: {  	[dreg:$0x4] =	wrdreg $0xE5000  }
0xb1: {  	[dreg:$0x5] =	wrdreg $0x9  }
0xb2: {  	_ =	task.clear_ibuf [dreg:s7], $0x6FFFF;
	_ =	strace $0x90000046  }
0xb3: {  	s29 =	simm.s32 $0x9;
	_ =	strace $0x80000048  }
0xb4: {  	_ =	swait.ge [sflag:s29], $0x1  }
0xb5: {  	[sflag:s29] =	ssyncadd.s32 $0xFFFFFFFF  }
0xb6: {  	_ =	strace $0x90000048  }
0xb7: {  	_ =	sfence  }
0xb8: {  	s30 =	sld [smem:$0x0];
	_ =	sdelay $0x2  }
0xb9: {  	s31 =	sshll.u32 s1, $0xD;
	s1 =	sshrl.u32 s1, $0x2  }
0xba: {  	s3 =	sand.u32 $0x4000, s31;
	s1 =	sadd.s32 s1, s30  }
0xbb: {  	s0 =	sor.u32 s3, s0;
	s1 =	sshll.u32 s1, $0x11  }
0xbc: {  	s0 =	sor.u32 s1, s0  }
0xbd: {  	s0 =	sadd.s32 $0x8F2B, s0  }
0xbe: {  	[sflag:s0] =	ssyncadd.remote.s32 $0x1  }
0xbf: {  	_ =	sfence.sel $0xFFFF  }
0xc0: {  	[dreg:$0x0] =	wrdreg $0xFFFFFFFF;
	(pc) =	sbr.abs _section_cstart, $3  }
0xc1: {  	[dreg:$0x1] =	wrdreg $0xFFFFFFFF  }
0xc2: {  	_ =	task.clear_ibuf [dreg:s7], $0x2FFFF;
	_ =	strace $0x9FFFFFFF  }
0xc3: {  	(tm) =	ssettm $0x7FFFFFFF  }
tec
execute0_lowered:
.L_overlay_start_1:
0x0: {  	(tag) =	ssettag $0x1  }
0x1: {  	s6 =	rddreg [dreg:$0x0]  }
0x2: {  	s0 =	srdreg.scid;
	s2 =	rddreg [dreg:$0x1]  }
0x3: {  	s3 =	rddreg [dreg:$0x2];
	s4 =	simm.s32 $0x0;
	s12 =	simm.s32 $0x6480  }
0x4: {  	s13 =	simm.s32 $0x80;
	s5 =	sand.u32 $0x1, s0;
	s0 =	stileid.u32  }
0x5: {  	s14 =	simm.s32 $0x1;
	s15 =	simm.s32 $0x0;
	s8 =	smul.u32 $0x8080, s0  }
0x6: {  	[smem:$0x7FF] =	sst s4;
	s1 =	sshll.u32 s5, $0x4;
	s9 =	smul.u32 $0x80800, s5  }
0x7: {  	s10 =	ssub.s32 $0x2, s5;
	s5 =	sadd.s32 $0x27200, s6;
	s1 =	sor.u32 s0, s1  }
0x8: {  	s11 =	sshrl.u32 s10, $0x1;
	s7 =	smul.u32 $0xC80, s1;
	s1 =	rddreg [dreg:$0x3]  }
0x9: {  	_ =	strace $0x80000047;
	s9 =	sadd.s32 s8, s9;
	s10 =	ssub.s32 s10, s11  }
0xa: {  	s11 =	simm.s32 $0x2;
	s9 =	sshrl.u32 s9, $0x3;
	s7 =	sadd.s32 s7, s6  }
0xb: {  	s9 =	sadd.s32 s9, s6;
	s6 =	sadd.s32 s8, s3;
	s7 =	sadd.s32 $0x1200, s7  }
0xc: {  	s8 =	sadd.s32 $0x27400, s9;
	s9 =	smax.u32 s10, $0x1;
	s10 =	simm.s32 $0x6400  }
.LBB2_1:
0xd: {  	[tilespmem:s10], [sflag:$0x2] =	stream.linear.gather [hbm4b:s5+s4], $0x80, $0x38;
	[tilespmem:$0x16580] =	vst v63  }
0xe: {  	_ =	swait.ge [sflag:s11], $0x80  }
0xf: {  	[sflag:s11] =	ssyncset.done $0x0  }
0x10: {  	[sflag:s11] =	ssyncadd.s32 $0xFFFFFF80  }
0x11: {  	[tilespmem:s12], [sflag:$0x2] =	stream.linear.gather [hbm4b:s2+s4], $0x8080, $0x38;
	[tilespmem:$0x16580] =	vst v63  }
0x12: {  	_ =	swait.ge [sflag:s11], $0x8080  }
0x13: {  	[sflag:s11] =	ssyncset.done $0x0  }
0x14: {  	[sflag:s11] =	ssyncadd.s32 $0xFFFF7F80  }
0x15: {  	[spmem:s6] =	stream.linear.scatter [tilespmem:s12], [sflag:$0x2], $0x8080, $0x38;
	[tilespmem:$0x16580] =	vst v63  }
0x16: {  	_ =	swait.ge [sflag:s11], $0x8080  }
0x17: {  	[sflag:s11] =	ssyncset.done $0x0  }
0x18: {  	[sflag:s11] =	ssyncadd.s32 $0xFFFF7F80  }
0x19: {  	[tilespmem:s4], [sflag:$0x2] =	stream.linear.gather [hbm4b:s7+s4], $0x6200, $0x38;
	[tilespmem:$0x16580] =	vst v63  }
0x1a: {  	_ =	swait.ge [sflag:s11], $0x6200  }
0x1b: {  	[sflag:s11] =	ssyncset.done $0x0  }
0x1c: {  	[sflag:s11] =	ssyncadd.s32 $0xFFFF9E00  }
0x1d: {  	s16 =	simm.s32 $0x0;
	[bflag:$0x0] =	sbarrier.arrive $0xFFFF  }
0x1e: {  	[spmem:s3] =	stream.indirect.scatter.add.f32 [tilespmem:s10], [sflag:$0x1], $0x1, s16, s13, $0xb8;
	[tilespmem:$0x16580] =	vst v63  }
0x1f: {  	s18 =	simm.s32 $0x80  }
0x20: {  	[spmem:s3] =	stream.indirect.scatter.add.f32 [tilespmem:s10], [sflag:$0x1], $0x1, s18, s13, $0xb8;
	[tilespmem:$0x16580] =	vst v63  }
0x21: {  	s19 =	simm.s32 $0x100  }
0x22: {  	[spmem:s3] =	stream.indirect.scatter.add.f32 [tilespmem:s10], [sflag:$0x1], $0x1, s19, s13, $0xb8;
	[tilespmem:$0x16580] =	vst v63  }
0x23: {  	s20 =	simm.s32 $0x180  }
0x24: {  	[spmem:s3] =	stream.indirect.scatter.add.f32 [tilespmem:s10], [sflag:$0x1], $0x1, s20, s13, $0xb8;
	[tilespmem:$0x16580] =	vst v63  }
0x25: {  	s21 =	simm.s32 $0x200  }
0x26: {  	[spmem:s3] =	stream.indirect.scatter.add.f32 [tilespmem:s10], [sflag:$0x1], $0x1, s21, s13, $0xb8;
	[tilespmem:$0x16580] =	vst v63  }
0x27: {  	s22 =	simm.s32 $0x280  }
0x28: {  	[spmem:s3] =	stream.indirect.scatter.add.f32 [tilespmem:s10], [sflag:$0x1], $0x1, s22, s13, $0xb8;
	[tilespmem:$0x16580] =	vst v63  }
0x29: {  	s23 =	simm.s32 $0x300  }
0x2a: {  	[spmem:s3] =	stream.indirect.scatter.add.f32 [tilespmem:s10], [sflag:$0x1], $0x1, s23, s13, $0xb8;
	[tilespmem:$0x16580] =	vst v63  }
0x2b: {  	s24 =	simm.s32 $0x380  }
0x2c: {  	[spmem:s3] =	stream.indirect.scatter.add.f32 [tilespmem:s10], [sflag:$0x1], $0x1, s24, s13, $0xb8;
	[tilespmem:$0x16580] =	vst v63  }
0x2d: {  	s25 =	simm.s32 $0x400  }
0x2e: {  	[spmem:s3] =	stream.indirect.scatter.add.f32 [tilespmem:s10], [sflag:$0x1], $0x1, s25, s13, $0xb8;
	[tilespmem:$0x16580] =	vst v63  }
0x2f: {  	s26 =	simm.s32 $0x480  }
0x30: {  	[spmem:s3] =	stream.indirect.scatter.add.f32 [tilespmem:s10], [sflag:$0x1], $0x1, s26, s13, $0xb8;
	[tilespmem:$0x16580] =	vst v63  }
0x31: {  	s28 =	simm.s32 $0x500  }
0x32: {  	[spmem:s3] =	stream.indirect.scatter.add.f32 [tilespmem:s10], [sflag:$0x1], $0x1, s28, s13, $0xb8;
	[tilespmem:$0x16580] =	vst v63  }
0x33: {  	s29 =	simm.s32 $0x580  }
0x34: {  	[spmem:s3] =	stream.indirect.scatter.add.f32 [tilespmem:s10], [sflag:$0x1], $0x1, s29, s13, $0xb8;
	[tilespmem:$0x16580] =	vst v63  }
0x35: {  	s30 =	simm.s32 $0x600  }
0x36: {  	[spmem:s3] =	stream.indirect.scatter.add.f32 [tilespmem:s10], [sflag:$0x1], $0x1, s30, s13, $0xb8;
	[tilespmem:$0x16580] =	vst v63  }
0x37: {  	s31 =	simm.s32 $0x680  }
0x38: {  	[spmem:s3] =	stream.indirect.scatter.add.f32 [tilespmem:s10], [sflag:$0x1], $0x1, s31, s13, $0xb8;
	[tilespmem:$0x16580] =	vst v63  }
0x39: {  	s17 =	simm.s32 $0x700  }
0x3a: {  	[spmem:s3] =	stream.indirect.scatter.add.f32 [tilespmem:s10], [sflag:$0x1], $0x1, s17, s13, $0xb8;
	[tilespmem:$0x16580] =	vst v63  }
0x3b: {  	s18 =	simm.s32 $0x780  }
0x3c: {  	[spmem:s3] =	stream.indirect.scatter.add.f32 [tilespmem:s10], [sflag:$0x1], $0x1, s18, s13, $0xb8;
	[tilespmem:$0x16580] =	vst v63  }
0x3d: {  	s19 =	simm.s32 $0x800  }
0x3e: {  	[spmem:s3] =	stream.indirect.scatter.add.f32 [tilespmem:s10], [sflag:$0x1], $0x1, s19, s13, $0xb8;
	[tilespmem:$0x16580] =	vst v63  }
0x3f: {  	s20 =	simm.s32 $0x880  }
0x40: {  	[spmem:s3] =	stream.indirect.scatter.add.f32 [tilespmem:s10], [sflag:$0x1], $0x1, s20, s13, $0xb8;
	[tilespmem:$0x16580] =	vst v63  }
0x41: {  	s21 =	simm.s32 $0x900  }
0x42: {  	[spmem:s3] =	stream.indirect.scatter.add.f32 [tilespmem:s10], [sflag:$0x1], $0x1, s21, s13, $0xb8;
	[tilespmem:$0x16580] =	vst v63  }
0x43: {  	s22 =	simm.s32 $0x980  }
0x44: {  	[spmem:s3] =	stream.indirect.scatter.add.f32 [tilespmem:s10], [sflag:$0x1], $0x1, s22, s13, $0xb8;
	[tilespmem:$0x16580] =	vst v63  }
0x45: {  	s23 =	simm.s32 $0xA00  }
0x46: {  	[spmem:s3] =	stream.indirect.scatter.add.f32 [tilespmem:s10], [sflag:$0x1], $0x1, s23, s13, $0xb8;
	[tilespmem:$0x16580] =	vst v63  }
0x47: {  	s24 =	simm.s32 $0xA80  }
0x48: {  	[spmem:s3] =	stream.indirect.scatter.add.f32 [tilespmem:s10], [sflag:$0x1], $0x1, s24, s13, $0xb8;
	[tilespmem:$0x16580] =	vst v63  }
0x49: {  	s25 =	simm.s32 $0xB00  }
0x4a: {  	[spmem:s3] =	stream.indirect.scatter.add.f32 [tilespmem:s10], [sflag:$0x1], $0x1, s25, s13, $0xb8;
	[tilespmem:$0x16580] =	vst v63  }
0x4b: {  	s26 =	simm.s32 $0xB80  }
0x4c: {  	[spmem:s3] =	stream.indirect.scatter.add.f32 [tilespmem:s10], [sflag:$0x1], $0x1, s26, s13, $0xb8;
	[tilespmem:$0x16580] =	vst v63  }
0x4d: {  	s28 =	simm.s32 $0xC00  }
0x4e: {  	[spmem:s3] =	stream.indirect.scatter.add.f32 [tilespmem:s10], [sflag:$0x1], $0x1, s28, s13, $0xb8;
	[tilespmem:$0x16580] =	vst v63  }
0x4f: {  	s29 =	simm.s32 $0xC80  }
0x50: {  	[spmem:s3] =	stream.indirect.scatter.add.f32 [tilespmem:s10], [sflag:$0x1], $0x1, s29, s13, $0xb8;
	[tilespmem:$0x16580] =	vst v63  }
0x51: {  	s30 =	simm.s32 $0xD00  }
0x52: {  	[spmem:s3] =	stream.indirect.scatter.add.f32 [tilespmem:s10], [sflag:$0x1], $0x1, s30, s13, $0xb8;
	[tilespmem:$0x16580] =	vst v63  }
0x53: {  	s31 =	simm.s32 $0xD80  }
0x54: {  	[spmem:s3] =	stream.indirect.scatter.add.f32 [tilespmem:s10], [sflag:$0x1], $0x1, s31, s13, $0xb8;
	[tilespmem:$0x16580] =	vst v63  }
0x55: {  	_ =	swait.ge [sflag:s14], $0x80  }
0x56: {  	[sflag:s14] =	ssyncset.done $0x0  }
0x57: {  	[sflag:s14] =	ssyncadd.s32 $0xFFFFFF80  }
0x58: {  	_ =	swait.ge [sflag:s14], $0x80  }
0x59: {  	[sflag:s14] =	ssyncset.done $0x0  }
0x5a: {  	[sflag:s14] =	ssyncadd.s32 $0xFFFFFF80  }
0x5b: {  	_ =	swait.ge [sflag:s14], $0x80  }
0x5c: {  	[sflag:s14] =	ssyncset.done $0x0  }
0x5d: {  	[sflag:s14] =	ssyncadd.s32 $0xFFFFFF80  }
0x5e: {  	_ =	swait.ge [sflag:s14], $0x80  }
0x5f: {  	[sflag:s14] =	ssyncset.done $0x0  }
0x60: {  	[sflag:s14] =	ssyncadd.s32 $0xFFFFFF80  }
0x61: {  	_ =	swait.ge [sflag:s14], $0x80  }
0x62: {  	[sflag:s14] =	ssyncset.done $0x0  }
0x63: {  	[sflag:s14] =	ssyncadd.s32 $0xFFFFFF80  }
0x64: {  	_ =	swait.ge [sflag:s14], $0x80  }
0x65: {  	[sflag:s14] =	ssyncset.done $0x0  }
0x66: {  	[sflag:s14] =	ssyncadd.s32 $0xFFFFFF80  }
0x67: {  	_ =	swait.ge [sflag:s14], $0x80  }
0x68: {  	[sflag:s14] =	ssyncset.done $0x0  }
0x69: {  	[sflag:s14] =	ssyncadd.s32 $0xFFFFFF80  }
0x6a: {  	_ =	swait.ge [sflag:s14], $0x80  }
0x6b: {  	[sflag:s14] =	ssyncset.done $0x0  }
0x6c: {  	[sflag:s14] =	ssyncadd.s32 $0xFFFFFF80  }
0x6d: {  	_ =	swait.ge [sflag:s14], $0x80  }
0x6e: {  	[sflag:s14] =	ssyncset.done $0x0  }
0x6f: {  	[sflag:s14] =	ssyncadd.s32 $0xFFFFFF80  }
0x70: {  	_ =	swait.ge [sflag:s14], $0x80  }
0x71: {  	[sflag:s14] =	ssyncset.done $0x0  }
0x72: {  	[sflag:s14] =	ssyncadd.s32 $0xFFFFFF80  }
0x73: {  	_ =	swait.ge [sflag:s14], $0x80  }
0x74: {  	[sflag:s14] =	ssyncset.done $0x0  }
0x75: {  	[sflag:s14] =	ssyncadd.s32 $0xFFFFFF80  }
0x76: {  	_ =	swait.ge [sflag:s14], $0x80  }
0x77: {  	[sflag:s14] =	ssyncset.done $0x0  }
0x78: {  	[sflag:s14] =	ssyncadd.s32 $0xFFFFFF80  }
0x79: {  	_ =	swait.ge [sflag:s14], $0x80  }
0x7a: {  	[sflag:s14] =	ssyncset.done $0x0  }
0x7b: {  	[sflag:s14] =	ssyncadd.s32 $0xFFFFFF80  }
0x7c: {  	_ =	swait.ge [sflag:s14], $0x80  }
0x7d: {  	[sflag:s14] =	ssyncset.done $0x0  }
0x7e: {  	[sflag:s14] =	ssyncadd.s32 $0xFFFFFF80  }
0x7f: {  	_ =	swait.ge [sflag:s14], $0x80  }
0x80: {  	[sflag:s14] =	ssyncset.done $0x0  }
0x81: {  	[sflag:s14] =	ssyncadd.s32 $0xFFFFFF80  }
0x82: {  	_ =	swait.ge [sflag:s14], $0x80  }
0x83: {  	[sflag:s14] =	ssyncset.done $0x0  }
0x84: {  	[sflag:s14] =	ssyncadd.s32 $0xFFFFFF80  }
0x85: {  	_ =	swait.ge [sflag:s14], $0x80  }
0x86: {  	[sflag:s14] =	ssyncset.done $0x0  }
0x87: {  	[sflag:s14] =	ssyncadd.s32 $0xFFFFFF80  }
0x88: {  	_ =	swait.ge [sflag:s14], $0x80  }
0x89: {  	[sflag:s14] =	ssyncset.done $0x0  }
0x8a: {  	[sflag:s14] =	ssyncadd.s32 $0xFFFFFF80  }
0x8b: {  	_ =	swait.ge [sflag:s14], $0x80  }
0x8c: {  	[sflag:s14] =	ssyncset.done $0x0  }
0x8d: {  	[sflag:s14] =	ssyncadd.s32 $0xFFFFFF80  }
0x8e: {  	_ =	swait.ge [sflag:s14], $0x80  }
0x8f: {  	[sflag:s14] =	ssyncset.done $0x0  }
0x90: {  	[sflag:s14] =	ssyncadd.s32 $0xFFFFFF80  }
0x91: {  	_ =	swait.ge [sflag:s14], $0x80  }
0x92: {  	[sflag:s14] =	ssyncset.done $0x0  }
0x93: {  	[sflag:s14] =	ssyncadd.s32 $0xFFFFFF80  }
0x94: {  	_ =	swait.ge [sflag:s14], $0x80  }
0x95: {  	[sflag:s14] =	ssyncset.done $0x0  }
0x96: {  	[sflag:s14] =	ssyncadd.s32 $0xFFFFFF80  }
0x97: {  	_ =	swait.ge [sflag:s14], $0x80  }
0x98: {  	[sflag:s14] =	ssyncset.done $0x0  }
0x99: {  	[sflag:s14] =	ssyncadd.s32 $0xFFFFFF80  }
0x9a: {  	_ =	swait.ge [sflag:s14], $0x80  }
0x9b: {  	[sflag:s14] =	ssyncset.done $0x0  }
0x9c: {  	[sflag:s14] =	ssyncadd.s32 $0xFFFFFF80  }
0x9d: {  	_ =	swait.ge [sflag:s14], $0x80  }
0x9e: {  	[sflag:s14] =	ssyncset.done $0x0  }
0x9f: {  	[sflag:s14] =	ssyncadd.s32 $0xFFFFFF80  }
0xa0: {  	_ =	swait.ge [sflag:s14], $0x80  }
0xa1: {  	[sflag:s14] =	ssyncset.done $0x0  }
0xa2: {  	[sflag:s14] =	ssyncadd.s32 $0xFFFFFF80  }
0xa3: {  	_ =	swait.ge [sflag:s14], $0x80  }
0xa4: {  	[sflag:s14] =	ssyncset.done $0x0  }
0xa5: {  	[sflag:s14] =	ssyncadd.s32 $0xFFFFFF80  }
0xa6: {  	_ =	swait.ge [sflag:s14], $0x80  }
0xa7: {  	s16 =	simm.s32 $0x3800;
	s19 =	simm.s32 $0x7000;
	[sflag:s14] =	ssyncset.done $0x0  }
.LBB2_2:
0xa8: {  	s18 =	sshra.s32 s16, $0x2  }
0xa9: {  	[sflag:s14] =	ssyncadd.s32 $0xFFFFFF80;
	s16 =	smov.u32 s19;
	s17 =	sadd.s32 $0x3800, s19  }
0xaa: {  	[spmem:s3] =	stream.indirect.scatter.add.f32 [tilespmem:s10], [sflag:$0x1], $0x1, s18, s13, $0xb8;
	[tilespmem:$0x16580] =	vst v63  }
0xab: {  	p0 =	sne.s32 s19, $0x15000;
	s19 =	sadd.s32 $0x80, s18  }
0xac: {  	[spmem:s3] =	stream.indirect.scatter.add.f32 [tilespmem:s10], [sflag:$0x1], $0x1, s19, s13, $0xb8;
	[tilespmem:$0x16580] =	vst v63  }
0xad: {  	s19 =	sadd.s32 $0x100, s18  }
0xae: {  	[spmem:s3] =	stream.indirect.scatter.add.f32 [tilespmem:s10], [sflag:$0x1], $0x1, s19, s13, $0xb8;
	[tilespmem:$0x16580] =	vst v63  }
0xaf: {  	s19 =	sadd.s32 $0x180, s18  }
0xb0: {  	[spmem:s3] =	stream.indirect.scatter.add.f32 [tilespmem:s10], [sflag:$0x1], $0x1, s19, s13, $0xb8;
	[tilespmem:$0x16580] =	vst v63  }
0xb1: {  	s19 =	sadd.s32 $0x200, s18  }
0xb2: {  	[spmem:s3] =	stream.indirect.scatter.add.f32 [tilespmem:s10], [sflag:$0x1], $0x1, s19, s13, $0xb8;
	[tilespmem:$0x16580] =	vst v63  }
0xb3: {  	s19 =	sadd.s32 $0x280, s18  }
0xb4: {  	[spmem:s3] =	stream.indirect.scatter.add.f32 [tilespmem:s10], [sflag:$0x1], $0x1, s19, s13, $0xb8;
	[tilespmem:$0x16580] =	vst v63  }
0xb5: {  	s19 =	sadd.s32 $0x300, s18  }
0xb6: {  	[spmem:s3] =	stream.indirect.scatter.add.f32 [tilespmem:s10], [sflag:$0x1], $0x1, s19, s13, $0xb8;
	[tilespmem:$0x16580] =	vst v63  }
0xb7: {  	s19 =	sadd.s32 $0x380, s18  }
0xb8: {  	[spmem:s3] =	stream.indirect.scatter.add.f32 [tilespmem:s10], [sflag:$0x1], $0x1, s19, s13, $0xb8;
	[tilespmem:$0x16580] =	vst v63  }
0xb9: {  	s19 =	sadd.s32 $0x400, s18  }
0xba: {  	[spmem:s3] =	stream.indirect.scatter.add.f32 [tilespmem:s10], [sflag:$0x1], $0x1, s19, s13, $0xb8;
	[tilespmem:$0x16580] =	vst v63  }
0xbb: {  	s19 =	sadd.s32 $0x480, s18  }
0xbc: {  	[spmem:s3] =	stream.indirect.scatter.add.f32 [tilespmem:s10], [sflag:$0x1], $0x1, s19, s13, $0xb8;
	[tilespmem:$0x16580] =	vst v63  }
0xbd: {  	s19 =	sadd.s32 $0x500, s18  }
0xbe: {  	[spmem:s3] =	stream.indirect.scatter.add.f32 [tilespmem:s10], [sflag:$0x1], $0x1, s19, s13, $0xb8;
	[tilespmem:$0x16580] =	vst v63  }
0xbf: {  	s19 =	sadd.s32 $0x580, s18  }
0xc0: {  	[spmem:s3] =	stream.indirect.scatter.add.f32 [tilespmem:s10], [sflag:$0x1], $0x1, s19, s13, $0xb8;
	[tilespmem:$0x16580] =	vst v63  }
0xc1: {  	s19 =	sadd.s32 $0x600, s18  }
0xc2: {  	[spmem:s3] =	stream.indirect.scatter.add.f32 [tilespmem:s10], [sflag:$0x1], $0x1, s19, s13, $0xb8;
	[tilespmem:$0x16580] =	vst v63  }
0xc3: {  	s19 =	sadd.s32 $0x680, s18  }
0xc4: {  	[spmem:s3] =	stream.indirect.scatter.add.f32 [tilespmem:s10], [sflag:$0x1], $0x1, s19, s13, $0xb8;
	[tilespmem:$0x16580] =	vst v63  }
0xc5: {  	s19 =	sadd.s32 $0x700, s18  }
0xc6: {  	[spmem:s3] =	stream.indirect.scatter.add.f32 [tilespmem:s10], [sflag:$0x1], $0x1, s19, s13, $0xb8;
	[tilespmem:$0x16580] =	vst v63  }
0xc7: {  	s19 =	sadd.s32 $0x780, s18  }
0xc8: {  	[spmem:s3] =	stream.indirect.scatter.add.f32 [tilespmem:s10], [sflag:$0x1], $0x1, s19, s13, $0xb8;
	[tilespmem:$0x16580] =	vst v63  }
0xc9: {  	s19 =	sadd.s32 $0x800, s18  }
0xca: {  	[spmem:s3] =	stream.indirect.scatter.add.f32 [tilespmem:s10], [sflag:$0x1], $0x1, s19, s13, $0xb8;
	[tilespmem:$0x16580] =	vst v63  }
0xcb: {  	s19 =	sadd.s32 $0x880, s18  }
0xcc: {  	[spmem:s3] =	stream.indirect.scatter.add.f32 [tilespmem:s10], [sflag:$0x1], $0x1, s19, s13, $0xb8;
	[tilespmem:$0x16580] =	vst v63  }
0xcd: {  	s19 =	sadd.s32 $0x900, s18  }
0xce: {  	[spmem:s3] =	stream.indirect.scatter.add.f32 [tilespmem:s10], [sflag:$0x1], $0x1, s19, s13, $0xb8;
	[tilespmem:$0x16580] =	vst v63  }
0xcf: {  	s19 =	sadd.s32 $0x980, s18  }
0xd0: {  	[spmem:s3] =	stream.indirect.scatter.add.f32 [tilespmem:s10], [sflag:$0x1], $0x1, s19, s13, $0xb8;
	[tilespmem:$0x16580] =	vst v63  }
0xd1: {  	s19 =	sadd.s32 $0xA00, s18  }
0xd2: {  	[spmem:s3] =	stream.indirect.scatter.add.f32 [tilespmem:s10], [sflag:$0x1], $0x1, s19, s13, $0xb8;
	[tilespmem:$0x16580] =	vst v63  }
0xd3: {  	s19 =	sadd.s32 $0xA80, s18  }
0xd4: {  	[spmem:s3] =	stream.indirect.scatter.add.f32 [tilespmem:s10], [sflag:$0x1], $0x1, s19, s13, $0xb8;
	[tilespmem:$0x16580] =	vst v63  }
0xd5: {  	s19 =	sadd.s32 $0xB00, s18  }
0xd6: {  	[spmem:s3] =	stream.indirect.scatter.add.f32 [tilespmem:s10], [sflag:$0x1], $0x1, s19, s13, $0xb8;
	[tilespmem:$0x16580] =	vst v63  }
0xd7: {  	s19 =	sadd.s32 $0xB80, s18  }
0xd8: {  	[spmem:s3] =	stream.indirect.scatter.add.f32 [tilespmem:s10], [sflag:$0x1], $0x1, s19, s13, $0xb8;
	[tilespmem:$0x16580] =	vst v63  }
0xd9: {  	s19 =	sadd.s32 $0xC00, s18  }
0xda: {  	[spmem:s3] =	stream.indirect.scatter.add.f32 [tilespmem:s10], [sflag:$0x1], $0x1, s19, s13, $0xb8;
	[tilespmem:$0x16580] =	vst v63  }
0xdb: {  	s19 =	sadd.s32 $0xC80, s18  }
0xdc: {  	[spmem:s3] =	stream.indirect.scatter.add.f32 [tilespmem:s10], [sflag:$0x1], $0x1, s19, s13, $0xb8;
	[tilespmem:$0x16580] =	vst v63  }
0xdd: {  	s19 =	sadd.s32 $0xD00, s18  }
0xde: {  	[spmem:s3] =	stream.indirect.scatter.add.f32 [tilespmem:s10], [sflag:$0x1], $0x1, s19, s13, $0xb8;
	[tilespmem:$0x16580] =	vst v63  }
0xdf: {  	s18 =	sadd.s32 $0xD80, s18  }
0xe0: {  	[spmem:s3] =	stream.indirect.scatter.add.f32 [tilespmem:s10], [sflag:$0x1], $0x1, s18, s13, $0xb8;
	[tilespmem:$0x16580] =	vst v63  }
0xe1: {  	_ =	swait.ge [sflag:s14], $0x80  }
0xe2: {  	[sflag:s14] =	ssyncset.done $0x0  }
0xe3: {  	[sflag:s14] =	ssyncadd.s32 $0xFFFFFF80  }
0xe4: {  	_ =	swait.ge [sflag:s14], $0x80  }
0xe5: {  	[sflag:s14] =	ssyncset.done $0x0  }
0xe6: {  	[sflag:s14] =	ssyncadd.s32 $0xFFFFFF80  }
0xe7: {  	_ =	swait.ge [sflag:s14], $0x80  }
0xe8: {  	[sflag:s14] =	ssyncset.done $0x0  }
0xe9: {  	[sflag:s14] =	ssyncadd.s32 $0xFFFFFF80  }
0xea: {  	_ =	swait.ge [sflag:s14], $0x80  }
0xeb: {  	[sflag:s14] =	ssyncset.done $0x0  }
0xec: {  	[sflag:s14] =	ssyncadd.s32 $0xFFFFFF80  }
0xed: {  	_ =	swait.ge [sflag:s14], $0x80  }
0xee: {  	[sflag:s14] =	ssyncset.done $0x0  }
0xef: {  	[sflag:s14] =	ssyncadd.s32 $0xFFFFFF80  }
0xf0: {  	_ =	swait.ge [sflag:s14], $0x80  }
0xf1: {  	[sflag:s14] =	ssyncset.done $0x0  }
0xf2: {  	[sflag:s14] =	ssyncadd.s32 $0xFFFFFF80  }
0xf3: {  	_ =	swait.ge [sflag:s14], $0x80  }
0xf4: {  	[sflag:s14] =	ssyncset.done $0x0  }
0xf5: {  	[sflag:s14] =	ssyncadd.s32 $0xFFFFFF80  }
0xf6: {  	_ =	swait.ge [sflag:s14], $0x80  }
0xf7: {  	[sflag:s14] =	ssyncset.done $0x0  }
0xf8: {  	[sflag:s14] =	ssyncadd.s32 $0xFFFFFF80  }
0xf9: {  	_ =	swait.ge [sflag:s14], $0x80  }
0xfa: {  	[sflag:s14] =	ssyncset.done $0x0  }
0xfb: {  	[sflag:s14] =	ssyncadd.s32 $0xFFFFFF80  }
0xfc: {  	_ =	swait.ge [sflag:s14], $0x80  }
0xfd: {  	[sflag:s14] =	ssyncset.done $0x0  }
0xfe: {  	[sflag:s14] =	ssyncadd.s32 $0xFFFFFF80  }
0xff: {  	_ =	swait.ge [sflag:s14], $0x80  }
0x100: {  	[sflag:s14] =	ssyncset.done $0x0  }
0x101: {  	[sflag:s14] =	ssyncadd.s32 $0xFFFFFF80  }
0x102: {  	_ =	swait.ge [sflag:s14], $0x80  }
0x103: {  	[sflag:s14] =	ssyncset.done $0x0  }
0x104: {  	[sflag:s14] =	ssyncadd.s32 $0xFFFFFF80  }
0x105: {  	_ =	swait.ge [sflag:s14], $0x80  }
0x106: {  	[sflag:s14] =	ssyncset.done $0x0  }
0x107: {  	[sflag:s14] =	ssyncadd.s32 $0xFFFFFF80  }
0x108: {  	_ =	swait.ge [sflag:s14], $0x80  }
0x109: {  	[sflag:s14] =	ssyncset.done $0x0  }
0x10a: {  	[sflag:s14] =	ssyncadd.s32 $0xFFFFFF80  }
0x10b: {  	_ =	swait.ge [sflag:s14], $0x80  }
0x10c: {  	[sflag:s14] =	ssyncset.done $0x0  }
0x10d: {  	[sflag:s14] =	ssyncadd.s32 $0xFFFFFF80  }
0x10e: {  	_ =	swait.ge [sflag:s14], $0x80  }
0x10f: {  	[sflag:s14] =	ssyncset.done $0x0  }
0x110: {  	[sflag:s14] =	ssyncadd.s32 $0xFFFFFF80  }
0x111: {  	_ =	swait.ge [sflag:s14], $0x80  }
0x112: {  	[sflag:s14] =	ssyncset.done $0x0  }
0x113: {  	[sflag:s14] =	ssyncadd.s32 $0xFFFFFF80  }
0x114: {  	_ =	swait.ge [sflag:s14], $0x80  }
0x115: {  	[sflag:s14] =	ssyncset.done $0x0  }
0x116: {  	[sflag:s14] =	ssyncadd.s32 $0xFFFFFF80  }
0x117: {  	_ =	swait.ge [sflag:s14], $0x80  }
0x118: {  	[sflag:s14] =	ssyncset.done $0x0  }
0x119: {  	[sflag:s14] =	ssyncadd.s32 $0xFFFFFF80  }
0x11a: {  	_ =	swait.ge [sflag:s14], $0x80  }
0x11b: {  	[sflag:s14] =	ssyncset.done $0x0  }
0x11c: {  	[sflag:s14] =	ssyncadd.s32 $0xFFFFFF80  }
0x11d: {  	_ =	swait.ge [sflag:s14], $0x80  }
0x11e: {  	[sflag:s14] =	ssyncset.done $0x0  }
0x11f: {  	[sflag:s14] =	ssyncadd.s32 $0xFFFFFF80  }
0x120: {  	_ =	swait.ge [sflag:s14], $0x80  }
0x121: {  	[sflag:s14] =	ssyncset.done $0x0  }
0x122: {  	[sflag:s14] =	ssyncadd.s32 $0xFFFFFF80  }
0x123: {  	_ =	swait.ge [sflag:s14], $0x80  }
0x124: {  	[sflag:s14] =	ssyncset.done $0x0  }
0x125: {  	[sflag:s14] =	ssyncadd.s32 $0xFFFFFF80  }
0x126: {  	_ =	swait.ge [sflag:s14], $0x80  }
0x127: {  	[sflag:s14] =	ssyncset.done $0x0  }
0x128: {  	[sflag:s14] =	ssyncadd.s32 $0xFFFFFF80  }
0x129: {  	_ =	swait.ge [sflag:s14], $0x80  }
0x12a: {  	[sflag:s14] =	ssyncset.done $0x0  }
0x12b: {  	[sflag:s14] =	ssyncadd.s32 $0xFFFFFF80  }
0x12c: {  	_ =	swait.ge [sflag:s14], $0x80  }
0x12d: {  	[sflag:s14] =	ssyncset.done $0x0  }
0x12e: {  	[sflag:s14] =	ssyncadd.s32 $0xFFFFFF80  }
.Ltmp0:
0x12f: {  	_ =	swait.ge [sflag:s14], $0x80;
	(pc) =	sbr.rel @p0 .LBB2_2-.Ltmp0, $4  }
0x130: {  	[sflag:s14] =	ssyncset.done $0x0  }
0x131: {  	[sflag:s14] =	ssyncadd.s32 $0xFFFFFF80  }
0x132: {  	_ =	swait.ge [sflag:s14], $0x80  }
0x133: {  	s19 =	smov.u32 s17;
	[sflag:s14] =	ssyncset.done $0x0  }
0x134: {  	s16 =	sshra.s32 s16, $0x2;
	[sflag:s14] =	ssyncadd.s32 $0xFFFFFF80  }
0x135: {  	[spmem:s3] =	stream.indirect.scatter.add.f32 [tilespmem:s10], [sflag:$0x1], $0x1, s16, s13, $0xb8;
	[tilespmem:$0x16580] =	vst v63  }
0x136: {  	s17 =	sadd.s32 $0x80, s16  }
0x137: {  	[spmem:s3] =	stream.indirect.scatter.add.f32 [tilespmem:s10], [sflag:$0x1], $0x1, s17, s13, $0xb8;
	[tilespmem:$0x16580] =	vst v63  }
0x138: {  	s19 =	sadd.s32 $0x100, s16  }
0x139: {  	[spmem:s3] =	stream.indirect.scatter.add.f32 [tilespmem:s10], [sflag:$0x1], $0x1, s19, s13, $0xb8;
	[tilespmem:$0x16580] =	vst v63  }
0x13a: {  	s20 =	sadd.s32 $0x180, s16  }
0x13b: {  	[spmem:s3] =	stream.indirect.scatter.add.f32 [tilespmem:s10], [sflag:$0x1], $0x1, s20, s13, $0xb8;
	[tilespmem:$0x16580] =	vst v63  }
0x13c: {  	s21 =	sadd.s32 $0x200, s16  }
0x13d: {  	[spmem:s3] =	stream.indirect.scatter.add.f32 [tilespmem:s10], [sflag:$0x1], $0x1, s21, s13, $0xb8;
	[tilespmem:$0x16580] =	vst v63  }
0x13e: {  	s22 =	sadd.s32 $0x280, s16  }
0x13f: {  	[spmem:s3] =	stream.indirect.scatter.add.f32 [tilespmem:s10], [sflag:$0x1], $0x1, s22, s13, $0xb8;
	[tilespmem:$0x16580] =	vst v63  }
0x140: {  	s23 =	sadd.s32 $0x300, s16  }
0x141: {  	[spmem:s3] =	stream.indirect.scatter.add.f32 [tilespmem:s10], [sflag:$0x1], $0x1, s23, s13, $0xb8;
	[tilespmem:$0x16580] =	vst v63  }
0x142: {  	s24 =	sadd.s32 $0x380, s16  }
0x143: {  	[spmem:s3] =	stream.indirect.scatter.add.f32 [tilespmem:s10], [sflag:$0x1], $0x1, s24, s13, $0xb8;
	[tilespmem:$0x16580] =	vst v63  }
0x144: {  	s25 =	sadd.s32 $0x400, s16  }
0x145: {  	[spmem:s3] =	stream.indirect.scatter.add.f32 [tilespmem:s10], [sflag:$0x1], $0x1, s25, s13, $0xb8;
	[tilespmem:$0x16580] =	vst v63  }
0x146: {  	s26 =	sadd.s32 $0x480, s16  }
0x147: {  	[spmem:s3] =	stream.indirect.scatter.add.f32 [tilespmem:s10], [sflag:$0x1], $0x1, s26, s13, $0xb8;
	[tilespmem:$0x16580] =	vst v63  }
0x148: {  	s28 =	sadd.s32 $0x500, s16  }
0x149: {  	[spmem:s3] =	stream.indirect.scatter.add.f32 [tilespmem:s10], [sflag:$0x1], $0x1, s28, s13, $0xb8;
	[tilespmem:$0x16580] =	vst v63  }
0x14a: {  	s29 =	sadd.s32 $0x580, s16  }
0x14b: {  	[spmem:s3] =	stream.indirect.scatter.add.f32 [tilespmem:s10], [sflag:$0x1], $0x1, s29, s13, $0xb8;
	[tilespmem:$0x16580] =	vst v63  }
0x14c: {  	s30 =	sadd.s32 $0x600, s16  }
0x14d: {  	[spmem:s3] =	stream.indirect.scatter.add.f32 [tilespmem:s10], [sflag:$0x1], $0x1, s30, s13, $0xb8;
	[tilespmem:$0x16580] =	vst v63  }
0x14e: {  	s31 =	sadd.s32 $0x680, s16  }
0x14f: {  	[spmem:s3] =	stream.indirect.scatter.add.f32 [tilespmem:s10], [sflag:$0x1], $0x1, s31, s13, $0xb8;
	[tilespmem:$0x16580] =	vst v63  }
0x150: {  	s18 =	sadd.s32 $0x700, s16  }
0x151: {  	[spmem:s3] =	stream.indirect.scatter.add.f32 [tilespmem:s10], [sflag:$0x1], $0x1, s18, s13, $0xb8;
	[tilespmem:$0x16580] =	vst v63  }
0x152: {  	s19 =	sadd.s32 $0x780, s16  }
0x153: {  	[spmem:s3] =	stream.indirect.scatter.add.f32 [tilespmem:s10], [sflag:$0x1], $0x1, s19, s13, $0xb8;
	[tilespmem:$0x16580] =	vst v63  }
0x154: {  	s20 =	sadd.s32 $0x800, s16  }
0x155: {  	[spmem:s3] =	stream.indirect.scatter.add.f32 [tilespmem:s10], [sflag:$0x1], $0x1, s20, s13, $0xb8;
	[tilespmem:$0x16580] =	vst v63  }
0x156: {  	s21 =	sadd.s32 $0x880, s16  }
0x157: {  	[spmem:s3] =	stream.indirect.scatter.add.f32 [tilespmem:s10], [sflag:$0x1], $0x1, s21, s13, $0xb8;
	[tilespmem:$0x16580] =	vst v63  }
0x158: {  	s22 =	sadd.s32 $0x900, s16  }
0x159: {  	[spmem:s3] =	stream.indirect.scatter.add.f32 [tilespmem:s10], [sflag:$0x1], $0x1, s22, s13, $0xb8;
	[tilespmem:$0x16580] =	vst v63  }
0x15a: {  	s23 =	sadd.s32 $0x980, s16  }
0x15b: {  	[spmem:s3] =	stream.indirect.scatter.add.f32 [tilespmem:s10], [sflag:$0x1], $0x1, s23, s13, $0xb8;
	[tilespmem:$0x16580] =	vst v63  }
0x15c: {  	s24 =	sadd.s32 $0xA00, s16  }
0x15d: {  	[spmem:s3] =	stream.indirect.scatter.add.f32 [tilespmem:s10], [sflag:$0x1], $0x1, s24, s13, $0xb8;
	[tilespmem:$0x16580] =	vst v63  }
0x15e: {  	s25 =	sadd.s32 $0xA80, s16  }
0x15f: {  	[spmem:s3] =	stream.indirect.scatter.add.f32 [tilespmem:s10], [sflag:$0x1], $0x1, s25, s13, $0xb8;
	[tilespmem:$0x16580] =	vst v63  }
0x160: {  	s26 =	sadd.s32 $0xB00, s16  }
0x161: {  	[spmem:s3] =	stream.indirect.scatter.add.f32 [tilespmem:s10], [sflag:$0x1], $0x1, s26, s13, $0xb8;
	[tilespmem:$0x16580] =	vst v63  }
0x162: {  	s28 =	sadd.s32 $0xB80, s16  }
0x163: {  	[spmem:s3] =	stream.indirect.scatter.add.f32 [tilespmem:s10], [sflag:$0x1], $0x1, s28, s13, $0xb8;
	[tilespmem:$0x16580] =	vst v63  }
0x164: {  	s29 =	sadd.s32 $0xC00, s16  }
0x165: {  	[spmem:s3] =	stream.indirect.scatter.add.f32 [tilespmem:s10], [sflag:$0x1], $0x1, s29, s13, $0xb8;
	[tilespmem:$0x16580] =	vst v63  }
0x166: {  	s30 =	sadd.s32 $0xC80, s16  }
0x167: {  	[spmem:s3] =	stream.indirect.scatter.add.f32 [tilespmem:s10], [sflag:$0x1], $0x1, s30, s13, $0xb8;
	[tilespmem:$0x16580] =	vst v63  }
0x168: {  	s31 =	sadd.s32 $0xD00, s16  }
0x169: {  	[spmem:s3] =	stream.indirect.scatter.add.f32 [tilespmem:s10], [sflag:$0x1], $0x1, s31, s13, $0xb8;
	[tilespmem:$0x16580] =	vst v63  }
0x16a: {  	s16 =	sadd.s32 $0xD80, s16  }
0x16b: {  	[spmem:s3] =	stream.indirect.scatter.add.f32 [tilespmem:s10], [sflag:$0x1], $0x1, s16, s13, $0xb8;
	[tilespmem:$0x16580] =	vst v63  }
0x16c: {  	_ =	swait.ge [sflag:s14], $0x80  }
0x16d: {  	[sflag:s14] =	ssyncset.done $0x0  }
0x16e: {  	[sflag:s14] =	ssyncadd.s32 $0xFFFFFF80  }
0x16f: {  	_ =	swait.ge [sflag:s14], $0x80  }
0x170: {  	[sflag:s14] =	ssyncset.done $0x0  }
0x171: {  	[sflag:s14] =	ssyncadd.s32 $0xFFFFFF80  }
0x172: {  	_ =	swait.ge [sflag:s14], $0x80  }
0x173: {  	[sflag:s14] =	ssyncset.done $0x0  }
0x174: {  	[sflag:s14] =	ssyncadd.s32 $0xFFFFFF80  }
0x175: {  	_ =	swait.ge [sflag:s14], $0x80  }
0x176: {  	[sflag:s14] =	ssyncset.done $0x0  }
0x177: {  	[sflag:s14] =	ssyncadd.s32 $0xFFFFFF80  }
0x178: {  	_ =	swait.ge [sflag:s14], $0x80  }
0x179: {  	[sflag:s14] =	ssyncset.done $0x0  }
0x17a: {  	[sflag:s14] =	ssyncadd.s32 $0xFFFFFF80  }
0x17b: {  	_ =	swait.ge [sflag:s14], $0x80  }
0x17c: {  	[sflag:s14] =	ssyncset.done $0x0  }
0x17d: {  	[sflag:s14] =	ssyncadd.s32 $0xFFFFFF80  }
0x17e: {  	_ =	swait.ge [sflag:s14], $0x80  }
0x17f: {  	[sflag:s14] =	ssyncset.done $0x0  }
0x180: {  	[sflag:s14] =	ssyncadd.s32 $0xFFFFFF80  }
0x181: {  	_ =	swait.ge [sflag:s14], $0x80  }
0x182: {  	[sflag:s14] =	ssyncset.done $0x0  }
0x183: {  	[sflag:s14] =	ssyncadd.s32 $0xFFFFFF80  }
0x184: {  	_ =	swait.ge [sflag:s14], $0x80  }
0x185: {  	[sflag:s14] =	ssyncset.done $0x0  }
0x186: {  	[sflag:s14] =	ssyncadd.s32 $0xFFFFFF80  }
0x187: {  	_ =	swait.ge [sflag:s14], $0x80  }
0x188: {  	[sflag:s14] =	ssyncset.done $0x0  }
0x189: {  	[sflag:s14] =	ssyncadd.s32 $0xFFFFFF80  }
0x18a: {  	_ =	swait.ge [sflag:s14], $0x80  }
0x18b: {  	[sflag:s14] =	ssyncset.done $0x0  }
0x18c: {  	[sflag:s14] =	ssyncadd.s32 $0xFFFFFF80  }
0x18d: {  	_ =	swait.ge [sflag:s14], $0x80  }
0x18e: {  	[sflag:s14] =	ssyncset.done $0x0  }
0x18f: {  	[sflag:s14] =	ssyncadd.s32 $0xFFFFFF80  }
0x190: {  	_ =	swait.ge [sflag:s14], $0x80  }
0x191: {  	[sflag:s14] =	ssyncset.done $0x0  }
0x192: {  	[sflag:s14] =	ssyncadd.s32 $0xFFFFFF80  }
0x193: {  	_ =	swait.ge [sflag:s14], $0x80  }
0x194: {  	[sflag:s14] =	ssyncset.done $0x0  }
0x195: {  	[sflag:s14] =	ssyncadd.s32 $0xFFFFFF80  }
0x196: {  	_ =	swait.ge [sflag:s14], $0x80  }
0x197: {  	[sflag:s14] =	ssyncset.done $0x0  }
0x198: {  	[sflag:s14] =	ssyncadd.s32 $0xFFFFFF80  }
0x199: {  	_ =	swait.ge [sflag:s14], $0x80  }
0x19a: {  	[sflag:s14] =	ssyncset.done $0x0  }
0x19b: {  	[sflag:s14] =	ssyncadd.s32 $0xFFFFFF80  }
0x19c: {  	_ =	swait.ge [sflag:s14], $0x80  }
0x19d: {  	[sflag:s14] =	ssyncset.done $0x0  }
0x19e: {  	[sflag:s14] =	ssyncadd.s32 $0xFFFFFF80  }
0x19f: {  	_ =	swait.ge [sflag:s14], $0x80  }
0x1a0: {  	[sflag:s14] =	ssyncset.done $0x0  }
0x1a1: {  	[sflag:s14] =	ssyncadd.s32 $0xFFFFFF80  }
0x1a2: {  	_ =	swait.ge [sflag:s14], $0x80  }
0x1a3: {  	[sflag:s14] =	ssyncset.done $0x0  }
0x1a4: {  	[sflag:s14] =	ssyncadd.s32 $0xFFFFFF80  }
0x1a5: {  	_ =	swait.ge [sflag:s14], $0x80  }
0x1a6: {  	[sflag:s14] =	ssyncset.done $0x0  }
0x1a7: {  	[sflag:s14] =	ssyncadd.s32 $0xFFFFFF80  }
0x1a8: {  	_ =	swait.ge [sflag:s14], $0x80  }
0x1a9: {  	[sflag:s14] =	ssyncset.done $0x0  }
0x1aa: {  	[sflag:s14] =	ssyncadd.s32 $0xFFFFFF80  }
0x1ab: {  	_ =	swait.ge [sflag:s14], $0x80  }
0x1ac: {  	[sflag:s14] =	ssyncset.done $0x0  }
0x1ad: {  	[sflag:s14] =	ssyncadd.s32 $0xFFFFFF80  }
0x1ae: {  	_ =	swait.ge [sflag:s14], $0x80  }
0x1af: {  	[sflag:s14] =	ssyncset.done $0x0  }
0x1b0: {  	[sflag:s14] =	ssyncadd.s32 $0xFFFFFF80  }
0x1b1: {  	_ =	swait.ge [sflag:s14], $0x80  }
0x1b2: {  	[sflag:s14] =	ssyncset.done $0x0  }
0x1b3: {  	[sflag:s14] =	ssyncadd.s32 $0xFFFFFF80  }
0x1b4: {  	_ =	swait.ge [sflag:s14], $0x80  }
0x1b5: {  	[sflag:s14] =	ssyncset.done $0x0  }
0x1b6: {  	[sflag:s14] =	ssyncadd.s32 $0xFFFFFF80  }
0x1b7: {  	_ =	swait.ge [sflag:s14], $0x80  }
0x1b8: {  	[sflag:s14] =	ssyncset.done $0x0  }
0x1b9: {  	[sflag:s14] =	ssyncadd.s32 $0xFFFFFF80  }
0x1ba: {  	_ =	swait.ge [sflag:s14], $0x80  }
0x1bb: {  	[sflag:s14] =	ssyncset.done $0x0  }
0x1bc: {  	[sflag:s14] =	ssyncadd.s32 $0xFFFFFF80  }
0x1bd: {  	_ =	swait.ge [sflag:s14], $0x80  }
0x1be: {  	[sflag:s14] =	ssyncset.done $0x0  }
0x1bf: {  	[sflag:s14] =	ssyncadd.s32 $0xFFFFFF80  }
0x1c0: {  	[bflag:$0x0] =	sbarrier.arrive $0xFFFF  }
0x1c1: {  	[tilespmem:s12], [sflag:$0x2] =	stream.linear.gather [spmem:s6], $0x8080, $0x38;
	[tilespmem:$0x16580] =	vst v63  }
0x1c2: {  	s15 =	sadd.s32 $0x1, s15;
	_ =	swait.ge [sflag:s11], $0x8080  }
0x1c3: {  	p0 =	sne.s32 s15, s9;
	[sflag:s11] =	ssyncset.done $0x0  }
.Ltmp1:
0x1c4: {  	[sflag:s11] =	ssyncadd.s32 $0xFFFF7F80;
	(pc) =	sbr.rel @p0 .LBB2_1-.Ltmp1, $4  }
0x1c5: {  	[hbm4b:s8+s4] =	stream.linear.scatter [tilespmem:s12], [sflag:$0x2], $0x8080, $0x38;
	[tilespmem:$0x16580] =	vst v63  }
0x1c6: {  	_ =	swait.ge [sflag:s11], $0x8080  }
0x1c7: {  	[sflag:s11] =	ssyncset.done $0x0  }
0x1c8: {  	[sflag:s11] =	ssyncadd.s32 $0xFFFF7F80  }
0x1c9: {  	_ =	sfence.sel $0x180000  }
0x1ca: {  	[bflag:$0x0] =	sbarrier.arrive $0xFFFF  }
0x1cb: {  	p0 =	sne.s32 s0, $0x0;
	_ =	strace $0x90000047  }
0x1cc: {  	s0 =	sadd.s32 @!p0 $0x100000, s1;
	[bflag:$0x2] =	sbarrier.arrive $0xFFFF  }
0x1cd: {  	[sflag:s0] =	ssyncadd.tile.s32 @!p0 $0x1;
	_ =	shalt  }
.Lfunc_end2:
_tile_overlayer_lowered:
.L_overlay_start_2:
0x1ce: {  	(tag) =	ssettag $0x2  }
0x1cf: {  	s0 =	rddreg [dreg:$0x0];
	s2 =	stileid.u32  }
0x1d0: {  	s1 =	rddreg [dreg:$0x1];
	p0 =	sne.s32 s2, $0x0  }
0x1d1: {  	s3 =	rddreg [dreg:$0x2];
	[bflag:$0x3] =	sbarrier.arrive $0xFFFF;
	s2 =	simm.s32 @!p0 $0x1C02  }
0x1d2: {  	[timem:s3], [sflag:s2] =	dma.local @!p0 [hbm:s0], s1  }
0x1d3: {  	s0 =	simm.s32 @!p0 $0x2  }
0x1d4: {  	_ =	swait.ge @!p0 [sflag:s0], s1  }
0x1d5: {  	s1 =	ssub.s32 @!p0 $0x0, s1;
	[sflag:s0] =	ssyncset.done @!p0 $0x0  }
0x1d6: {  	[sflag:s0] =	ssyncadd.s32 @!p0 s1  }
0x1d7: {  	[bflag:$0x3] =	sbarrier.arrive $0xFFFF  }
0x1d8: {  	_ =	shalt  }

// kernel: kernel.9.cloned.1.call-start
scs
__scs_entry_jumppad:
0x0: {  	(pc) =	sbr.rel $0x88, $3  }
0x1: {  	(tag) =	ssettag $0x0;
	lr =	simm.s32 $0x1  }
0x2: {  	[smem:$0x3FA0] =	sst lr;
	_ =	strace $0xD0000000  }
0x3: {  	_ = 	snop  }
0x4: {  	_ = 	snop  }
0x5: {  	_ = 	snop  }
0x6: {  	_ = 	snop  }
0x7: {  	_ = 	snop  }
__scs_overlays_trampoline_lowered:
0x8: {  	[smem:$0x3FAF] =	sst s0  }
0x9: {  	[smem:$0x3FB0] =	sst s1  }
0xa: {  	[smem:$0x3FB1] =	sst s2  }
0xb: {  	[smem:$0x3FB2] =	sst s3  }
0xc: {  	[smem:$0x3FB3] =	sst s4  }
0xd: {  	[smem:$0x3FB4] =	sst s5  }
0xe: {  	[smem:$0x3FB5] =	sst s6  }
0xf: {  	[smem:$0x3FB6] =	sst s7  }
0x10: {  	[smem:$0x3FB7] =	sst s8  }
0x11: {  	[smem:$0x3FB8] =	sst s9;
	s0 =	simm.s32 @!p0 $0x0  }
0x12: {  	s1 =	sld [smem:$0x3F9E];
	s0 =	simm.s32 @p0 $0x1  }
0x13: {  	[smem:$0x3FB9] =	sst s0;
	s0 =	simm.s32 @!p1 $0x0  }
0x14: {  	s2 =	sld [smem:$0x3F9D];
	s0 =	simm.s32 @p1 $0x1  }
0x15: {  	[smem:$0x3FBA] =	sst s0;
	s0 =	simm.s32 @!p2 $0x0  }
0x16: {  	s3 =	sld [smem:$0x3FDB];
	s0 =	simm.s32 @p2 $0x1  }
0x17: {  	s4 =	simm.s32 $0x1BF5;
	[smem:$0x3FBC] =	sst s0  }
0x18: {  	s0 =	sld [smem:$0x3F9F];
	_ =	swait.ge [sflag:s4], $0x0  }
0x19: {  	s7 =	sld [smem:$0x3FA0]  }
0x1a: {  	s8 =	sadd.s32 $0xFFFFE003, lr  }
0x1b: {  	s9 =	sadd.s32 $0xFFFFFEF7, lr;
	s5 =	simm.s32 $0xFFFFFFFF;
	p2 =	slt.u32 s8, $0xFFFFF086  }
0x1c: {  	p1 =	slt.u32 s9, $0xF7A;
	s5 =	simm.s32 @!p2 $0x0  }
0x1d: {  	s5 =	simm.s32 @p1 $0x1;
	p0 =	seq.s32 s7, s2  }
0x1e: {  	s7 =	smul.u32 @!p0 $0xF7A, s2;
	p2 =	seq.s32 @!p0 s5, $0x0  }
0x1f: {  	s9 =	smul.u32 $0xF7A, s1;
	s8 =	simm.s32 @!p0 $0x1BF5;
	p2 =	por !p2, p0  }
0x20: {  	[sflag:s8] =	ssyncset.s32 @!p0 $0xFFFFF086;
	s6 =	sadd.s32 @!p0 s3, s7;
	s7 =	simm.s32 @!p0 $0x108  }
0x21: {  	s3 =	sadd.s32 s3, s9;
	s6 =	sadd.s32 @!p0 $0x88, s6;
	s7 =	simm.s32 @p2 $0x1082  }
0x22: {  	[simem:s7], [sflag:s8] =	dma.local @!p0 [hbm:s6], $0xF7A  }
0x23: {  	s9 =	sor.u32 $0xD0000000, s2;
	s6 =	simm.s32 $0x108;
	_ =	swait.ge @!p0 [sflag:s8], $0x0  }
0x24: {  	s3 =	sadd.s32 $0x88, s3;
	s6 =	simm.s32 @!p1 $0x1082;
	[sflag:s4] =	ssyncset.s32 $0xFFFFF086  }
0x25: {  	[simem:s6], [sflag:s4] =	dma.local [hbm:s3], $0xF7A  }
0x26: {  	[smem:$0x3FA0] =	sst s1;
	(tag) =	ssettag s2;
	_ =	strace s9  }
0x27: {  	s1 =	sld [smem:$0x3FB0]  }
0x28: {  	s2 =	sld [smem:$0x3FB1]  }
0x29: {  	s4 =	sld [smem:$0x3FB3]  }
0x2a: {  	p0 =	seq.s32 s5, $0x0;
	s5 =	sld [smem:$0x3FB4]  }
0x2b: {  	s6 =	sld [smem:$0x3FB5]  }
0x2c: {  	s7 =	sld [smem:$0x3FB6]  }
0x2d: {  	s3 =	simm.s32 $0x108;
	s8 =	sld [smem:$0x3FB7]  }
0x2e: {  	s3 =	simm.s32 @!p0 $0x1082;
	s9 =	sld [smem:$0x3FB8]  }
0x2f: {  	lr =	sadd.s32 s0, s3;
	s0 =	sld [smem:$0x3FAF]  }
0x30: {  	s3 =	sld [smem:$0x3FB2]  }
0x31: {  	[smem:$0x3FBB] =	sst s10  }
0x32: {  	s10 =	sld [smem:$0x3FB9];
	_ =	sdelay $0x3  }
0x33: {  	p0 =	seq.s32 s10, $0x1;
	s10 =	sld [smem:$0x3FBB];
	_ =	sdelay $0x3  }
0x34: {  	[smem:$0x3FBB] =	sst s10  }
0x35: {  	s10 =	sld [smem:$0x3FBA];
	_ =	sdelay $0x3  }
0x36: {  	p1 =	seq.s32 s10, $0x1;
	s10 =	sld [smem:$0x3FBB];
	_ =	sdelay $0x3  }
0x37: {  	[smem:$0x3FBB] =	sst s10  }
0x38: {  	s10 =	sld [smem:$0x3FBC]  }
0x39: {  	_ = 	snop;
	(pc) =	sbr.ind lr, $3  }
0x3a: {  	_ = 	snop  }
0x3b: {  	_ = 	snop  }
0x3c: {  	p2 =	seq.s32 s10, $0x1;
	s10 =	sld [smem:$0x3FBB]  }
0x3d: {  	_ =	shalt  }
0x3e: {  	_ =	shalt  }
0x3f: {  	_ =	shalt  }
0x40: {  	_ =	shalt  }
0x41: {  	_ =	shalt  }
0x42: {  	_ =	shalt  }
0x43: {  	_ =	shalt  }
0x44: {  	_ =	shalt  }
0x45: {  	_ =	shalt  }
0x46: {  	_ =	shalt  }
0x47: {  	_ =	shalt  }
0x48: {  	_ =	shalt  }
0x49: {  	_ =	shalt  }
0x4a: {  	_ =	shalt  }
0x4b: {  	_ =	shalt  }
0x4c: {  	_ =	shalt  }
0x4d: {  	_ =	shalt  }
0x4e: {  	_ =	shalt  }
0x4f: {  	_ =	shalt  }
0x50: {  	_ =	shalt  }
0x51: {  	_ =	shalt  }
0x52: {  	_ =	shalt  }
0x53: {  	_ =	shalt  }
0x54: {  	_ =	shalt  }
0x55: {  	_ =	shalt  }
0x56: {  	_ =	shalt  }
0x57: {  	_ =	shalt  }
0x58: {  	_ =	shalt  }
0x59: {  	_ =	shalt  }
0x5a: {  	_ =	shalt  }
0x5b: {  	_ =	shalt  }
0x5c: {  	_ =	shalt  }
0x5d: {  	_ =	shalt  }
0x5e: {  	_ =	shalt  }
0x5f: {  	_ =	shalt  }
0x60: {  	_ =	shalt  }
0x61: {  	_ =	shalt  }
0x62: {  	_ =	shalt  }
0x63: {  	_ =	shalt  }
0x64: {  	_ =	shalt  }
0x65: {  	_ =	shalt  }
0x66: {  	_ =	shalt  }
0x67: {  	_ =	shalt  }
0x68: {  	_ =	shalt  }
0x69: {  	_ =	shalt  }
0x6a: {  	_ =	shalt  }
0x6b: {  	_ =	shalt  }
0x6c: {  	_ =	shalt  }
0x6d: {  	_ =	shalt  }
0x6e: {  	_ =	shalt  }
0x6f: {  	_ =	shalt  }
0x70: {  	_ =	shalt  }
0x71: {  	_ =	shalt  }
0x72: {  	_ =	shalt  }
0x73: {  	_ =	shalt  }
0x74: {  	_ =	shalt  }
0x75: {  	_ =	shalt  }
0x76: {  	_ =	shalt  }
0x77: {  	_ =	shalt  }
0x78: {  	_ =	shalt  }
0x79: {  	_ =	shalt  }
0x7a: {  	_ =	shalt  }
0x7b: {  	_ =	shalt  }
0x7c: {  	_ =	shalt  }
0x7d: {  	_ =	shalt  }
0x7e: {  	_ =	shalt  }
0x7f: {  	_ =	shalt  }
0x80: {  	_ =	shalt  }
0x81: {  	_ =	shalt  }
0x82: {  	_ =	shalt  }
0x83: {  	_ =	shalt  }
0x84: {  	_ =	shalt  }
0x85: {  	_ =	shalt  }
0x86: {  	_ =	shalt  }
0x87: {  	_ =	shalt  }
.Lfunc_end0:
.L_simem_size_0:
called_computation.1_lowered:
.L_overlay_start_0:
0x88: {  	s2 =	sld [smem:$0x3FD9]  }
0x89: {  	s3 =	sld [smem:$0x3FFE];
	_ =	sdelay $0x1  }
0x8a: {  	s1 =	srdreg.scid  }
0x8b: {  	s0 =	sand.u32 $0x1, s1  }
0x8c: {  	s16 =	sshll.u32 s0, $0xA;
	s2 =	sadd.s32 s3, s2  }
0x8d: {  	s2 =	sadd.s32 s2, s16  }
0x8e: {  	[smem:$0x3FC7] =	sst s2  }
0x8f: {  	_ = 	snop  }
0x90: {  	(tm) =	ssettm $0x1  }
0x91: {  	s17 =	sld [smem:$0x3FFB];
	_ =	sdelay $0x3  }
0x92: {  	_ =	strace s17  }
0x93: {  	s2 =	sld [smem:$0x3FFC];
	_ =	sdelay $0x3  }
0x94: {  	_ =	strace s2  }
0x95: {  	s2 =	sld [smem:$0x3FFD];
	_ =	sdelay $0x3  }
0x96: {  	_ =	strace s2  }
0x97: {  	_ =	strace $0x8FFFFFFF  }
0x98: {  	s18 =	sld [smem:$0x3FDB];
	_ =	sdelay $0x1  }
0x99: {  	s19 =	simm.s32 $_scs_section_size  }
0x9a: {  	s4 =	simm.s32 $_size__tile_overlayer_lowered;
	s5 =	simm.s32 $_tile_overlayer_lowered  }
0x9b: {  	s22 =	simm.s32 $0x1BFF;
	s21 =	sshll.u32 s5, $0x1;
	s2 =	sadd.s32 s19, s18  }
0x9c: {  	s6 =	simm.s32 $0x0;
	s20 =	sshll.u32 s4, $0x1;
	s4 =	sadd.s32 s21, s2  }
0x9d: {  	[timem:s6], [sflag:s22] =	dma.local [hbm:s4], s20  }
0x9e: {  	_ =	swait.ge [sflag:s22], s20  }
0x9f: {  	s3 =	ssub.s32 $0x0, s20;
	[sflag:s22] =	ssyncset.done $0x0  }
0xa0: {  	[sflag:s22] =	ssyncadd.s32 s3;
	_ =	sdelay $0x1  }
0xa1: {  	s23 =	simm.s32 $0x1B8B  }
0xa2: {  	_ =	swait.ge [sflag:s23], $0x1  }
0xa3: {  	[sflag:s23] =	ssyncset.done $0x0  }
0xa4: {  	s25 =	simm.s32 $0x1B8E;
	s24 =	sld [smem:$0x3FFE];
	[sflag:s23] =	ssyncadd.s32 $0xFFFFFFFF  }
0xa5: {  	s26 =	simm.s32 $execute0_lowered;
	[smem:$0x3FD2] =	sst s25  }
0xa6: {  	s4 =	sshll.u32 s26, $0x1;
	_ =	strace $0x80000049;
	[dreg:$0x1] =	wrdreg $0xFFFFFFFF  }
0xa7: {  	s28 =	simm.s32 $_size_execute0_lowered;
	s2 =	sadd.s32 s2, s4;
	[dreg:$0x0] =	wrdreg $0x0  }
0xa8: {  	s4 =	sshll.u32 s28, $0x1;
	[dreg:$0x2] =	wrdreg s2  }
0xa9: {  	[dreg:$0x3] =	wrdreg s4  }
0xaa: {  	[dreg:$0x4] =	wrdreg $0xC0  }
0xab: {  	_ =	task [dreg:s6], $0x5FFFF  }
0xac: {  	[dreg:$0x1] =	wrdreg $0xFFFFFFFF  }
0xad: {  	[dreg:$0x0] =	wrdreg $0x60  }
0xae: {  	[dreg:$0x2] =	wrdreg s24  }
0xaf: {  	[dreg:$0x3] =	wrdreg $0x9  }
0xb0: {  	_ =	task.clear_ibuf [dreg:s6], $0x4FFFF;
	_ =	strace $0x90000049  }
0xb1: {  	s29 =	simm.s32 $0x9;
	_ =	strace $0x8000004B  }
0xb2: {  	_ =	swait.ge [sflag:s29], $0x1  }
0xb3: {  	[sflag:s29] =	ssyncadd.s32 $0xFFFFFFFF  }
0xb4: {  	_ =	strace $0x9000004B  }
0xb5: {  	_ =	sfence  }
0xb6: {  	s30 =	sld [smem:$0x0];
	_ =	sdelay $0x2  }
0xb7: {  	s31 =	sshll.u32 s1, $0xD;
	s1 =	sshrl.u32 s1, $0x2  }
0xb8: {  	s3 =	sand.u32 $0x4000, s31;
	s1 =	sadd.s32 s1, s30  }
0xb9: {  	s0 =	sor.u32 s3, s0;
	s1 =	sshll.u32 s1, $0x11  }
0xba: {  	s0 =	sor.u32 s1, s0  }
0xbb: {  	s0 =	sadd.s32 $0x8F2B, s0  }
0xbc: {  	[sflag:s0] =	ssyncadd.remote.s32 $0x1  }
0xbd: {  	_ =	sfence.sel $0xFFFF  }
0xbe: {  	[dreg:$0x0] =	wrdreg $0xFFFFFFFF;
	(pc) =	sbr.abs _section_cstart, $3  }
0xbf: {  	[dreg:$0x1] =	wrdreg $0xFFFFFFFF  }
0xc0: {  	_ =	task.clear_ibuf [dreg:s6], $0x2FFFF;
	_ =	strace $0x9FFFFFFF  }
0xc1: {  	(tm) =	ssettm $0x7FFFFFFF  }
tec
execute0_lowered:
.L_overlay_start_1:
0x0: {  	(tag) =	ssettag $0x1  }
0x1: {  	s0 =	srdreg.scid  }
0x2: {  	s4 =	rddreg [dreg:$0x0];
	s1 =	stileid.u32  }
0x3: {  	s2 =	simm.s32 $0x0;
	s7 =	simm.s32 $0x2;
	s3 =	sand.u32 $0x1, s0  }
0x4: {  	s8 =	simm.s32 $0x80;
	s9 =	simm.s32 $0x1;
	s5 =	sshll.u32 s3, $0x4  }
0x5: {  	s10 =	simm.s32 $0x3400;
	s11 =	simm.s32 $0x0;
	s5 =	sor.u32 s1, s5  }
0x6: {  	[smem:$0x7FF] =	sst s2;
	s6 =	ssub.s32 $0x2, s3;
	s5 =	smul.u32 $0x680, s5  }
0x7: {  	s0 =	rddreg [dreg:$0x1];
	_ =	strace $0x8000004A;
	s31 =	sshrl.u32 s6, $0x1  }
0x8: {  	s3 =	sadd.s32 $0x27200, s4;
	s6 =	ssub.s32 s6, s31;
	s5 =	sadd.s32 s5, s4  }
0x9: {  	s6 =	smax.u32 s6, $0x1;
	s4 =	sadd.s32 $0x1A200, s5;
	s5 =	sadd.s32 $0x1200, s5  }
.LBB2_1:
0xa: {  	[tilespmem:s2], [sflag:$0x2] =	stream.linear.gather [hbm4b:s4+s2], $0x3100, $0x38;
	[tilespmem:$0x6800] =	vst v63  }
0xb: {  	_ =	swait.ge [sflag:s7], $0x3100  }
0xc: {  	[sflag:s7] =	ssyncset.done $0x0  }
0xd: {  	s12 =	simm.s32 $0x0;
	s13 =	simm.s32 $0x3400;
	[sflag:s7] =	ssyncadd.s32 $0xFFFFCF00  }
0xe: {  	[tilespmem:s13], [sflag:$0x1] =	stream.indirect.gather [hbm4b:s3+s8], $0x1, s12, s8, $0xb8;
	[tilespmem:$0x6800] =	vst v63  }
0xf: {  	s23 =	simm.s32 $0x3480;
	s24 =	simm.s32 $0x80  }
0x10: {  	[tilespmem:s23], [sflag:$0x1] =	stream.indirect.gather [hbm4b:s3+s8], $0x1, s24, s8, $0xb8;
	[tilespmem:$0x6800] =	vst v63  }
0x11: {  	s25 =	simm.s32 $0x3500;
	s26 =	simm.s32 $0x100  }
0x12: {  	[tilespmem:s25], [sflag:$0x1] =	stream.indirect.gather [hbm4b:s3+s8], $0x1, s26, s8, $0xb8;
	[tilespmem:$0x6800] =	vst v63  }
0x13: {  	s28 =	simm.s32 $0x3580;
	s29 =	simm.s32 $0x180  }
0x14: {  	[tilespmem:s28], [sflag:$0x1] =	stream.indirect.gather [hbm4b:s3+s8], $0x1, s29, s8, $0xb8;
	[tilespmem:$0x6800] =	vst v63  }
0x15: {  	s30 =	simm.s32 $0x3600;
	s31 =	simm.s32 $0x200  }
0x16: {  	[tilespmem:s30], [sflag:$0x1] =	stream.indirect.gather [hbm4b:s3+s8], $0x1, s31, s8, $0xb8;
	[tilespmem:$0x6800] =	vst v63  }
0x17: {  	s14 =	simm.s32 $0x280;
	s13 =	simm.s32 $0x3680  }
0x18: {  	[tilespmem:s13], [sflag:$0x1] =	stream.indirect.gather [hbm4b:s3+s8], $0x1, s14, s8, $0xb8;
	[tilespmem:$0x6800] =	vst v63  }
0x19: {  	s15 =	simm.s32 $0x3700;
	s16 =	simm.s32 $0x300  }
0x1a: {  	[tilespmem:s15], [sflag:$0x1] =	stream.indirect.gather [hbm4b:s3+s8], $0x1, s16, s8, $0xb8;
	[tilespmem:$0x6800] =	vst v63  }
0x1b: {  	s17 =	simm.s32 $0x3780;
	s18 =	simm.s32 $0x380  }
0x1c: {  	[tilespmem:s17], [sflag:$0x1] =	stream.indirect.gather [hbm4b:s3+s8], $0x1, s18, s8, $0xb8;
	[tilespmem:$0x6800] =	vst v63  }
0x1d: {  	s19 =	simm.s32 $0x3800;
	s20 =	simm.s32 $0x400  }
0x1e: {  	[tilespmem:s19], [sflag:$0x1] =	stream.indirect.gather [hbm4b:s3+s8], $0x1, s20, s8, $0xb8;
	[tilespmem:$0x6800] =	vst v63  }
0x1f: {  	s21 =	simm.s32 $0x3880;
	s22 =	simm.s32 $0x480  }
0x20: {  	[tilespmem:s21], [sflag:$0x1] =	stream.indirect.gather [hbm4b:s3+s8], $0x1, s22, s8, $0xb8;
	[tilespmem:$0x6800] =	vst v63  }
0x21: {  	s23 =	simm.s32 $0x3900;
	s24 =	simm.s32 $0x500  }
0x22: {  	[tilespmem:s23], [sflag:$0x1] =	stream.indirect.gather [hbm4b:s3+s8], $0x1, s24, s8, $0xb8;
	[tilespmem:$0x6800] =	vst v63  }
0x23: {  	s25 =	simm.s32 $0x3980;
	s26 =	simm.s32 $0x580  }
0x24: {  	[tilespmem:s25], [sflag:$0x1] =	stream.indirect.gather [hbm4b:s3+s8], $0x1, s26, s8, $0xb8;
	[tilespmem:$0x6800] =	vst v63  }
0x25: {  	s28 =	simm.s32 $0x3A00;
	s29 =	simm.s32 $0x600  }
0x26: {  	[tilespmem:s28], [sflag:$0x1] =	stream.indirect.gather [hbm4b:s3+s8], $0x1, s29, s8, $0xb8;
	[tilespmem:$0x6800] =	vst v63  }
0x27: {  	s30 =	simm.s32 $0x3A80;
	s31 =	simm.s32 $0x680  }
0x28: {  	[tilespmem:s30], [sflag:$0x1] =	stream.indirect.gather [hbm4b:s3+s8], $0x1, s31, s8, $0xb8;
	[tilespmem:$0x6800] =	vst v63  }
0x29: {  	_ =	swait.ge [sflag:s9], $0x80  }
0x2a: {  	[sflag:s9] =	ssyncset.done $0x0  }
0x2b: {  	[sflag:s9] =	ssyncadd.s32 $0xFFFFFF80  }
0x2c: {  	_ =	swait.ge [sflag:s9], $0x80  }
0x2d: {  	[sflag:s9] =	ssyncset.done $0x0  }
0x2e: {  	[sflag:s9] =	ssyncadd.s32 $0xFFFFFF80  }
0x2f: {  	_ =	swait.ge [sflag:s9], $0x80  }
0x30: {  	[sflag:s9] =	ssyncset.done $0x0  }
0x31: {  	[sflag:s9] =	ssyncadd.s32 $0xFFFFFF80  }
0x32: {  	_ =	swait.ge [sflag:s9], $0x80  }
0x33: {  	[sflag:s9] =	ssyncset.done $0x0  }
0x34: {  	[sflag:s9] =	ssyncadd.s32 $0xFFFFFF80  }
0x35: {  	_ =	swait.ge [sflag:s9], $0x80  }
0x36: {  	[sflag:s9] =	ssyncset.done $0x0  }
0x37: {  	[sflag:s9] =	ssyncadd.s32 $0xFFFFFF80  }
0x38: {  	_ =	swait.ge [sflag:s9], $0x80  }
0x39: {  	[sflag:s9] =	ssyncset.done $0x0  }
0x3a: {  	[sflag:s9] =	ssyncadd.s32 $0xFFFFFF80  }
0x3b: {  	_ =	swait.ge [sflag:s9], $0x80  }
0x3c: {  	[sflag:s9] =	ssyncset.done $0x0  }
0x3d: {  	[sflag:s9] =	ssyncadd.s32 $0xFFFFFF80  }
0x3e: {  	_ =	swait.ge [sflag:s9], $0x80  }
0x3f: {  	[sflag:s9] =	ssyncset.done $0x0  }
0x40: {  	[sflag:s9] =	ssyncadd.s32 $0xFFFFFF80  }
0x41: {  	_ =	swait.ge [sflag:s9], $0x80  }
0x42: {  	[sflag:s9] =	ssyncset.done $0x0  }
0x43: {  	[sflag:s9] =	ssyncadd.s32 $0xFFFFFF80  }
0x44: {  	_ =	swait.ge [sflag:s9], $0x80  }
0x45: {  	[sflag:s9] =	ssyncset.done $0x0  }
0x46: {  	[sflag:s9] =	ssyncadd.s32 $0xFFFFFF80  }
0x47: {  	_ =	swait.ge [sflag:s9], $0x80  }
0x48: {  	[sflag:s9] =	ssyncset.done $0x0  }
0x49: {  	[sflag:s9] =	ssyncadd.s32 $0xFFFFFF80  }
0x4a: {  	_ =	swait.ge [sflag:s9], $0x80  }
0x4b: {  	[sflag:s9] =	ssyncset.done $0x0  }
0x4c: {  	[sflag:s9] =	ssyncadd.s32 $0xFFFFFF80  }
0x4d: {  	_ =	swait.ge [sflag:s9], $0x80  }
0x4e: {  	[sflag:s9] =	ssyncset.done $0x0  }
0x4f: {  	[sflag:s9] =	ssyncadd.s32 $0xFFFFFF80  }
0x50: {  	_ =	swait.ge [sflag:s9], $0x80  }
0x51: {  	s14 =	simm.s32 $0x700;
	s15 =	simm.s32 $0x3800;
	[sflag:s9] =	ssyncset.done $0x0  }
.LBB2_2:
0x52: {  	s16 =	sadd.s32 $0x3400, s14  }
0x53: {  	[sflag:s9] =	ssyncadd.s32 $0xFFFFFF80;
	s13 =	smov.u32 s15;
	s12 =	sadd.s32 $0x1C00, s15  }
0x54: {  	[tilespmem:s16], [sflag:$0x1] =	stream.indirect.gather [hbm4b:s3+s8], $0x1, s14, s8, $0xb8;
	[tilespmem:$0x6800] =	vst v63  }
0x55: {  	p0 =	sne.s32 s15, $0xA800;
	s15 =	sadd.s32 $0x3480, s14;
	s16 =	sadd.s32 $0x80, s14  }
0x56: {  	[tilespmem:s15], [sflag:$0x1] =	stream.indirect.gather [hbm4b:s3+s8], $0x1, s16, s8, $0xb8;
	[tilespmem:$0x6800] =	vst v63  }
0x57: {  	s15 =	sadd.s32 $0x3500, s14;
	s16 =	sadd.s32 $0x100, s14  }
0x58: {  	[tilespmem:s15], [sflag:$0x1] =	stream.indirect.gather [hbm4b:s3+s8], $0x1, s16, s8, $0xb8;
	[tilespmem:$0x6800] =	vst v63  }
0x59: {  	s15 =	sadd.s32 $0x3580, s14;
	s16 =	sadd.s32 $0x180, s14  }
0x5a: {  	[tilespmem:s15], [sflag:$0x1] =	stream.indirect.gather [hbm4b:s3+s8], $0x1, s16, s8, $0xb8;
	[tilespmem:$0x6800] =	vst v63  }
0x5b: {  	s15 =	sadd.s32 $0x3600, s14;
	s16 =	sadd.s32 $0x200, s14  }
0x5c: {  	[tilespmem:s15], [sflag:$0x1] =	stream.indirect.gather [hbm4b:s3+s8], $0x1, s16, s8, $0xb8;
	[tilespmem:$0x6800] =	vst v63  }
0x5d: {  	s15 =	sadd.s32 $0x3680, s14;
	s16 =	sadd.s32 $0x280, s14  }
0x5e: {  	[tilespmem:s15], [sflag:$0x1] =	stream.indirect.gather [hbm4b:s3+s8], $0x1, s16, s8, $0xb8;
	[tilespmem:$0x6800] =	vst v63  }
0x5f: {  	s15 =	sadd.s32 $0x3700, s14;
	s16 =	sadd.s32 $0x300, s14  }
0x60: {  	[tilespmem:s15], [sflag:$0x1] =	stream.indirect.gather [hbm4b:s3+s8], $0x1, s16, s8, $0xb8;
	[tilespmem:$0x6800] =	vst v63  }
0x61: {  	s15 =	sadd.s32 $0x3780, s14;
	s16 =	sadd.s32 $0x380, s14  }
0x62: {  	[tilespmem:s15], [sflag:$0x1] =	stream.indirect.gather [hbm4b:s3+s8], $0x1, s16, s8, $0xb8;
	[tilespmem:$0x6800] =	vst v63  }
0x63: {  	s15 =	sadd.s32 $0x3800, s14;
	s16 =	sadd.s32 $0x400, s14  }
0x64: {  	[tilespmem:s15], [sflag:$0x1] =	stream.indirect.gather [hbm4b:s3+s8], $0x1, s16, s8, $0xb8;
	[tilespmem:$0x6800] =	vst v63  }
0x65: {  	s15 =	sadd.s32 $0x3880, s14;
	s16 =	sadd.s32 $0x480, s14  }
0x66: {  	[tilespmem:s15], [sflag:$0x1] =	stream.indirect.gather [hbm4b:s3+s8], $0x1, s16, s8, $0xb8;
	[tilespmem:$0x6800] =	vst v63  }
0x67: {  	s15 =	sadd.s32 $0x3900, s14;
	s16 =	sadd.s32 $0x500, s14  }
0x68: {  	[tilespmem:s15], [sflag:$0x1] =	stream.indirect.gather [hbm4b:s3+s8], $0x1, s16, s8, $0xb8;
	[tilespmem:$0x6800] =	vst v63  }
0x69: {  	s15 =	sadd.s32 $0x3980, s14;
	s16 =	sadd.s32 $0x580, s14  }
0x6a: {  	[tilespmem:s15], [sflag:$0x1] =	stream.indirect.gather [hbm4b:s3+s8], $0x1, s16, s8, $0xb8;
	[tilespmem:$0x6800] =	vst v63  }
0x6b: {  	s15 =	sadd.s32 $0x3A00, s14;
	s16 =	sadd.s32 $0x600, s14  }
0x6c: {  	[tilespmem:s15], [sflag:$0x1] =	stream.indirect.gather [hbm4b:s3+s8], $0x1, s16, s8, $0xb8;
	[tilespmem:$0x6800] =	vst v63  }
0x6d: {  	s15 =	sadd.s32 $0x3A80, s14;
	s14 =	sadd.s32 $0x680, s14  }
0x6e: {  	[tilespmem:s15], [sflag:$0x1] =	stream.indirect.gather [hbm4b:s3+s8], $0x1, s14, s8, $0xb8;
	[tilespmem:$0x6800] =	vst v63  }
0x6f: {  	_ =	swait.ge [sflag:s9], $0x80  }
0x70: {  	[sflag:s9] =	ssyncset.done $0x0  }
0x71: {  	[sflag:s9] =	ssyncadd.s32 $0xFFFFFF80  }
0x72: {  	_ =	swait.ge [sflag:s9], $0x80  }
0x73: {  	[sflag:s9] =	ssyncset.done $0x0  }
0x74: {  	[sflag:s9] =	ssyncadd.s32 $0xFFFFFF80  }
0x75: {  	_ =	swait.ge [sflag:s9], $0x80  }
0x76: {  	[sflag:s9] =	ssyncset.done $0x0  }
0x77: {  	[sflag:s9] =	ssyncadd.s32 $0xFFFFFF80  }
0x78: {  	_ =	swait.ge [sflag:s9], $0x80  }
0x79: {  	[sflag:s9] =	ssyncset.done $0x0  }
0x7a: {  	[sflag:s9] =	ssyncadd.s32 $0xFFFFFF80  }
0x7b: {  	_ =	swait.ge [sflag:s9], $0x80  }
0x7c: {  	[sflag:s9] =	ssyncset.done $0x0  }
0x7d: {  	[sflag:s9] =	ssyncadd.s32 $0xFFFFFF80  }
0x7e: {  	_ =	swait.ge [sflag:s9], $0x80  }
0x7f: {  	[sflag:s9] =	ssyncset.done $0x0  }
0x80: {  	[sflag:s9] =	ssyncadd.s32 $0xFFFFFF80  }
0x81: {  	_ =	swait.ge [sflag:s9], $0x80  }
0x82: {  	[sflag:s9] =	ssyncset.done $0x0  }
0x83: {  	[sflag:s9] =	ssyncadd.s32 $0xFFFFFF80  }
0x84: {  	_ =	swait.ge [sflag:s9], $0x80  }
0x85: {  	[sflag:s9] =	ssyncset.done $0x0  }
0x86: {  	[sflag:s9] =	ssyncadd.s32 $0xFFFFFF80  }
0x87: {  	_ =	swait.ge [sflag:s9], $0x80  }
0x88: {  	[sflag:s9] =	ssyncset.done $0x0  }
0x89: {  	[sflag:s9] =	ssyncadd.s32 $0xFFFFFF80  }
0x8a: {  	_ =	swait.ge [sflag:s9], $0x80  }
0x8b: {  	[sflag:s9] =	ssyncset.done $0x0  }
0x8c: {  	[sflag:s9] =	ssyncadd.s32 $0xFFFFFF80  }
0x8d: {  	_ =	swait.ge [sflag:s9], $0x80  }
0x8e: {  	[sflag:s9] =	ssyncset.done $0x0  }
0x8f: {  	[sflag:s9] =	ssyncadd.s32 $0xFFFFFF80  }
0x90: {  	_ =	swait.ge [sflag:s9], $0x80  }
0x91: {  	[sflag:s9] =	ssyncset.done $0x0  }
0x92: {  	[sflag:s9] =	ssyncadd.s32 $0xFFFFFF80  }
.Ltmp0:
0x93: {  	_ =	swait.ge [sflag:s9], $0x80;
	(pc) =	sbr.rel @p0 .LBB2_2-.Ltmp0, $4  }
0x94: {  	[sflag:s9] =	ssyncset.done $0x0  }
0x95: {  	[sflag:s9] =	ssyncadd.s32 $0xFFFFFF80  }
0x96: {  	_ =	swait.ge [sflag:s9], $0x80  }
0x97: {  	s14 =	sshra.s32 s13, $0x2;
	s15 =	smov.u32 s12;
	[sflag:s9] =	ssyncset.done $0x0  }
0x98: {  	s12 =	sadd.s32 $0x3400, s14;
	[sflag:s9] =	ssyncadd.s32 $0xFFFFFF80  }
0x99: {  	[tilespmem:s12], [sflag:$0x1] =	stream.indirect.gather [hbm4b:s3+s8], $0x1, s14, s8, $0xb8;
	[tilespmem:$0x6800] =	vst v63  }
0x9a: {  	s22 =	sadd.s32 $0x3480, s14;
	s13 =	sadd.s32 $0x80, s14  }
0x9b: {  	[tilespmem:s22], [sflag:$0x1] =	stream.indirect.gather [hbm4b:s3+s8], $0x1, s13, s8, $0xb8;
	[tilespmem:$0x6800] =	vst v63  }
0x9c: {  	s23 =	sadd.s32 $0x3500, s14;
	s24 =	sadd.s32 $0x100, s14  }
0x9d: {  	[tilespmem:s23], [sflag:$0x1] =	stream.indirect.gather [hbm4b:s3+s8], $0x1, s24, s8, $0xb8;
	[tilespmem:$0x6800] =	vst v63  }
0x9e: {  	s25 =	sadd.s32 $0x3580, s14;
	s26 =	sadd.s32 $0x180, s14  }
0x9f: {  	[tilespmem:s25], [sflag:$0x1] =	stream.indirect.gather [hbm4b:s3+s8], $0x1, s26, s8, $0xb8;
	[tilespmem:$0x6800] =	vst v63  }
0xa0: {  	s28 =	sadd.s32 $0x3600, s14;
	s29 =	sadd.s32 $0x200, s14  }
0xa1: {  	[tilespmem:s28], [sflag:$0x1] =	stream.indirect.gather [hbm4b:s3+s8], $0x1, s29, s8, $0xb8;
	[tilespmem:$0x6800] =	vst v63  }
0xa2: {  	s30 =	sadd.s32 $0x3680, s14;
	s31 =	sadd.s32 $0x280, s14  }
0xa3: {  	[tilespmem:s30], [sflag:$0x1] =	stream.indirect.gather [hbm4b:s3+s8], $0x1, s31, s8, $0xb8;
	[tilespmem:$0x6800] =	vst v63  }
0xa4: {  	s15 =	sadd.s32 $0x3700, s14;
	s16 =	sadd.s32 $0x300, s14  }
0xa5: {  	[tilespmem:s15], [sflag:$0x1] =	stream.indirect.gather [hbm4b:s3+s8], $0x1, s16, s8, $0xb8;
	[tilespmem:$0x6800] =	vst v63  }
0xa6: {  	s17 =	sadd.s32 $0x3780, s14;
	s18 =	sadd.s32 $0x380, s14  }
0xa7: {  	[tilespmem:s17], [sflag:$0x1] =	stream.indirect.gather [hbm4b:s3+s8], $0x1, s18, s8, $0xb8;
	[tilespmem:$0x6800] =	vst v63  }
0xa8: {  	s19 =	sadd.s32 $0x3800, s14;
	s20 =	sadd.s32 $0x400, s14  }
0xa9: {  	[tilespmem:s19], [sflag:$0x1] =	stream.indirect.gather [hbm4b:s3+s8], $0x1, s20, s8, $0xb8;
	[tilespmem:$0x6800] =	vst v63  }
0xaa: {  	s21 =	sadd.s32 $0x3880, s14;
	s22 =	sadd.s32 $0x480, s14  }
0xab: {  	[tilespmem:s21], [sflag:$0x1] =	stream.indirect.gather [hbm4b:s3+s8], $0x1, s22, s8, $0xb8;
	[tilespmem:$0x6800] =	vst v63  }
0xac: {  	s23 =	sadd.s32 $0x3900, s14;
	s24 =	sadd.s32 $0x500, s14  }
0xad: {  	[tilespmem:s23], [sflag:$0x1] =	stream.indirect.gather [hbm4b:s3+s8], $0x1, s24, s8, $0xb8;
	[tilespmem:$0x6800] =	vst v63  }
0xae: {  	s25 =	sadd.s32 $0x3980, s14;
	s26 =	sadd.s32 $0x580, s14  }
0xaf: {  	[tilespmem:s25], [sflag:$0x1] =	stream.indirect.gather [hbm4b:s3+s8], $0x1, s26, s8, $0xb8;
	[tilespmem:$0x6800] =	vst v63  }
0xb0: {  	s28 =	sadd.s32 $0x3A00, s14;
	s29 =	sadd.s32 $0x600, s14  }
0xb1: {  	[tilespmem:s28], [sflag:$0x1] =	stream.indirect.gather [hbm4b:s3+s8], $0x1, s29, s8, $0xb8;
	[tilespmem:$0x6800] =	vst v63  }
0xb2: {  	s30 =	sadd.s32 $0x3A80, s14;
	s31 =	sadd.s32 $0x680, s14  }
0xb3: {  	[tilespmem:s30], [sflag:$0x1] =	stream.indirect.gather [hbm4b:s3+s8], $0x1, s31, s8, $0xb8;
	[tilespmem:$0x6800] =	vst v63  }
0xb4: {  	_ =	swait.ge [sflag:s9], $0x80  }
0xb5: {  	[sflag:s9] =	ssyncset.done $0x0  }
0xb6: {  	[sflag:s9] =	ssyncadd.s32 $0xFFFFFF80  }
0xb7: {  	_ =	swait.ge [sflag:s9], $0x80  }
0xb8: {  	[sflag:s9] =	ssyncset.done $0x0  }
0xb9: {  	[sflag:s9] =	ssyncadd.s32 $0xFFFFFF80  }
0xba: {  	_ =	swait.ge [sflag:s9], $0x80  }
0xbb: {  	[sflag:s9] =	ssyncset.done $0x0  }
0xbc: {  	[sflag:s9] =	ssyncadd.s32 $0xFFFFFF80  }
0xbd: {  	_ =	swait.ge [sflag:s9], $0x80  }
0xbe: {  	[sflag:s9] =	ssyncset.done $0x0  }
0xbf: {  	[sflag:s9] =	ssyncadd.s32 $0xFFFFFF80  }
0xc0: {  	_ =	swait.ge [sflag:s9], $0x80  }
0xc1: {  	[sflag:s9] =	ssyncset.done $0x0  }
0xc2: {  	[sflag:s9] =	ssyncadd.s32 $0xFFFFFF80  }
0xc3: {  	_ =	swait.ge [sflag:s9], $0x80  }
0xc4: {  	[sflag:s9] =	ssyncset.done $0x0  }
0xc5: {  	[sflag:s9] =	ssyncadd.s32 $0xFFFFFF80  }
0xc6: {  	_ =	swait.ge [sflag:s9], $0x80  }
0xc7: {  	[sflag:s9] =	ssyncset.done $0x0  }
0xc8: {  	[sflag:s9] =	ssyncadd.s32 $0xFFFFFF80  }
0xc9: {  	_ =	swait.ge [sflag:s9], $0x80  }
0xca: {  	[sflag:s9] =	ssyncset.done $0x0  }
0xcb: {  	[sflag:s9] =	ssyncadd.s32 $0xFFFFFF80  }
0xcc: {  	_ =	swait.ge [sflag:s9], $0x80  }
0xcd: {  	[sflag:s9] =	ssyncset.done $0x0  }
0xce: {  	[sflag:s9] =	ssyncadd.s32 $0xFFFFFF80  }
0xcf: {  	_ =	swait.ge [sflag:s9], $0x80  }
0xd0: {  	[sflag:s9] =	ssyncset.done $0x0  }
0xd1: {  	[sflag:s9] =	ssyncadd.s32 $0xFFFFFF80  }
0xd2: {  	_ =	swait.ge [sflag:s9], $0x80  }
0xd3: {  	[sflag:s9] =	ssyncset.done $0x0  }
0xd4: {  	[sflag:s9] =	ssyncadd.s32 $0xFFFFFF80  }
0xd5: {  	_ =	swait.ge [sflag:s9], $0x80  }
0xd6: {  	[sflag:s9] =	ssyncset.done $0x0  }
0xd7: {  	[sflag:s9] =	ssyncadd.s32 $0xFFFFFF80  }
0xd8: {  	_ =	swait.ge [sflag:s9], $0x80  }
0xd9: {  	[sflag:s9] =	ssyncset.done $0x0  }
0xda: {  	[sflag:s9] =	ssyncadd.s32 $0xFFFFFF80  }
0xdb: {  	s11 =	sadd.s32 $0x1, s11;
	_ =	swait.ge [sflag:s9], $0x80  }
0xdc: {  	p0 =	sne.s32 s11, s6;
	[sflag:s9] =	ssyncset.done $0x0  }
.Ltmp1:
0xdd: {  	[sflag:s9] =	ssyncadd.s32 $0xFFFFFF80;
	(pc) =	sbr.rel @p0 .LBB2_1-.Ltmp1, $4  }
0xde: {  	[hbm4b:s5+s2] =	stream.linear.scatter [tilespmem:s10], [sflag:$0x2], $0x3100, $0x38;
	[tilespmem:$0x6800] =	vst v63  }
0xdf: {  	_ =	swait.ge [sflag:s7], $0x3100  }
0xe0: {  	[sflag:s7] =	ssyncset.done $0x0  }
0xe1: {  	[sflag:s7] =	ssyncadd.s32 $0xFFFFCF00  }
0xe2: {  	_ =	sfence.sel $0x180000  }
0xe3: {  	[bflag:$0x0] =	sbarrier.arrive $0xFFFF  }
0xe4: {  	p0 =	sne.s32 s1, $0x0;
	_ =	strace $0x9000004A  }
0xe5: {  	s0 =	sadd.s32 @!p0 $0x100000, s0;
	[bflag:$0x2] =	sbarrier.arrive $0xFFFF  }
0xe6: {  	[sflag:s0] =	ssyncadd.tile.s32 @!p0 $0x1;
	_ =	shalt  }
.Lfunc_end2:
_tile_overlayer_lowered:
.L_overlay_start_2:
0xe7: {  	(tag) =	ssettag $0x2  }
0xe8: {  	s0 =	rddreg [dreg:$0x0];
	s2 =	stileid.u32  }
0xe9: {  	s1 =	rddreg [dreg:$0x1];
	p0 =	sne.s32 s2, $0x0  }
0xea: {  	s3 =	rddreg [dreg:$0x2];
	[bflag:$0x3] =	sbarrier.arrive $0xFFFF;
	s2 =	simm.s32 @!p0 $0x1C02  }
0xeb: {  	[timem:s3], [sflag:s2] =	dma.local @!p0 [hbm:s0], s1  }
0xec: {  	s0 =	simm.s32 @!p0 $0x2  }
0xed: {  	_ =	swait.ge @!p0 [sflag:s0], s1  }
0xee: {  	s1 =	ssub.s32 @!p0 $0x0, s1;
	[sflag:s0] =	ssyncset.done @!p0 $0x0  }
0xef: {  	[sflag:s0] =	ssyncadd.s32 @!p0 s1  }
0xf0: {  	[bflag:$0x3] =	sbarrier.arrive $0xFFFF  }
0xf1: {  	_ =	shalt  }

</sc_bundles>
